<compile_context>
chip_gen: v7x
topology: tpu7x:2x2x1
jax: 0.10.2.dev20260603
libtpu: 0.0.44.dev20260713+nightly
codegen_flags: <defaults>
</compile_context>

<pallas_src>
import functools

import jax
import jax.numpy as jnp
from jax import lax
from jax.experimental import pallas as pl
from jax.experimental.pallas import tpu as pltpu
from jax.experimental.pallas import tpu_sc as plsc

F32 = jnp.float32
I32 = jnp.int32

NC = 2
NS = 16
NW = NC * NS

CH = 80
W128 = 128



def _layer_body(fin, h, s0_ref, s1_ref, c0_ref, c1_ref, hp_ref, wl_ref, wr_ref,
                b_ref, out_ref):
    cnt = c0_ref[:, :1] + c1_ref[:, :1]
    mean = (s0_ref[:, :fin] + s1_ref[:, :fin]) / jnp.maximum(cnt, 1.0)
    hv = hp_ref[:, :fin]
    o = (jnp.dot(mean, wl_ref[...], preferred_element_type=F32)
         + jnp.dot(hv, wr_ref[...], preferred_element_type=F32) + b_ref[...])
    out_ref[:, :h] = jnp.maximum(o, 0.0)
    out_ref[:, h:] = jnp.zeros((o.shape[0], W128 - h), F32)


def _layer_call(s0, s1, c0, c1, hp, wl, wr, b, block_n=512):
    n = s0.shape[0]
    fin, h = wl.shape
    grid = (pl.cdiv(n, block_n),)
    return pl.pallas_call(
        functools.partial(_layer_body, fin, h),
        grid=grid,
        in_specs=[
            pl.BlockSpec((block_n, W128), lambda i: (i, 0)),
            pl.BlockSpec((block_n, W128), lambda i: (i, 0)),
            pl.BlockSpec((block_n, W128), lambda i: (i, 0)),
            pl.BlockSpec((block_n, W128), lambda i: (i, 0)),
            pl.BlockSpec((block_n, W128), lambda i: (i, 0)),
            pl.BlockSpec((fin, h), lambda i: (0, 0)),
            pl.BlockSpec((fin, h), lambda i: (0, 0)),
            pl.BlockSpec((1, h), lambda i: (0, 0)),
        ],
        out_specs=pl.BlockSpec((block_n, W128), lambda i: (i, 0)),
        out_shape=jax.ShapeDtypeStruct((n, W128), F32),
    )(s0, s1, c0, c1, hp, wl, wr, b)


def _rank_body(n, br_blk, bc_blk, keyr_ref, batr_ref, keyc_ref, batc_ref,
               rank_ref):
    i = pl.program_id(0)
    j = pl.program_id(1)

    @pl.when(j == 0)
    def _():
        rank_ref[...] = jnp.zeros_like(rank_ref)

    rowid = i * br_blk + lax.broadcasted_iota(I32, (br_blk, 1), 0)
    colid = j * bc_blk + lax.broadcasted_iota(I32, (1, bc_blk), 1)
    rvalid = rowid < n
    cvalid = colid < n
    br = batr_ref[...]
    bc = batc_ref[...]
    bmin_r = jnp.min(jnp.where(rvalid, br, 2147483647))
    bmax_r = jnp.max(jnp.where(rvalid, br, -1))
    bmin_c = jnp.min(jnp.where(cvalid, bc, 2147483647))
    bmax_c = jnp.max(jnp.where(cvalid, bc, -1))

    @pl.when((bmin_r <= bmax_c) & (bmin_c <= bmax_r))
    def _():
        kr = keyr_ref[...]
        kc = keyc_ref[...]
        earlier = (kc > kr) | ((kc == kr) & (colid < rowid))
        cond = (bc == br) & cvalid & earlier
        rank_ref[...] += jnp.sum(cond.astype(I32), axis=1, keepdims=True)


def _rank_call(keyr, batr, keyc, batc, block=512):
    n = keyr.shape[0]
    grid = (pl.cdiv(n, block), pl.cdiv(n, block))
    return pl.pallas_call(
        functools.partial(_rank_body, n, block, block),
        grid=grid,
        in_specs=[
            pl.BlockSpec((block, 1), lambda i, j: (i, 0)),
            pl.BlockSpec((block, 1), lambda i, j: (i, 0)),
            pl.BlockSpec((1, block), lambda i, j: (0, j)),
            pl.BlockSpec((1, block), lambda i, j: (0, j)),
        ],
        out_specs=pl.BlockSpec((block, 1), lambda i, j: (i, 0)),
        out_shape=jax.ShapeDtypeStruct((n, 1), I32),
    )(keyr, batr, keyc, batc)


def _mlp_body(x_ref, w1_ref, b1_ref, w2_ref, b2_ref, out_ref):
    hv = jnp.maximum(
        jnp.dot(x_ref[...], w1_ref[...], preferred_element_type=F32)
        + b1_ref[...], 0.0)
    o = jnp.dot(hv, w2_ref[...], preferred_element_type=F32) + b2_ref[...]
    m = jnp.max(o, axis=-1, keepdims=True)
    e = jnp.exp(o - m)
    out_ref[...] = (o - m) - jnp.log(jnp.sum(e, axis=-1, keepdims=True))


def _mlp_call(x, w1, b1, w2, b2):
    g, d = x.shape
    h = w1.shape[1]
    c = w2.shape[1]
    return pl.pallas_call(
        _mlp_body,
        in_specs=[
            pl.BlockSpec((g, d), lambda: (0, 0)),
            pl.BlockSpec((d, h), lambda: (0, 0)),
            pl.BlockSpec((1, h), lambda: (0, 0)),
            pl.BlockSpec((h, c), lambda: (0, 0)),
            pl.BlockSpec((1, c), lambda: (0, 0)),
        ],
        out_specs=pl.BlockSpec((g, c), lambda: (0, 0)),
        out_shape=jax.ShapeDtypeStruct((g, c), F32),
    )(x, w1, b1, w2, b2)



def _make_agg_kernel(n, e):
    nchunks = e // CH
    rps = (n // NS) & ~7
    tail = n - NS * rps
    mesh = plsc.VectorSubcoreMesh(core_axis_name="c", subcore_axis_name="s")

    iters = nchunks // NW
    assert iters % 2 == 1 and iters >= 3

    @functools.partial(
        pl.kernel,
        out_type=jax.ShapeDtypeStruct((NC * n, W128), F32),
        mesh=mesh,
        scratch_types=[
            pltpu.VMEM((CH,), I32),
            pltpu.VMEM((CH,), I32),
            pltpu.VMEM((CH,), I32),
            pltpu.VMEM((CH,), I32),
            pltpu.VMEM((CH, W128), F32),
            pltpu.VMEM((CH, W128), F32),
            pltpu.VMEM_SHARED((n, W128), F32),
            pltpu.SemaphoreType.DMA,
            pltpu.SemaphoreType.DMA,
        ],
    )
    def agg(p_hbm, src_hbm, dst_hbm, zeros_hbm, out_hbm,
            sidx_a, didx_a, sidx_b, didx_b, rows_a, rows_b, acc_sh,
            sem_a, sem_b):
        c = lax.axis_index("c")
        s = lax.axis_index("s")
        w = s * NC + c
        pltpu.sync_copy(zeros_hbm.at[pl.ds(s * rps, rps)],
                        acc_sh.at[pl.ds(s * rps, rps)])
        if tail:
            @pl.when(s == 0)
            def _():
                pltpu.sync_copy(zeros_hbm.at[pl.ds(NS * rps, tail)],
                                acc_sh.at[pl.ds(NS * rps, tail)])
        plsc.subcore_barrier()

        def off(j):
            return (w + NW * j) * CH

        pltpu.sync_copy(src_hbm.at[pl.ds(off(0), CH)], sidx_a)
        pltpu.sync_copy(dst_hbm.at[pl.ds(off(0), CH)], didx_a)
        pltpu.async_copy(p_hbm.at[sidx_a], rows_a, sem_a)

        def body(g, carry):
            ca = 2 * g
            cb = ca + 1
            cn = ca + 2
            pltpu.sync_copy(src_hbm.at[pl.ds(off(cb), CH)], sidx_b)
            pltpu.sync_copy(dst_hbm.at[pl.ds(off(cb), CH)], didx_b)
            pltpu.async_copy(p_hbm.at[sidx_b], rows_b, sem_b)
            pltpu.make_async_copy(p_hbm.at[sidx_a], rows_a, sem_a).wait()
            pltpu.sync_copy(rows_a, acc_sh.at[didx_a], add=True)
            pltpu.sync_copy(src_hbm.at[pl.ds(off(cn), CH)], sidx_a)
            pltpu.sync_copy(dst_hbm.at[pl.ds(off(cn), CH)], didx_a)
            pltpu.async_copy(p_hbm.at[sidx_a], rows_a, sem_a)
            pltpu.make_async_copy(p_hbm.at[sidx_b], rows_b, sem_b).wait()
            pltpu.sync_copy(rows_b, acc_sh.at[didx_b], add=True)
            return carry

        lax.fori_loop(0, (iters - 1) // 2, body, 0)
        pltpu.make_async_copy(p_hbm.at[sidx_a], rows_a, sem_a).wait()
        pltpu.sync_copy(rows_a, acc_sh.at[didx_a], add=True)
        plsc.subcore_barrier()
        pltpu.sync_copy(acc_sh.at[pl.ds(s * rps, rps)],
                        out_hbm.at[pl.ds(c * n + s * rps, rps)])
        if tail:
            @pl.when(s == 0)
            def _():
                pltpu.sync_copy(acc_sh.at[pl.ds(NS * rps, tail)],
                                out_hbm.at[pl.ds(c * n + NS * rps, tail)])

    return agg


def _make_cnt_kernel(n, e):
    nchunks = e // CH
    rps = (n // NS) & ~7
    tail = n - NS * rps
    mesh = plsc.VectorSubcoreMesh(core_axis_name="c", subcore_axis_name="s")

    @functools.partial(
        pl.kernel,
        out_type=jax.ShapeDtypeStruct((NC * n, W128), F32),
        mesh=mesh,
        scratch_types=[
            pltpu.VMEM((CH,), I32),
            pltpu.VMEM((CH, W128), F32),
            pltpu.VMEM_SHARED((n, W128), F32),
        ],
    )
    def cnt(dst_hbm, ones_hbm, zeros_hbm, out_hbm, didx_v, ones_v, acc_sh):
        c = lax.axis_index("c")
        s = lax.axis_index("s")
        w = s * NC + c
        pltpu.sync_copy(ones_hbm, ones_v)
        pltpu.sync_copy(zeros_hbm.at[pl.ds(s * rps, rps)],
                        acc_sh.at[pl.ds(s * rps, rps)])
        if tail:
            @pl.when(s == 0)
            def _():
                pltpu.sync_copy(zeros_hbm.at[pl.ds(NS * rps, tail)],
                                acc_sh.at[pl.ds(NS * rps, tail)])
        plsc.subcore_barrier()

        def body(j, carry):
            off = (w + NW * j) * CH
            pltpu.sync_copy(dst_hbm.at[pl.ds(off, CH)], didx_v)
            pltpu.sync_copy(ones_v, acc_sh.at[didx_v], add=True)
            return carry

        lax.fori_loop(0, nchunks // NW, body, 0)
        plsc.subcore_barrier()
        pltpu.sync_copy(acc_sh.at[pl.ds(s * rps, rps)],
                        out_hbm.at[pl.ds(c * n + s * rps, rps)])
        if tail:
            @pl.when(s == 0)
            def _():
                pltpu.sync_copy(acc_sh.at[pl.ds(NS * rps, tail)],
                                out_hbm.at[pl.ds(c * n + NS * rps, tail)])

    return cnt


def _make_pool_kernel(n, num_graphs, k):
    nvalid = num_graphs * k
    out_rows = nvalid + NS
    rows_per_sub = -(-out_rows // (NS * 8)) * 8
    out_rows = rows_per_sub * NS
    nchunks = n // CH
    mesh = plsc.VectorSubcoreMesh(core_axis_name="c", subcore_axis_name="s",
                                  num_cores=1)

    @functools.partial(
        pl.kernel,
        out_type=jax.ShapeDtypeStruct((out_rows, W128), F32),
        mesh=mesh,
        scratch_types=[
            pltpu.VMEM((CH,), I32),
            pltpu.VMEM((CH,), I32),
            pltpu.VMEM((CH,), I32),
            pltpu.VMEM((CH, W128), F32),
            pltpu.SemaphoreType.DMA,
        ],
    )
    def pool(h_hbm, rank_hbm, batch_hbm, zeros_hbm, out_hbm,
             rank_v, bat_v, slot_v, rows_v, sem):
        s = lax.axis_index("s")
        pltpu.sync_copy(zeros_hbm.at[pl.ds(s * rows_per_sub, rows_per_sub)],
                        out_hbm.at[pl.ds(s * rows_per_sub, rows_per_sub)])
        plsc.subcore_barrier()

        def body(j, carry):
            chunk = s + NS * j

            @pl.when(chunk < nchunks)
            def _():
                off = chunk * CH
                pltpu.sync_copy(rank_hbm.at[pl.ds(off, CH)], rank_v)
                pltpu.sync_copy(batch_hbm.at[pl.ds(off, CH)], bat_v)
                pltpu.sync_copy(h_hbm.at[pl.ds(off, CH)], rows_v)
                for v in range(CH // 16):
                    rv = rank_v[pl.ds(v * 16, 16)]
                    bv = bat_v[pl.ds(v * 16, 16)]
                    slot_v[pl.ds(v * 16, 16)] = jnp.where(
                        rv < k, bv * k + rv, nvalid + s)
                pltpu.async_copy(rows_v, out_hbm.at[slot_v], sem).wait()
            return carry

        lax.fori_loop(0, -(-nchunks // NS), body, 0)

    return pool



def kernel(x, edge_index, batch, W1_l, W1_r, b1, W2_l, W2_r, b2,
           W3_l, W3_r, b3, Wlin1, blin1, Wlin2, blin2):
    n, fin = x.shape
    e = edge_index.shape[1]
    h = W1_l.shape[1]
    num_graphs, k = 100, 30

    src = edge_index[0]
    dst = edge_index[1]
    zeros128 = jnp.zeros((n, W128), F32)
    ones128 = jnp.ones((CH, W128), F32)

    agg = _make_agg_kernel(n, e)
    cntk = _make_cnt_kernel(n, e)

    cnt_parts = cntk(dst, ones128, zeros128)
    c0, c1 = cnt_parts[:n], cnt_parts[n:]

    s_parts = agg(x, src, dst, zeros128)
    hcur = _layer_call(s_parts[:n], s_parts[n:], c0, c1, x,
                       W1_l, W1_r, b1.reshape(1, -1))
    s_parts = agg(hcur, src, dst, zeros128)
    hcur = _layer_call(s_parts[:n], s_parts[n:], c0, c1, hcur,
                       W2_l, W2_r, b2.reshape(1, -1))
    s_parts = agg(hcur, src, dst, zeros128)
    h3 = _layer_call(s_parts[:n], s_parts[n:], c0, c1, hcur,
                     W3_l, W3_r, b3.reshape(1, -1))

    key_col = h3[:, h - 1:h]
    rank = _rank_call(key_col, batch.reshape(n, 1),
                      key_col.reshape(1, n), batch.reshape(1, n))

    poolk = _make_pool_kernel(n, num_graphs, k)
    pooled_buf = poolk(h3, rank.reshape(n), batch, zeros128)
    pooled = pooled_buf[:num_graphs * k, :h].reshape(num_graphs, k * h)

    return _mlp_call(pooled, Wlin1, blin1.reshape(1, -1),
                     Wlin2, blin2.reshape(1, -1))

# --- scband reference (transcript-rebuilt; emitter-appended) ---
"""Pipeline reference for scband-sort-pool-55808805044904 (READ-ONLY COPY).

The authoritative reference and input builder live on the scoring server;
editing this copy changes nothing except your own understanding.
"""

import jax, jax.numpy as jnp
import numpy as np

N = 10000
E = 320000
F_IN = 128
HIDDEN = 64
NUM_CLASSES = 10
NUM_GRAPHS = 100
K = 30


def setup_inputs(seed: int = 0) -> dict:
    key = jax.random.key(seed)
    ks = jax.random.split(key, 20)
    x = jax.random.normal(ks[0], (N, F_IN), dtype=jnp.float32)
    edge_index = jax.random.randint(ks[1], (2, E), 0, N, dtype=jnp.int32)
    batch = jnp.sort(jax.random.randint(ks[2], (N,), 0, NUM_GRAPHS, dtype=jnp.int32))

    def lin(k_, fan_in, fan_out):
        return jax.random.normal(k_, (fan_in, fan_out), dtype=jnp.float32) / np.sqrt(fan_in)

    params = {
        'W1_l': lin(ks[3], F_IN, HIDDEN),
        'W1_r': lin(ks[4], F_IN, HIDDEN),
        'b1': jnp.zeros((HIDDEN,), dtype=jnp.float32),
        'W2_l': lin(ks[5], HIDDEN, HIDDEN),
        'W2_r': lin(ks[6], HIDDEN, HIDDEN),
        'b2': jnp.zeros((HIDDEN,), dtype=jnp.float32),
        'W3_l': lin(ks[7], HIDDEN, HIDDEN),
        'W3_r': lin(ks[8], HIDDEN, HIDDEN),
        'b3': jnp.zeros((HIDDEN,), dtype=jnp.float32),
        'Wlin1': lin(ks[9], K * HIDDEN, HIDDEN),
        'blin1': jnp.zeros((HIDDEN,), dtype=jnp.float32),
        'Wlin2': lin(ks[10], HIDDEN, NUM_CLASSES),
        'blin2': jnp.zeros((NUM_CLASSES,), dtype=jnp.float32),
    }
    return {'x': x, 'edge_index': edge_index, 'batch': batch, **params}


def sage_conv(x, src, dst, W_l, W_r, b):
    # PyG SAGEConv (mean aggr): out = lin_l(mean_{j in N(i)} x_j) + lin_r(x_i)
    msg = x[src]
    summed = jax.ops.segment_sum(msg, dst, num_segments=x.shape[0])
    cnt = jax.ops.segment_sum(jnp.ones((src.shape[0],), dtype=x.dtype), dst, num_segments=x.shape[0])
    mean = summed / jnp.clip(cnt, 1.0)[:, None]
    return mean @ W_l + x @ W_r + b


def global_sort_pool(x, batch, k, num_graphs):
    # sort nodes within each graph by last feature channel, descending; take top-k, zero-pad
    key_feat = x[:, -1]
    order = jnp.lexsort((-key_feat, batch))  # primary: batch, secondary: -last channel
    xs = x[order]
    bs = batch[order]
    counts = jnp.bincount(batch, length=num_graphs)
    starts = jnp.cumsum(counts) - counts
    pos = jnp.arange(x.shape[0]) - starts[bs]
    valid = pos < k
    pos_c = jnp.where(valid, pos, 0)
    out = jnp.zeros((num_graphs, k, x.shape[1]), dtype=x.dtype)
    out = out.at[bs, pos_c].add(jnp.where(valid[:, None], xs, 0.0))
    return out.reshape(num_graphs, k * x.shape[1])


def reference(x, edge_index, batch, W1_l, W1_r, b1, W2_l, W2_r, b2, W3_l, W3_r, b3, Wlin1, blin1, Wlin2, blin2):
    src = edge_index[0]
    dst = edge_index[1]
    h = jax.nn.relu(sage_conv(x, src, dst, W1_l, W1_r, b1))
    h = jax.nn.relu(sage_conv(h, src, dst, W2_l, W2_r, b2))
    h = jax.nn.relu(sage_conv(h, src, dst, W3_l, W3_r, b3))
    p = global_sort_pool(h, batch, K, NUM_GRAPHS)
    p = jax.nn.relu(p @ Wlin1 + blin1)
    # dropout is identity in eval mode
    out = p @ Wlin2 + blin2
    return jax.nn.log_softmax(out, axis=-1)

if __name__ == "__main__":
    import jax
    _d = setup_inputs()
    print(jax.jit(kernel)(*tuple(_d.values())))

</pallas_src>

<mosaic_0001>
#map = affine_map<(d0, d1) -> (0, 0)>
#map1 = affine_map<(d0, d1) -> (0)>
module attributes {stable_mosaic.version = 14 : i64} {
  func.func @agg(%arg0: i32, %arg1: i32, %arg2: memref<10000x128xf32, #tpu.memory_space<hbm>>, %arg3: memref<320000xi32, #tpu.memory_space<hbm>>, %arg4: memref<320000xi32, #tpu.memory_space<hbm>>, %arg5: memref<10000x128xf32, #tpu.memory_space<hbm>>, %arg6: memref<20000x128xf32, #tpu.memory_space<hbm>>, %arg7: memref<80xi32, #tpu.memory_space<vmem>>, %arg8: memref<80xi32, #tpu.memory_space<vmem>>, %arg9: memref<80xi32, #tpu.memory_space<vmem>>, %arg10: memref<80xi32, #tpu.memory_space<vmem>>, %arg11: memref<80x128xf32, #tpu.memory_space<vmem>>, %arg12: memref<80x128xf32, #tpu.memory_space<vmem>>, %arg13: memref<10000x128xf32, #tpu.memory_space<vmem_shared>>, %arg14: memref<!tpu.dma_semaphore, #tpu.memory_space<semaphore_mem>>, %arg15: memref<!tpu.dma_semaphore, #tpu.memory_space<semaphore_mem>>) attributes {dimension_semantics = [#tpu.dimension_semantics<core_parallel>, #tpu.dimension_semantics<subcore_parallel>], iteration_bounds = array<i64: 2, 16>, scalar_prefetch = 0 : i64, scratch_operands = 9 : i64, tpu.core_type = #tpu.core_type<sc_vector_subcore>, window_params = [{transform_indices = #map}, {transform_indices = #map1}, {transform_indices = #map1}, {transform_indices = #map}, {transform_indices = #map}]} {
    %mul3A = arith.constant 2 : i32
    %mul3A_0 = arith.muli %arg1, %mul3A : i32
    %add3A = arith.addi %mul3A_0, %arg0 : i32
    %mul3A_1 = arith.constant 624 : i32
    %mul3A_2 = arith.muli %arg1, %mul3A_1 : i32
    %mul3A_3 = arith.constant 624 : i32
    %mul3A_4 = arith.muli %arg1, %mul3A_3 : i32
    "tpu.region"() ({
      %run_scoped3A = tpu.sem_alloc : memref<!tpu.dma_semaphore, #tpu.memory_space<semaphore_mem>>
      %dma_start3A_37 = arith.constant 0 : i32
      %dma_start3A_38 = tpu.memref_slice %arg13[%mul3A_4, %dma_start3A_37] : memref<10000x128xf32, #tpu.memory_space<vmem_shared>> -> memref<624x128xf32, #tpu.memory_space<vmem_shared>>
      %dma_start3A_39 = arith.constant 0 : i32
      %dma_start3A_40 = tpu.memref_slice %arg5[%mul3A_2, %dma_start3A_39] : memref<10000x128xf32, #tpu.memory_space<hbm>> -> memref<624x128xf32, #tpu.memory_space<hbm>>
      tpu.enqueue_dma source(%dma_start3A_40 : memref<624x128xf32, #tpu.memory_space<hbm>>) target(%dma_start3A_38 : memref<624x128xf32, #tpu.memory_space<vmem_shared>>) target_semaphore(%run_scoped3A : memref<!tpu.dma_semaphore, #tpu.memory_space<semaphore_mem>>)
      %dma_wait3A_41 = arith.constant 0 : i32
      %dma_wait3A_42 = tpu.memref_slice %arg13[%mul3A_4, %dma_wait3A_41] : memref<10000x128xf32, #tpu.memory_space<vmem_shared>> -> memref<624x128xf32, #tpu.memory_space<vmem_shared>>
      %dma_wait3A_43 = arith.constant 0 : i32
      %dma_wait3A_44 = tpu.memref_slice %arg5[%mul3A_2, %dma_wait3A_43] : memref<10000x128xf32, #tpu.memory_space<hbm>> -> memref<624x128xf32, #tpu.memory_space<hbm>>
      tpu.wait_dma2 semaphore(%run_scoped3A : memref<!tpu.dma_semaphore, #tpu.memory_space<semaphore_mem>>) src(%dma_wait3A_44 : memref<624x128xf32, #tpu.memory_space<hbm>>) dst(%dma_wait3A_42 : memref<624x128xf32, #tpu.memory_space<vmem_shared>>)
      tpu.yield
    }) : () -> ()
    %eq3A = arith.constant 0 : i32
    %eq3A_5 = arith.cmpi eq, %arg1, %eq3A : i32
    %convert_element_type3A = arith.extui %eq3A_5 : i1 to i32
    %cond3A = arith.constant 0 : i32
    %cond3A_6 = arith.cmpi ne, %convert_element_type3A, %cond3A : i32
    scf.if %cond3A_6 {
      "tpu.region"() ({
        %run_scoped3A = tpu.sem_alloc : memref<!tpu.dma_semaphore, #tpu.memory_space<semaphore_mem>>
        %dma_start3A_37 = arith.constant 9984 : i32
        %dma_start3A_38 = arith.constant 0 : i32
        %dma_start3A_39 = tpu.memref_slice %arg13[%dma_start3A_37, %dma_start3A_38] : memref<10000x128xf32, #tpu.memory_space<vmem_shared>> -> memref<16x128xf32, #tpu.memory_space<vmem_shared>>
        %dma_start3A_40 = arith.constant 9984 : i32
        %dma_start3A_41 = arith.constant 0 : i32
        %dma_start3A_42 = tpu.memref_slice %arg5[%dma_start3A_40, %dma_start3A_41] : memref<10000x128xf32, #tpu.memory_space<hbm>> -> memref<16x128xf32, #tpu.memory_space<hbm>>
        tpu.enqueue_dma source(%dma_start3A_42 : memref<16x128xf32, #tpu.memory_space<hbm>>) target(%dma_start3A_39 : memref<16x128xf32, #tpu.memory_space<vmem_shared>>) target_semaphore(%run_scoped3A : memref<!tpu.dma_semaphore, #tpu.memory_space<semaphore_mem>>)
        %dma_wait3A_43 = arith.constant 9984 : i32
        %dma_wait3A_44 = arith.constant 0 : i32
        %dma_wait3A_45 = tpu.memref_slice %arg13[%dma_wait3A_43, %dma_wait3A_44] : memref<10000x128xf32, #tpu.memory_space<vmem_shared>> -> memref<16x128xf32, #tpu.memory_space<vmem_shared>>
        %dma_wait3A_46 = arith.constant 9984 : i32
        %dma_wait3A_47 = arith.constant 0 : i32
        %dma_wait3A_48 = tpu.memref_slice %arg5[%dma_wait3A_46, %dma_wait3A_47] : memref<10000x128xf32, #tpu.memory_space<hbm>> -> memref<16x128xf32, #tpu.memory_space<hbm>>
        tpu.wait_dma2 semaphore(%run_scoped3A : memref<!tpu.dma_semaphore, #tpu.memory_space<semaphore_mem>>) src(%dma_wait3A_48 : memref<16x128xf32, #tpu.memory_space<hbm>>) dst(%dma_wait3A_45 : memref<16x128xf32, #tpu.memory_space<vmem_shared>>)
        tpu.yield
      }) : () -> ()
    } else {
    }
    %barrier3A = arith.constant 0 : index
    tpu.barrier barrier_id(%barrier3A)
    %add3A_7 = arith.constant 0 : i32
    %add3A_8 = arith.addi %add3A, %add3A_7 : i32
    %mul3A_9 = arith.constant 80 : i32
    %mul3A_10 = arith.muli %add3A_8, %mul3A_9 : i32
    "tpu.region"() ({
      %run_scoped3A = tpu.sem_alloc : memref<!tpu.dma_semaphore, #tpu.memory_space<semaphore_mem>>
      %dma_start3A_37 = tpu.memref_slice %arg3[%mul3A_10] : memref<320000xi32, #tpu.memory_space<hbm>> -> memref<80xi32, #tpu.memory_space<hbm>>
      %dma_start3A_38 = tpu.memref_slice %arg3[%mul3A_10] : memref<320000xi32, #tpu.memory_space<hbm>> -> memref<80xi32, #tpu.memory_space<hbm>>
      tpu.enqueue_dma source(%dma_start3A_38 : memref<80xi32, #tpu.memory_space<hbm>>) target(%arg7 : memref<80xi32, #tpu.memory_space<vmem>>) target_semaphore(%run_scoped3A : memref<!tpu.dma_semaphore, #tpu.memory_space<semaphore_mem>>)
      %dma_wait3A_39 = tpu.memref_slice %arg3[%mul3A_10] : memref<320000xi32, #tpu.memory_space<hbm>> -> memref<80xi32, #tpu.memory_space<hbm>>
      %dma_wait3A_40 = tpu.memref_slice %arg3[%mul3A_10] : memref<320000xi32, #tpu.memory_space<hbm>> -> memref<80xi32, #tpu.memory_space<hbm>>
      tpu.wait_dma2 semaphore(%run_scoped3A : memref<!tpu.dma_semaphore, #tpu.memory_space<semaphore_mem>>) src(%dma_wait3A_40 : memref<80xi32, #tpu.memory_space<hbm>>) dst(%arg7 : memref<80xi32, #tpu.memory_space<vmem>>)
      tpu.yield
    }) : () -> ()
    %add3A_11 = arith.constant 0 : i32
    %add3A_12 = arith.addi %add3A, %add3A_11 : i32
    %mul3A_13 = arith.constant 80 : i32
    %mul3A_14 = arith.muli %add3A_12, %mul3A_13 : i32
    "tpu.region"() ({
      %run_scoped3A = tpu.sem_alloc : memref<!tpu.dma_semaphore, #tpu.memory_space<semaphore_mem>>
      %dma_start3A_37 = tpu.memref_slice %arg4[%mul3A_14] : memref<320000xi32, #tpu.memory_space<hbm>> -> memref<80xi32, #tpu.memory_space<hbm>>
      %dma_start3A_38 = tpu.memref_slice %arg4[%mul3A_14] : memref<320000xi32, #tpu.memory_space<hbm>> -> memref<80xi32, #tpu.memory_space<hbm>>
      tpu.enqueue_dma source(%dma_start3A_38 : memref<80xi32, #tpu.memory_space<hbm>>) target(%arg8 : memref<80xi32, #tpu.memory_space<vmem>>) target_semaphore(%run_scoped3A : memref<!tpu.dma_semaphore, #tpu.memory_space<semaphore_mem>>)
      %dma_wait3A_39 = tpu.memref_slice %arg4[%mul3A_14] : memref<320000xi32, #tpu.memory_space<hbm>> -> memref<80xi32, #tpu.memory_space<hbm>>
      %dma_wait3A_40 = tpu.memref_slice %arg4[%mul3A_14] : memref<320000xi32, #tpu.memory_space<hbm>> -> memref<80xi32, #tpu.memory_space<hbm>>
      tpu.wait_dma2 semaphore(%run_scoped3A : memref<!tpu.dma_semaphore, #tpu.memory_space<semaphore_mem>>) src(%dma_wait3A_40 : memref<80xi32, #tpu.memory_space<hbm>>) dst(%arg8 : memref<80xi32, #tpu.memory_space<vmem>>)
      tpu.yield
    }) : () -> ()
    %dma_start3A = arith.constant 0 : i32
    %dma_start3A_15 = arith.constant 0 : i32
    %dma_start3A_16 = tpu.memref_slice %arg2[%dma_start3A, %dma_start3A_15] : memref<10000x128xf32, #tpu.memory_space<hbm>> -> memref<10000x128xf32, #tpu.memory_space<hbm>>
    tpu.enqueue_indirect_dma source(%dma_start3A_16 : memref<10000x128xf32, #tpu.memory_space<hbm>>) target(%arg11 : memref<80x128xf32, #tpu.memory_space<vmem>>) offsets(%arg7 : memref<80xi32, #tpu.memory_space<vmem>>) semaphore(%arg14 : memref<!tpu.dma_semaphore, #tpu.memory_space<semaphore_mem>>)
    %scan3A = arith.constant 0 : i32
    %scan3A_17 = arith.constant 0 : i32
    %scan3A_18 = arith.constant 62 : i32
    %scan3A_19 = arith.addi %scan3A_17, %scan3A_18 : i32
    %scan3A_20 = arith.constant 1 : i32
    scf.for %scan3A_37 = %scan3A_17 to %scan3A_19 step %scan3A_20  : i32 {
      %mul3A_38 = arith.constant 2 : i32
      %mul3A_39 = arith.muli %mul3A_38, %scan3A_37 : i32
      %add3A_40 = arith.constant 1 : i32
      %add3A_41 = arith.addi %mul3A_39, %add3A_40 : i32
      %add3A_42 = arith.constant 2 : i32
      %add3A_43 = arith.addi %mul3A_39, %add3A_42 : i32
      %mul3A_44 = arith.constant 32 : i32
      %mul3A_45 = arith.muli %mul3A_44, %add3A_41 : i32
      %add3A_46 = arith.addi %add3A, %mul3A_45 : i32
      %mul3A_47 = arith.constant 80 : i32
      %mul3A_48 = arith.muli %add3A_46, %mul3A_47 : i32
      "tpu.region"() ({
        %run_scoped3A = tpu.sem_alloc : memref<!tpu.dma_semaphore, #tpu.memory_space<semaphore_mem>>
        %dma_start3A_76 = tpu.memref_slice %arg3[%mul3A_48] : memref<320000xi32, #tpu.memory_space<hbm>> -> memref<80xi32, #tpu.memory_space<hbm>>
        %dma_start3A_77 = tpu.memref_slice %arg3[%mul3A_48] : memref<320000xi32, #tpu.memory_space<hbm>> -> memref<80xi32, #tpu.memory_space<hbm>>
        tpu.enqueue_dma source(%dma_start3A_77 : memref<80xi32, #tpu.memory_space<hbm>>) target(%arg9 : memref<80xi32, #tpu.memory_space<vmem>>) target_semaphore(%run_scoped3A : memref<!tpu.dma_semaphore, #tpu.memory_space<semaphore_mem>>)
        %dma_wait3A_78 = tpu.memref_slice %arg3[%mul3A_48] : memref<320000xi32, #tpu.memory_space<hbm>> -> memref<80xi32, #tpu.memory_space<hbm>>
        %dma_wait3A_79 = tpu.memref_slice %arg3[%mul3A_48] : memref<320000xi32, #tpu.memory_space<hbm>> -> memref<80xi32, #tpu.memory_space<hbm>>
        tpu.wait_dma2 semaphore(%run_scoped3A : memref<!tpu.dma_semaphore, #tpu.memory_space<semaphore_mem>>) src(%dma_wait3A_79 : memref<80xi32, #tpu.memory_space<hbm>>) dst(%arg9 : memref<80xi32, #tpu.memory_space<vmem>>)
        tpu.yield
      }) : () -> ()
      %mul3A_49 = arith.constant 32 : i32
      %mul3A_50 = arith.muli %mul3A_49, %add3A_41 : i32
      %add3A_51 = arith.addi %add3A, %mul3A_50 : i32
      %mul3A_52 = arith.constant 80 : i32
      %mul3A_53 = arith.muli %add3A_51, %mul3A_52 : i32
      "tpu.region"() ({
        %run_scoped3A = tpu.sem_alloc : memref<!tpu.dma_semaphore, #tpu.memory_space<semaphore_mem>>
        %dma_start3A_76 = tpu.memref_slice %arg4[%mul3A_53] : memref<320000xi32, #tpu.memory_space<hbm>> -> memref<80xi32, #tpu.memory_space<hbm>>
        %dma_start3A_77 = tpu.memref_slice %arg4[%mul3A_53] : memref<320000xi32, #tpu.memory_space<hbm>> -> memref<80xi32, #tpu.memory_space<hbm>>
        tpu.enqueue_dma source(%dma_start3A_77 : memref<80xi32, #tpu.memory_space<hbm>>) target(%arg10 : memref<80xi32, #tpu.memory_space<vmem>>) target_semaphore(%run_scoped3A : memref<!tpu.dma_semaphore, #tpu.memory_space<semaphore_mem>>)
        %dma_wait3A_78 = tpu.memref_slice %arg4[%mul3A_53] : memref<320000xi32, #tpu.memory_space<hbm>> -> memref<80xi32, #tpu.memory_space<hbm>>
        %dma_wait3A_79 = tpu.memref_slice %arg4[%mul3A_53] : memref<320000xi32, #tpu.memory_space<hbm>> -> memref<80xi32, #tpu.memory_space<hbm>>
        tpu.wait_dma2 semaphore(%run_scoped3A : memref<!tpu.dma_semaphore, #tpu.memory_space<semaphore_mem>>) src(%dma_wait3A_79 : memref<80xi32, #tpu.memory_space<hbm>>) dst(%arg10 : memref<80xi32, #tpu.memory_space<vmem>>)
        tpu.yield
      }) : () -> ()
      %dma_start3A_54 = arith.constant 0 : i32
      %dma_start3A_55 = arith.constant 0 : i32
      %dma_start3A_56 = tpu.memref_slice %arg2[%dma_start3A_54, %dma_start3A_55] : memref<10000x128xf32, #tpu.memory_space<hbm>> -> memref<10000x128xf32, #tpu.memory_space<hbm>>
      tpu.enqueue_indirect_dma source(%dma_start3A_56 : memref<10000x128xf32, #tpu.memory_space<hbm>>) target(%arg12 : memref<80x128xf32, #tpu.memory_space<vmem>>) offsets(%arg9 : memref<80xi32, #tpu.memory_space<vmem>>) semaphore(%arg15 : memref<!tpu.dma_semaphore, #tpu.memory_space<semaphore_mem>>)
      %dma_wait3A_57 = arith.constant 0 : i32
      %dma_wait3A_58 = arith.constant 0 : i32
      %dma_wait3A_59 = tpu.memref_slice %arg2[%dma_wait3A_57, %dma_wait3A_58] : memref<10000x128xf32, #tpu.memory_space<hbm>> -> memref<10000x128xf32, #tpu.memory_space<hbm>>
      tpu.wait_indirect_dma semaphore(%arg14 : memref<!tpu.dma_semaphore, #tpu.memory_space<semaphore_mem>>) src(%dma_wait3A_59 : memref<10000x128xf32, #tpu.memory_space<hbm>>) dst(%arg11 : memref<80x128xf32, #tpu.memory_space<vmem>>)
      "tpu.region"() ({
        %run_scoped3A = tpu.sem_alloc : memref<!tpu.dma_semaphore, #tpu.memory_space<semaphore_mem>>
        %dma_start3A_76 = arith.constant 0 : i32
        %dma_start3A_77 = arith.constant 0 : i32
        %dma_start3A_78 = tpu.memref_slice %arg13[%dma_start3A_76, %dma_start3A_77] : memref<10000x128xf32, #tpu.memory_space<vmem_shared>> -> memref<10000x128xf32, #tpu.memory_space<vmem_shared>>
        tpu.enqueue_indirect_dma source(%arg11 : memref<80x128xf32, #tpu.memory_space<vmem>>) target(%dma_start3A_78 : memref<10000x128xf32, #tpu.memory_space<vmem_shared>>) offsets(%arg8 : memref<80xi32, #tpu.memory_space<vmem>>) semaphore(%run_scoped3A : memref<!tpu.dma_semaphore, #tpu.memory_space<semaphore_mem>>) {add = true}
        %dma_wait3A_79 = arith.constant 0 : i32
        %dma_wait3A_80 = arith.constant 0 : i32
        %dma_wait3A_81 = tpu.memref_slice %arg13[%dma_wait3A_79, %dma_wait3A_80] : memref<10000x128xf32, #tpu.memory_space<vmem_shared>> -> memref<10000x128xf32, #tpu.memory_space<vmem_shared>>
        tpu.wait_indirect_dma semaphore(%run_scoped3A : memref<!tpu.dma_semaphore, #tpu.memory_space<semaphore_mem>>) src(%arg11 : memref<80x128xf32, #tpu.memory_space<vmem>>) dst(%dma_wait3A_81 : memref<10000x128xf32, #tpu.memory_space<vmem_shared>>)
        tpu.yield
      }) : () -> ()
      %mul3A_60 = arith.constant 32 : i32
      %mul3A_61 = arith.muli %mul3A_60, %add3A_43 : i32
      %add3A_62 = arith.addi %add3A, %mul3A_61 : i32
      %mul3A_63 = arith.constant 80 : i32
      %mul3A_64 = arith.muli %add3A_62, %mul3A_63 : i32
      "tpu.region"() ({
        %run_scoped3A = tpu.sem_alloc : memref<!tpu.dma_semaphore, #tpu.memory_space<semaphore_mem>>
        %dma_start3A_76 = tpu.memref_slice %arg3[%mul3A_64] : memref<320000xi32, #tpu.memory_space<hbm>> -> memref<80xi32, #tpu.memory_space<hbm>>
        %dma_start3A_77 = tpu.memref_slice %arg3[%mul3A_64] : memref<320000xi32, #tpu.memory_space<hbm>> -> memref<80xi32, #tpu.memory_space<hbm>>
        tpu.enqueue_dma source(%dma_start3A_77 : memref<80xi32, #tpu.memory_space<hbm>>) target(%arg7 : memref<80xi32, #tpu.memory_space<vmem>>) target_semaphore(%run_scoped3A : memref<!tpu.dma_semaphore, #tpu.memory_space<semaphore_mem>>)
        %dma_wait3A_78 = tpu.memref_slice %arg3[%mul3A_64] : memref<320000xi32, #tpu.memory_space<hbm>> -> memref<80xi32, #tpu.memory_space<hbm>>
        %dma_wait3A_79 = tpu.memref_slice %arg3[%mul3A_64] : memref<320000xi32, #tpu.memory_space<hbm>> -> memref<80xi32, #tpu.memory_space<hbm>>
        tpu.wait_dma2 semaphore(%run_scoped3A : memref<!tpu.dma_semaphore, #tpu.memory_space<semaphore_mem>>) src(%dma_wait3A_79 : memref<80xi32, #tpu.memory_space<hbm>>) dst(%arg7 : memref<80xi32, #tpu.memory_space<vmem>>)
        tpu.yield
      }) : () -> ()
      %mul3A_65 = arith.constant 32 : i32
      %mul3A_66 = arith.muli %mul3A_65, %add3A_43 : i32
      %add3A_67 = arith.addi %add3A, %mul3A_66 : i32
      %mul3A_68 = arith.constant 80 : i32
      %mul3A_69 = arith.muli %add3A_67, %mul3A_68 : i32
      "tpu.region"() ({
        %run_scoped3A = tpu.sem_alloc : memref<!tpu.dma_semaphore, #tpu.memory_space<semaphore_mem>>
        %dma_start3A_76 = tpu.memref_slice %arg4[%mul3A_69] : memref<320000xi32, #tpu.memory_space<hbm>> -> memref<80xi32, #tpu.memory_space<hbm>>
        %dma_start3A_77 = tpu.memref_slice %arg4[%mul3A_69] : memref<320000xi32, #tpu.memory_space<hbm>> -> memref<80xi32, #tpu.memory_space<hbm>>
        tpu.enqueue_dma source(%dma_start3A_77 : memref<80xi32, #tpu.memory_space<hbm>>) target(%arg8 : memref<80xi32, #tpu.memory_space<vmem>>) target_semaphore(%run_scoped3A : memref<!tpu.dma_semaphore, #tpu.memory_space<semaphore_mem>>)
        %dma_wait3A_78 = tpu.memref_slice %arg4[%mul3A_69] : memref<320000xi32, #tpu.memory_space<hbm>> -> memref<80xi32, #tpu.memory_space<hbm>>
        %dma_wait3A_79 = tpu.memref_slice %arg4[%mul3A_69] : memref<320000xi32, #tpu.memory_space<hbm>> -> memref<80xi32, #tpu.memory_space<hbm>>
        tpu.wait_dma2 semaphore(%run_scoped3A : memref<!tpu.dma_semaphore, #tpu.memory_space<semaphore_mem>>) src(%dma_wait3A_79 : memref<80xi32, #tpu.memory_space<hbm>>) dst(%arg8 : memref<80xi32, #tpu.memory_space<vmem>>)
        tpu.yield
      }) : () -> ()
      %dma_start3A_70 = arith.constant 0 : i32
      %dma_start3A_71 = arith.constant 0 : i32
      %dma_start3A_72 = tpu.memref_slice %arg2[%dma_start3A_70, %dma_start3A_71] : memref<10000x128xf32, #tpu.memory_space<hbm>> -> memref<10000x128xf32, #tpu.memory_space<hbm>>
      tpu.enqueue_indirect_dma source(%dma_start3A_72 : memref<10000x128xf32, #tpu.memory_space<hbm>>) target(%arg11 : memref<80x128xf32, #tpu.memory_space<vmem>>) offsets(%arg7 : memref<80xi32, #tpu.memory_space<vmem>>) semaphore(%arg14 : memref<!tpu.dma_semaphore, #tpu.memory_space<semaphore_mem>>)
      %dma_wait3A_73 = arith.constant 0 : i32
      %dma_wait3A_74 = arith.constant 0 : i32
      %dma_wait3A_75 = tpu.memref_slice %arg2[%dma_wait3A_73, %dma_wait3A_74] : memref<10000x128xf32, #tpu.memory_space<hbm>> -> memref<10000x128xf32, #tpu.memory_space<hbm>>
      tpu.wait_indirect_dma semaphore(%arg15 : memref<!tpu.dma_semaphore, #tpu.memory_space<semaphore_mem>>) src(%dma_wait3A_75 : memref<10000x128xf32, #tpu.memory_space<hbm>>) dst(%arg12 : memref<80x128xf32, #tpu.memory_space<vmem>>)
      "tpu.region"() ({
        %run_scoped3A = tpu.sem_alloc : memref<!tpu.dma_semaphore, #tpu.memory_space<semaphore_mem>>
        %dma_start3A_76 = arith.constant 0 : i32
        %dma_start3A_77 = arith.constant 0 : i32
        %dma_start3A_78 = tpu.memref_slice %arg13[%dma_start3A_76, %dma_start3A_77] : memref<10000x128xf32, #tpu.memory_space<vmem_shared>> -> memref<10000x128xf32, #tpu.memory_space<vmem_shared>>
        tpu.enqueue_indirect_dma source(%arg12 : memref<80x128xf32, #tpu.memory_space<vmem>>) target(%dma_start3A_78 : memref<10000x128xf32, #tpu.memory_space<vmem_shared>>) offsets(%arg10 : memref<80xi32, #tpu.memory_space<vmem>>) semaphore(%run_scoped3A : memref<!tpu.dma_semaphore, #tpu.memory_space<semaphore_mem>>) {add = true}
        %dma_wait3A_79 = arith.constant 0 : i32
        %dma_wait3A_80 = arith.constant 0 : i32
        %dma_wait3A_81 = tpu.memref_slice %arg13[%dma_wait3A_79, %dma_wait3A_80] : memref<10000x128xf32, #tpu.memory_space<vmem_shared>> -> memref<10000x128xf32, #tpu.memory_space<vmem_shared>>
        tpu.wait_indirect_dma semaphore(%run_scoped3A : memref<!tpu.dma_semaphore, #tpu.memory_space<semaphore_mem>>) src(%arg12 : memref<80x128xf32, #tpu.memory_space<vmem>>) dst(%dma_wait3A_81 : memref<10000x128xf32, #tpu.memory_space<vmem_shared>>)
        tpu.yield
      }) : () -> ()
    }
    %scan3A_21 = arith.constant 62 : i32
    %dma_wait3A = arith.constant 0 : i32
    %dma_wait3A_22 = arith.constant 0 : i32
    %dma_wait3A_23 = tpu.memref_slice %arg2[%dma_wait3A, %dma_wait3A_22] : memref<10000x128xf32, #tpu.memory_space<hbm>> -> memref<10000x128xf32, #tpu.memory_space<hbm>>
    tpu.wait_indirect_dma semaphore(%arg14 : memref<!tpu.dma_semaphore, #tpu.memory_space<semaphore_mem>>) src(%dma_wait3A_23 : memref<10000x128xf32, #tpu.memory_space<hbm>>) dst(%arg11 : memref<80x128xf32, #tpu.memory_space<vmem>>)
    "tpu.region"() ({
      %run_scoped3A = tpu.sem_alloc : memref<!tpu.dma_semaphore, #tpu.memory_space<semaphore_mem>>
      %dma_start3A_37 = arith.constant 0 : i32
      %dma_start3A_38 = arith.constant 0 : i32
      %dma_start3A_39 = tpu.memref_slice %arg13[%dma_start3A_37, %dma_start3A_38] : memref<10000x128xf32, #tpu.memory_space<vmem_shared>> -> memref<10000x128xf32, #tpu.memory_space<vmem_shared>>
      tpu.enqueue_indirect_dma source(%arg11 : memref<80x128xf32, #tpu.memory_space<vmem>>) target(%dma_start3A_39 : memref<10000x128xf32, #tpu.memory_space<vmem_shared>>) offsets(%arg8 : memref<80xi32, #tpu.memory_space<vmem>>) semaphore(%run_scoped3A : memref<!tpu.dma_semaphore, #tpu.memory_space<semaphore_mem>>) {add = true}
      %dma_wait3A_40 = arith.constant 0 : i32
      %dma_wait3A_41 = arith.constant 0 : i32
      %dma_wait3A_42 = tpu.memref_slice %arg13[%dma_wait3A_40, %dma_wait3A_41] : memref<10000x128xf32, #tpu.memory_space<vmem_shared>> -> memref<10000x128xf32, #tpu.memory_space<vmem_shared>>
      tpu.wait_indirect_dma semaphore(%run_scoped3A : memref<!tpu.dma_semaphore, #tpu.memory_space<semaphore_mem>>) src(%arg11 : memref<80x128xf32, #tpu.memory_space<vmem>>) dst(%dma_wait3A_42 : memref<10000x128xf32, #tpu.memory_space<vmem_shared>>)
      tpu.yield
    }) : () -> ()
    %barrier3A_24 = arith.constant 0 : index
    tpu.barrier barrier_id(%barrier3A_24)
    %mul3A_25 = arith.constant 624 : i32
    %mul3A_26 = arith.muli %arg1, %mul3A_25 : i32
    %mul3A_27 = arith.constant 10000 : i32
    %mul3A_28 = arith.muli %arg0, %mul3A_27 : i32
    %mul3A_29 = arith.constant 624 : i32
    %mul3A_30 = arith.muli %arg1, %mul3A_29 : i32
    %add3A_31 = arith.addi %mul3A_28, %mul3A_30 : i32
    "tpu.region"() ({
      %run_scoped3A = tpu.sem_alloc : memref<!tpu.dma_semaphore, #tpu.memory_space<semaphore_mem>>
      %dma_start3A_37 = arith.constant 0 : i32
      %dma_start3A_38 = tpu.memref_slice %arg6[%add3A_31, %dma_start3A_37] : memref<20000x128xf32, #tpu.memory_space<hbm>> -> memref<624x128xf32, #tpu.memory_space<hbm>>
      %dma_start3A_39 = arith.constant 0 : i32
      %dma_start3A_40 = tpu.memref_slice %arg13[%mul3A_26, %dma_start3A_39] : memref<10000x128xf32, #tpu.memory_space<vmem_shared>> -> memref<624x128xf32, #tpu.memory_space<vmem_shared>>
      tpu.enqueue_dma source(%dma_start3A_40 : memref<624x128xf32, #tpu.memory_space<vmem_shared>>) target(%dma_start3A_38 : memref<624x128xf32, #tpu.memory_space<hbm>>) target_semaphore(%run_scoped3A : memref<!tpu.dma_semaphore, #tpu.memory_space<semaphore_mem>>)
      %dma_wait3A_41 = arith.constant 0 : i32
      %dma_wait3A_42 = tpu.memref_slice %arg6[%add3A_31, %dma_wait3A_41] : memref<20000x128xf32, #tpu.memory_space<hbm>> -> memref<624x128xf32, #tpu.memory_space<hbm>>
      %dma_wait3A_43 = arith.constant 0 : i32
      %dma_wait3A_44 = tpu.memref_slice %arg13[%mul3A_26, %dma_wait3A_43] : memref<10000x128xf32, #tpu.memory_space<vmem_shared>> -> memref<624x128xf32, #tpu.memory_space<vmem_shared>>
      tpu.wait_dma2 semaphore(%run_scoped3A : memref<!tpu.dma_semaphore, #tpu.memory_space<semaphore_mem>>) src(%dma_wait3A_44 : memref<624x128xf32, #tpu.memory_space<vmem_shared>>) dst(%dma_wait3A_42 : memref<624x128xf32, #tpu.memory_space<hbm>>)
      tpu.yield
    }) : () -> ()
    %eq3A_32 = arith.constant 0 : i32
    %eq3A_33 = arith.cmpi eq, %arg1, %eq3A_32 : i32
    %convert_element_type3A_34 = arith.extui %eq3A_33 : i1 to i32
    %cond3A_35 = arith.constant 0 : i32
    %cond3A_36 = arith.cmpi ne, %convert_element_type3A_34, %cond3A_35 : i32
    scf.if %cond3A_36 {
      %mul3A_37 = arith.constant 10000 : i32
      %mul3A_38 = arith.muli %arg0, %mul3A_37 : i32
      %add3A_39 = arith.constant 9984 : i32
      %add3A_40 = arith.addi %mul3A_38, %add3A_39 : i32
      "tpu.region"() ({
        %run_scoped3A = tpu.sem_alloc : memref<!tpu.dma_semaphore, #tpu.memory_space<semaphore_mem>>
        %dma_start3A_41 = arith.constant 0 : i32
        %dma_start3A_42 = tpu.memref_slice %arg6[%add3A_40, %dma_start3A_41] : memref<20000x128xf32, #tpu.memory_space<hbm>> -> memref<16x128xf32, #tpu.memory_space<hbm>>
        %dma_start3A_43 = arith.constant 9984 : i32
        %dma_start3A_44 = arith.constant 0 : i32
        %dma_start3A_45 = tpu.memref_slice %arg13[%dma_start3A_43, %dma_start3A_44] : memref<10000x128xf32, #tpu.memory_space<vmem_shared>> -> memref<16x128xf32, #tpu.memory_space<vmem_shared>>
        tpu.enqueue_dma source(%dma_start3A_45 : memref<16x128xf32, #tpu.memory_space<vmem_shared>>) target(%dma_start3A_42 : memref<16x128xf32, #tpu.memory_space<hbm>>) target_semaphore(%run_scoped3A : memref<!tpu.dma_semaphore, #tpu.memory_space<semaphore_mem>>)
        %dma_wait3A_46 = arith.constant 0 : i32
        %dma_wait3A_47 = tpu.memref_slice %arg6[%add3A_40, %dma_wait3A_46] : memref<20000x128xf32, #tpu.memory_space<hbm>> -> memref<16x128xf32, #tpu.memory_space<hbm>>
        %dma_wait3A_48 = arith.constant 9984 : i32
        %dma_wait3A_49 = arith.constant 0 : i32
        %dma_wait3A_50 = tpu.memref_slice %arg13[%dma_wait3A_48, %dma_wait3A_49] : memref<10000x128xf32, #tpu.memory_space<vmem_shared>> -> memref<16x128xf32, #tpu.memory_space<vmem_shared>>
        tpu.wait_dma2 semaphore(%run_scoped3A : memref<!tpu.dma_semaphore, #tpu.memory_space<semaphore_mem>>) src(%dma_wait3A_50 : memref<16x128xf32, #tpu.memory_space<vmem_shared>>) dst(%dma_wait3A_47 : memref<16x128xf32, #tpu.memory_space<hbm>>)
        tpu.yield
      }) : () -> ()
    } else {
    }
    return
  }
}

#map = affine_map<(d0, d1) -> (0, 0)>
#map1 = affine_map<(d0, d1) -> (0)>
module attributes {stable_mosaic.version = 14 : i64} {
  func.func @agg(%arg0: i32, %arg1: i32, %arg2: memref<10000x128xf32, #tpu.memory_space<hbm>>, %arg3: memref<320000xi32, #tpu.memory_space<hbm>>, %arg4: memref<320000xi32, #tpu.memory_space<hbm>>, %arg5: memref<10000x128xf32, #tpu.memory_space<hbm>>, %arg6: memref<20000x128xf32, #tpu.memory_space<hbm>>, %arg7: memref<80xi32, #tpu.memory_space<vmem>>, %arg8: memref<80xi32, #tpu.memory_space<vmem>>, %arg9: memref<80xi32, #tpu.memory_space<vmem>>, %arg10: memref<80xi32, #tpu.memory_space<vmem>>, %arg11: memref<80x128xf32, #tpu.memory_space<vmem>>, %arg12: memref<80x128xf32, #tpu.memory_space<vmem>>, %arg13: memref<10000x128xf32, #tpu.memory_space<vmem_shared>>, %arg14: memref<!tpu.dma_semaphore, #tpu.memory_space<semaphore_mem>>, %arg15: memref<!tpu.dma_semaphore, #tpu.memory_space<semaphore_mem>>) attributes {dimension_semantics = [#tpu.dimension_semantics<core_parallel>, #tpu.dimension_semantics<subcore_parallel>], iteration_bounds = array<i64: 2, 16>, scalar_prefetch = 0 : i64, scratch_operands = 9 : i64, tpu.core_type = #tpu.core_type<sc_vector_subcore>, window_params = [{transform_indices = #map}, {transform_indices = #map1}, {transform_indices = #map1}, {transform_indices = #map}, {transform_indices = #map}]} {
    %mul3A = arith.constant 2 : i32
    %mul3A_0 = arith.muli %arg1, %mul3A : i32
    %add3A = arith.addi %mul3A_0, %arg0 : i32
    %mul3A_1 = arith.constant 624 : i32
    %mul3A_2 = arith.muli %arg1, %mul3A_1 : i32
    %mul3A_3 = arith.constant 624 : i32
    %mul3A_4 = arith.muli %arg1, %mul3A_3 : i32
    "tpu.region"() ({
      %run_scoped3A = tpu.sem_alloc : memref<!tpu.dma_semaphore, #tpu.memory_space<semaphore_mem>>
      %dma_start3A_37 = arith.constant 0 : i32
      %dma_start3A_38 = tpu.memref_slice %arg13[%mul3A_4, %dma_start3A_37] : memref<10000x128xf32, #tpu.memory_space<vmem_shared>> -> memref<624x128xf32, #tpu.memory_space<vmem_shared>>
      %dma_start3A_39 = arith.constant 0 : i32
      %dma_start3A_40 = tpu.memref_slice %arg5[%mul3A_2, %dma_start3A_39] : memref<10000x128xf32, #tpu.memory_space<hbm>> -> memref<624x128xf32, #tpu.memory_space<hbm>>
      tpu.enqueue_dma source(%dma_start3A_40 : memref<624x128xf32, #tpu.memory_space<hbm>>) target(%dma_start3A_38 : memref<624x128xf32, #tpu.memory_space<vmem_shared>>) target_semaphore(%run_scoped3A : memref<!tpu.dma_semaphore, #tpu.memory_space<semaphore_mem>>)
      %dma_wait3A_41 = arith.constant 0 : i32
      %dma_wait3A_42 = tpu.memref_slice %arg13[%mul3A_4, %dma_wait3A_41] : memref<10000x128xf32, #tpu.memory_space<vmem_shared>> -> memref<624x128xf32, #tpu.memory_space<vmem_shared>>
      %dma_wait3A_43 = arith.constant 0 : i32
      %dma_wait3A_44 = tpu.memref_slice %arg5[%mul3A_2, %dma_wait3A_43] : memref<10000x128xf32, #tpu.memory_space<hbm>> -> memref<624x128xf32, #tpu.memory_space<hbm>>
      tpu.wait_dma2 semaphore(%run_scoped3A : memref<!tpu.dma_semaphore, #tpu.memory_space<semaphore_mem>>) src(%dma_wait3A_44 : memref<624x128xf32, #tpu.memory_space<hbm>>) dst(%dma_wait3A_42 : memref<624x128xf32, #tpu.memory_space<vmem_shared>>)
      tpu.yield
    }) : () -> ()
    %eq3A = arith.constant 0 : i32
    %eq3A_5 = arith.cmpi eq, %arg1, %eq3A : i32
    %convert_element_type3A = arith.extui %eq3A_5 : i1 to i32
    %cond3A = arith.constant 0 : i32
    %cond3A_6 = arith.cmpi ne, %convert_element_type3A, %cond3A : i32
    scf.if %cond3A_6 {
      "tpu.region"() ({
        %run_scoped3A = tpu.sem_alloc : memref<!tpu.dma_semaphore, #tpu.memory_space<semaphore_mem>>
        %dma_start3A_37 = arith.constant 9984 : i32
        %dma_start3A_38 = arith.constant 0 : i32
        %dma_start3A_39 = tpu.memref_slice %arg13[%dma_start3A_37, %dma_start3A_38] : memref<10000x128xf32, #tpu.memory_space<vmem_shared>> -> memref<16x128xf32, #tpu.memory_space<vmem_shared>>
        %dma_start3A_40 = arith.constant 9984 : i32
        %dma_start3A_41 = arith.constant 0 : i32
        %dma_start3A_42 = tpu.memref_slice %arg5[%dma_start3A_40, %dma_start3A_41] : memref<10000x128xf32, #tpu.memory_space<hbm>> -> memref<16x128xf32, #tpu.memory_space<hbm>>
        tpu.enqueue_dma source(%dma_start3A_42 : memref<16x128xf32, #tpu.memory_space<hbm>>) target(%dma_start3A_39 : memref<16x128xf32, #tpu.memory_space<vmem_shared>>) target_semaphore(%run_scoped3A : memref<!tpu.dma_semaphore, #tpu.memory_space<semaphore_mem>>)
        %dma_wait3A_43 = arith.constant 9984 : i32
        %dma_wait3A_44 = arith.constant 0 : i32
        %dma_wait3A_45 = tpu.memref_slice %arg13[%dma_wait3A_43, %dma_wait3A_44] : memref<10000x128xf32, #tpu.memory_space<vmem_shared>> -> memref<16x128xf32, #tpu.memory_space<vmem_shared>>
        %dma_wait3A_46 = arith.constant 9984 : i32
        %dma_wait3A_47 = arith.constant 0 : i32
        %dma_wait3A_48 = tpu.memref_slice %arg5[%dma_wait3A_46, %dma_wait3A_47] : memref<10000x128xf32, #tpu.memory_space<hbm>> -> memref<16x128xf32, #tpu.memory_space<hbm>>
        tpu.wait_dma2 semaphore(%run_scoped3A : memref<!tpu.dma_semaphore, #tpu.memory_space<semaphore_mem>>) src(%dma_wait3A_48 : memref<16x128xf32, #tpu.memory_space<hbm>>) dst(%dma_wait3A_45 : memref<16x128xf32, #tpu.memory_space<vmem_shared>>)
        tpu.yield
      }) : () -> ()
    } else {
    }
    %barrier3A = arith.constant 0 : index
    tpu.barrier barrier_id(%barrier3A)
    %add3A_7 = arith.constant 0 : i32
    %add3A_8 = arith.addi %add3A, %add3A_7 : i32
    %mul3A_9 = arith.constant 80 : i32
    %mul3A_10 = arith.muli %add3A_8, %mul3A_9 : i32
    "tpu.region"() ({
      %run_scoped3A = tpu.sem_alloc : memref<!tpu.dma_semaphore, #tpu.memory_space<semaphore_mem>>
      %dma_start3A_37 = tpu.memref_slice %arg3[%mul3A_10] : memref<320000xi32, #tpu.memory_space<hbm>> -> memref<80xi32, #tpu.memory_space<hbm>>
      %dma_start3A_38 = tpu.memref_slice %arg3[%mul3A_10] : memref<320000xi32, #tpu.memory_space<hbm>> -> memref<80xi32, #tpu.memory_space<hbm>>
      tpu.enqueue_dma source(%dma_start3A_38 : memref<80xi32, #tpu.memory_space<hbm>>) target(%arg7 : memref<80xi32, #tpu.memory_space<vmem>>) target_semaphore(%run_scoped3A : memref<!tpu.dma_semaphore, #tpu.memory_space<semaphore_mem>>)
      %dma_wait3A_39 = tpu.memref_slice %arg3[%mul3A_10] : memref<320000xi32, #tpu.memory_space<hbm>> -> memref<80xi32, #tpu.memory_space<hbm>>
      %dma_wait3A_40 = tpu.memref_slice %arg3[%mul3A_10] : memref<320000xi32, #tpu.memory_space<hbm>> -> memref<80xi32, #tpu.memory_space<hbm>>
      tpu.wait_dma2 semaphore(%run_scoped3A : memref<!tpu.dma_semaphore, #tpu.memory_space<semaphore_mem>>) src(%dma_wait3A_40 : memref<80xi32, #tpu.memory_space<hbm>>) dst(%arg7 : memref<80xi32, #tpu.memory_space<vmem>>)
      tpu.yield
    }) : () -> ()
    %add3A_11 = arith.constant 0 : i32
    %add3A_12 = arith.addi %add3A, %add3A_11 : i32
    %mul3A_13 = arith.constant 80 : i32
    %mul3A_14 = arith.muli %add3A_12, %mul3A_13 : i32
    "tpu.region"() ({
      %run_scoped3A = tpu.sem_alloc : memref<!tpu.dma_semaphore, #tpu.memory_space<semaphore_mem>>
      %dma_start3A_37 = tpu.memref_slice %arg4[%mul3A_14] : memref<320000xi32, #tpu.memory_space<hbm>> -> memref<80xi32, #tpu.memory_space<hbm>>
      %dma_start3A_38 = tpu.memref_slice %arg4[%mul3A_14] : memref<320000xi32, #tpu.memory_space<hbm>> -> memref<80xi32, #tpu.memory_space<hbm>>
      tpu.enqueue_dma source(%dma_start3A_38 : memref<80xi32, #tpu.memory_space<hbm>>) target(%arg8 : memref<80xi32, #tpu.memory_space<vmem>>) target_semaphore(%run_scoped3A : memref<!tpu.dma_semaphore, #tpu.memory_space<semaphore_mem>>)
      %dma_wait3A_39 = tpu.memref_slice %arg4[%mul3A_14] : memref<320000xi32, #tpu.memory_space<hbm>> -> memref<80xi32, #tpu.memory_space<hbm>>
      %dma_wait3A_40 = tpu.memref_slice %arg4[%mul3A_14] : memref<320000xi32, #tpu.memory_space<hbm>> -> memref<80xi32, #tpu.memory_space<hbm>>
      tpu.wait_dma2 semaphore(%run_scoped3A : memref<!tpu.dma_semaphore, #tpu.memory_space<semaphore_mem>>) src(%dma_wait3A_40 : memref<80xi32, #tpu.memory_space<hbm>>) dst(%arg8 : memref<80xi32, #tpu.memory_space<vmem>>)
      tpu.yield
    }) : () -> ()
    %dma_start3A = arith.constant 0 : i32
    %dma_start3A_15 = arith.constant 0 : i32
    %dma_start3A_16 = tpu.memref_slice %arg2[%dma_start3A, %dma_start3A_15] : memref<10000x128xf32, #tpu.memory_space<hbm>> -> memref<10000x128xf32, #tpu.memory_space<hbm>>
    tpu.enqueue_indirect_dma source(%dma_start3A_16 : memref<10000x128xf32, #tpu.memory_space<hbm>>) target(%arg11 : memref<80x128xf32, #tpu.memory_space<vmem>>) offsets(%arg7 : memref<80xi32, #tpu.memory_space<vmem>>) semaphore(%arg14 : memref<!tpu.dma_semaphore, #tpu.memory_space<semaphore_mem>>)
    %scan3A = arith.constant 0 : i32
    %scan3A_17 = arith.constant 0 : i32
    %scan3A_18 = arith.constant 62 : i32
    %scan3A_19 = arith.addi %scan3A_17, %scan3A_18 : i32
    %scan3A_20 = arith.constant 1 : i32
    scf.for %scan3A_37 = %scan3A_17 to %scan3A_19 step %scan3A_20  : i32 {
      %mul3A_38 = arith.constant 2 : i32
      %mul3A_39 = arith.muli %mul3A_38, %scan3A_37 : i32
      %add3A_40 = arith.constant 1 : i32
      %add3A_41 = arith.addi %mul3A_39, %add3A_40 : i32
      %add3A_42 = arith.constant 2 : i32
      %add3A_43 = arith.addi %mul3A_39, %add3A_42 : i32
      %mul3A_44 = arith.constant 32 : i32
      %mul3A_45 = arith.muli %mul3A_44, %add3A_41 : i32
      %add3A_46 = arith.addi %add3A, %mul3A_45 : i32
      %mul3A_47 = arith.constant 80 : i32
      %mul3A_48 = arith.muli %add3A_46, %mul3A_47 : i32
      "tpu.region"() ({
        %run_scoped3A = tpu.sem_alloc : memref<!tpu.dma_semaphore, #tpu.memory_space<semaphore_mem>>
        %dma_start3A_76 = tpu.memref_slice %arg3[%mul3A_48] : memref<320000xi32, #tpu.memory_space<hbm>> -> memref<80xi32, #tpu.memory_space<hbm>>
        %dma_start3A_77 = tpu.memref_slice %arg3[%mul3A_48] : memref<320000xi32, #tpu.memory_space<hbm>> -> memref<80xi32, #tpu.memory_space<hbm>>
        tpu.enqueue_dma source(%dma_start3A_77 : memref<80xi32, #tpu.memory_space<hbm>>) target(%arg9 : memref<80xi32, #tpu.memory_space<vmem>>) target_semaphore(%run_scoped3A : memref<!tpu.dma_semaphore, #tpu.memory_space<semaphore_mem>>)
        %dma_wait3A_78 = tpu.memref_slice %arg3[%mul3A_48] : memref<320000xi32, #tpu.memory_space<hbm>> -> memref<80xi32, #tpu.memory_space<hbm>>
        %dma_wait3A_79 = tpu.memref_slice %arg3[%mul3A_48] : memref<320000xi32, #tpu.memory_space<hbm>> -> memref<80xi32, #tpu.memory_space<hbm>>
        tpu.wait_dma2 semaphore(%run_scoped3A : memref<!tpu.dma_semaphore, #tpu.memory_space<semaphore_mem>>) src(%dma_wait3A_79 : memref<80xi32, #tpu.memory_space<hbm>>) dst(%arg9 : memref<80xi32, #tpu.memory_space<vmem>>)
        tpu.yield
      }) : () -> ()
      %mul3A_49 = arith.constant 32 : i32
      %mul3A_50 = arith.muli %mul3A_49, %add3A_41 : i32
      %add3A_51 = arith.addi %add3A, %mul3A_50 : i32
      %mul3A_52 = arith.constant 80 : i32
      %mul3A_53 = arith.muli %add3A_51, %mul3A_52 : i32
      "tpu.region"() ({
        %run_scoped3A = tpu.sem_alloc : memref<!tpu.dma_semaphore, #tpu.memory_space<semaphore_mem>>
        %dma_start3A_76 = tpu.memref_slice %arg4[%mul3A_53] : memref<320000xi32, #tpu.memory_space<hbm>> -> memref<80xi32, #tpu.memory_space<hbm>>
        %dma_start3A_77 = tpu.memref_slice %arg4[%mul3A_53] : memref<320000xi32, #tpu.memory_space<hbm>> -> memref<80xi32, #tpu.memory_space<hbm>>
        tpu.enqueue_dma source(%dma_start3A_77 : memref<80xi32, #tpu.memory_space<hbm>>) target(%arg10 : memref<80xi32, #tpu.memory_space<vmem>>) target_semaphore(%run_scoped3A : memref<!tpu.dma_semaphore, #tpu.memory_space<semaphore_mem>>)
        %dma_wait3A_78 = tpu.memref_slice %arg4[%mul3A_53] : memref<320000xi32, #tpu.memory_space<hbm>> -> memref<80xi32, #tpu.memory_space<hbm>>
        %dma_wait3A_79 = tpu.memref_slice %arg4[%mul3A_53] : memref<320000xi32, #tpu.memory_space<hbm>> -> memref<80xi32, #tpu.memory_space<hbm>>
        tpu.wait_dma2 semaphore(%run_scoped3A : memref<!tpu.dma_semaphore, #tpu.memory_space<semaphore_mem>>) src(%dma_wait3A_79 : memref<80xi32, #tpu.memory_space<hbm>>) dst(%arg10 : memref<80xi32, #tpu.memory_space<vmem>>)
        tpu.yield
      }) : () -> ()
      %dma_start3A_54 = arith.constant 0 : i32
      %dma_start3A_55 = arith.constant 0 : i32
      %dma_start3A_56 = tpu.memref_slice %arg2[%dma_start3A_54, %dma_start3A_55] : memref<10000x128xf32, #tpu.memory_space<hbm>> -> memref<10000x128xf32, #tpu.memory_space<hbm>>
      tpu.enqueue_indirect_dma source(%dma_start3A_56 : memref<10000x128xf32, #tpu.memory_space<hbm>>) target(%arg12 : memref<80x128xf32, #tpu.memory_space<vmem>>) offsets(%arg9 : memref<80xi32, #tpu.memory_space<vmem>>) semaphore(%arg15 : memref<!tpu.dma_semaphore, #tpu.memory_space<semaphore_mem>>)
      %dma_wait3A_57 = arith.constant 0 : i32
      %dma_wait3A_58 = arith.constant 0 : i32
      %dma_wait3A_59 = tpu.memref_slice %arg2[%dma_wait3A_57, %dma_wait3A_58] : memref<10000x128xf32, #tpu.memory_space<hbm>> -> memref<10000x128xf32, #tpu.memory_space<hbm>>
      tpu.wait_indirect_dma semaphore(%arg14 : memref<!tpu.dma_semaphore, #tpu.memory_space<semaphore_mem>>) src(%dma_wait3A_59 : memref<10000x128xf32, #tpu.memory_space<hbm>>) dst(%arg11 : memref<80x128xf32, #tpu.memory_space<vmem>>)
      "tpu.region"() ({
        %run_scoped3A = tpu.sem_alloc : memref<!tpu.dma_semaphore, #tpu.memory_space<semaphore_mem>>
        %dma_start3A_76 = arith.constant 0 : i32
        %dma_start3A_77 = arith.constant 0 : i32
        %dma_start3A_78 = tpu.memref_slice %arg13[%dma_start3A_76, %dma_start3A_77] : memref<10000x128xf32, #tpu.memory_space<vmem_shared>> -> memref<10000x128xf32, #tpu.memory_space<vmem_shared>>
        tpu.enqueue_indirect_dma source(%arg11 : memref<80x128xf32, #tpu.memory_space<vmem>>) target(%dma_start3A_78 : memref<10000x128xf32, #tpu.memory_space<vmem_shared>>) offsets(%arg8 : memref<80xi32, #tpu.memory_space<vmem>>) semaphore(%run_scoped3A : memref<!tpu.dma_semaphore, #tpu.memory_space<semaphore_mem>>) {add = true}
        %dma_wait3A_79 = arith.constant 0 : i32
        %dma_wait3A_80 = arith.constant 0 : i32
        %dma_wait3A_81 = tpu.memref_slice %arg13[%dma_wait3A_79, %dma_wait3A_80] : memref<10000x128xf32, #tpu.memory_space<vmem_shared>> -> memref<10000x128xf32, #tpu.memory_space<vmem_shared>>
        tpu.wait_indirect_dma semaphore(%run_scoped3A : memref<!tpu.dma_semaphore, #tpu.memory_space<semaphore_mem>>) src(%arg11 : memref<80x128xf32, #tpu.memory_space<vmem>>) dst(%dma_wait3A_81 : memref<10000x128xf32, #tpu.memory_space<vmem_shared>>)
        tpu.yield
      }) : () -> ()
      %mul3A_60 = arith.constant 32 : i32
      %mul3A_61 = arith.muli %mul3A_60, %add3A_43 : i32
      %add3A_62 = arith.addi %add3A, %mul3A_61 : i32
      %mul3A_63 = arith.constant 80 : i32
      %mul3A_64 = arith.muli %add3A_62, %mul3A_63 : i32
      "tpu.region"() ({
        %run_scoped3A = tpu.sem_alloc : memref<!tpu.dma_semaphore, #tpu.memory_space<semaphore_mem>>
        %dma_start3A_76 = tpu.memref_slice %arg3[%mul3A_64] : memref<320000xi32, #tpu.memory_space<hbm>> -> memref<80xi32, #tpu.memory_space<hbm>>
        %dma_start3A_77 = tpu.memref_slice %arg3[%mul3A_64] : memref<320000xi32, #tpu.memory_space<hbm>> -> memref<80xi32, #tpu.memory_space<hbm>>
        tpu.enqueue_dma source(%dma_start3A_77 : memref<80xi32, #tpu.memory_space<hbm>>) target(%arg7 : memref<80xi32, #tpu.memory_space<vmem>>) target_semaphore(%run_scoped3A : memref<!tpu.dma_semaphore, #tpu.memory_space<semaphore_mem>>)
        %dma_wait3A_78 = tpu.memref_slice %arg3[%mul3A_64] : memref<320000xi32, #tpu.memory_space<hbm>> -> memref<80xi32, #tpu.memory_space<hbm>>
        %dma_wait3A_79 = tpu.memref_slice %arg3[%mul3A_64] : memref<320000xi32, #tpu.memory_space<hbm>> -> memref<80xi32, #tpu.memory_space<hbm>>
        tpu.wait_dma2 semaphore(%run_scoped3A : memref<!tpu.dma_semaphore, #tpu.memory_space<semaphore_mem>>) src(%dma_wait3A_79 : memref<80xi32, #tpu.memory_space<hbm>>) dst(%arg7 : memref<80xi32, #tpu.memory_space<vmem>>)
        tpu.yield
      }) : () -> ()
      %mul3A_65 = arith.constant 32 : i32
      %mul3A_66 = arith.muli %mul3A_65, %add3A_43 : i32
      %add3A_67 = arith.addi %add3A, %mul3A_66 : i32
      %mul3A_68 = arith.constant 80 : i32
      %mul3A_69 = arith.muli %add3A_67, %mul3A_68 : i32
      "tpu.region"() ({
        %run_scoped3A = tpu.sem_alloc : memref<!tpu.dma_semaphore, #tpu.memory_space<semaphore_mem>>
        %dma_start3A_76 = tpu.memref_slice %arg4[%mul3A_69] : memref<320000xi32, #tpu.memory_space<hbm>> -> memref<80xi32, #tpu.memory_space<hbm>>
        %dma_start3A_77 = tpu.memref_slice %arg4[%mul3A_69] : memref<320000xi32, #tpu.memory_space<hbm>> -> memref<80xi32, #tpu.memory_space<hbm>>
        tpu.enqueue_dma source(%dma_start3A_77 : memref<80xi32, #tpu.memory_space<hbm>>) target(%arg8 : memref<80xi32, #tpu.memory_space<vmem>>) target_semaphore(%run_scoped3A : memref<!tpu.dma_semaphore, #tpu.memory_space<semaphore_mem>>)
        %dma_wait3A_78 = tpu.memref_slice %arg4[%mul3A_69] : memref<320000xi32, #tpu.memory_space<hbm>> -> memref<80xi32, #tpu.memory_space<hbm>>
        %dma_wait3A_79 = tpu.memref_slice %arg4[%mul3A_69] : memref<320000xi32, #tpu.memory_space<hbm>> -> memref<80xi32, #tpu.memory_space<hbm>>
        tpu.wait_dma2 semaphore(%run_scoped3A : memref<!tpu.dma_semaphore, #tpu.memory_space<semaphore_mem>>) src(%dma_wait3A_79 : memref<80xi32, #tpu.memory_space<hbm>>) dst(%arg8 : memref<80xi32, #tpu.memory_space<vmem>>)
        tpu.yield
      }) : () -> ()
      %dma_start3A_70 = arith.constant 0 : i32
      %dma_start3A_71 = arith.constant 0 : i32
      %dma_start3A_72 = tpu.memref_slice %arg2[%dma_start3A_70, %dma_start3A_71] : memref<10000x128xf32, #tpu.memory_space<hbm>> -> memref<10000x128xf32, #tpu.memory_space<hbm>>
      tpu.enqueue_indirect_dma source(%dma_start3A_72 : memref<10000x128xf32, #tpu.memory_space<hbm>>) target(%arg11 : memref<80x128xf32, #tpu.memory_space<vmem>>) offsets(%arg7 : memref<80xi32, #tpu.memory_space<vmem>>) semaphore(%arg14 : memref<!tpu.dma_semaphore, #tpu.memory_space<semaphore_mem>>)
      %dma_wait3A_73 = arith.constant 0 : i32
      %dma_wait3A_74 = arith.constant 0 : i32
      %dma_wait3A_75 = tpu.memref_slice %arg2[%dma_wait3A_73, %dma_wait3A_74] : memref<10000x128xf32, #tpu.memory_space<hbm>> -> memref<10000x128xf32, #tpu.memory_space<hbm>>
      tpu.wait_indirect_dma semaphore(%arg15 : memref<!tpu.dma_semaphore, #tpu.memory_space<semaphore_mem>>) src(%dma_wait3A_75 : memref<10000x128xf32, #tpu.memory_space<hbm>>) dst(%arg12 : memref<80x128xf32, #tpu.memory_space<vmem>>)
      "tpu.region"() ({
        %run_scoped3A = tpu.sem_alloc : memref<!tpu.dma_semaphore, #tpu.memory_space<semaphore_mem>>
        %dma_start3A_76 = arith.constant 0 : i32
        %dma_start3A_77 = arith.constant 0 : i32
        %dma_start3A_78 = tpu.memref_slice %arg13[%dma_start3A_76, %dma_start3A_77] : memref<10000x128xf32, #tpu.memory_space<vmem_shared>> -> memref<10000x128xf32, #tpu.memory_space<vmem_shared>>
        tpu.enqueue_indirect_dma source(%arg12 : memref<80x128xf32, #tpu.memory_space<vmem>>) target(%dma_start3A_78 : memref<10000x128xf32, #tpu.memory_space<vmem_shared>>) offsets(%arg10 : memref<80xi32, #tpu.memory_space<vmem>>) semaphore(%run_scoped3A : memref<!tpu.dma_semaphore, #tpu.memory_space<semaphore_mem>>) {add = true}
        %dma_wait3A_79 = arith.constant 0 : i32
        %dma_wait3A_80 = arith.constant 0 : i32
        %dma_wait3A_81 = tpu.memref_slice %arg13[%dma_wait3A_79, %dma_wait3A_80] : memref<10000x128xf32, #tpu.memory_space<vmem_shared>> -> memref<10000x128xf32, #tpu.memory_space<vmem_shared>>
        tpu.wait_indirect_dma semaphore(%run_scoped3A : memref<!tpu.dma_semaphore, #tpu.memory_space<semaphore_mem>>) src(%arg12 : memref<80x128xf32, #tpu.memory_space<vmem>>) dst(%dma_wait3A_81 : memref<10000x128xf32, #tpu.memory_space<vmem_shared>>)
        tpu.yield
      }) : () -> ()
    }
    %scan3A_21 = arith.constant 62 : i32
    %dma_wait3A = arith.constant 0 : i32
    %dma_wait3A_22 = arith.constant 0 : i32
    %dma_wait3A_23 = tpu.memref_slice %arg2[%dma_wait3A, %dma_wait3A_22] : memref<10000x128xf32, #tpu.memory_space<hbm>> -> memref<10000x128xf32, #tpu.memory_space<hbm>>
    tpu.wait_indirect_dma semaphore(%arg14 : memref<!tpu.dma_semaphore, #tpu.memory_space<semaphore_mem>>) src(%dma_wait3A_23 : memref<10000x128xf32, #tpu.memory_space<hbm>>) dst(%arg11 : memref<80x128xf32, #tpu.memory_space<vmem>>)
    "tpu.region"() ({
      %run_scoped3A = tpu.sem_alloc : memref<!tpu.dma_semaphore, #tpu.memory_space<semaphore_mem>>
      %dma_start3A_37 = arith.constant 0 : i32
      %dma_start3A_38 = arith.constant 0 : i32
      %dma_start3A_39 = tpu.memref_slice %arg13[%dma_start3A_37, %dma_start3A_38] : memref<10000x128xf32, #tpu.memory_space<vmem_shared>> -> memref<10000x128xf32, #tpu.memory_space<vmem_shared>>
      tpu.enqueue_indirect_dma source(%arg11 : memref<80x128xf32, #tpu.memory_space<vmem>>) target(%dma_start3A_39 : memref<10000x128xf32, #tpu.memory_space<vmem_shared>>) offsets(%arg8 : memref<80xi32, #tpu.memory_space<vmem>>) semaphore(%run_scoped3A : memref<!tpu.dma_semaphore, #tpu.memory_space<semaphore_mem>>) {add = true}
      %dma_wait3A_40 = arith.constant 0 : i32
      %dma_wait3A_41 = arith.constant 0 : i32
      %dma_wait3A_42 = tpu.memref_slice %arg13[%dma_wait3A_40, %dma_wait3A_41] : memref<10000x128xf32, #tpu.memory_space<vmem_shared>> -> memref<10000x128xf32, #tpu.memory_space<vmem_shared>>
      tpu.wait_indirect_dma semaphore(%run_scoped3A : memref<!tpu.dma_semaphore, #tpu.memory_space<semaphore_mem>>) src(%arg11 : memref<80x128xf32, #tpu.memory_space<vmem>>) dst(%dma_wait3A_42 : memref<10000x128xf32, #tpu.memory_space<vmem_shared>>)
      tpu.yield
    }) : () -> ()
    %barrier3A_24 = arith.constant 0 : index
    tpu.barrier barrier_id(%barrier3A_24)
    %mul3A_25 = arith.constant 624 : i32
    %mul3A_26 = arith.muli %arg1, %mul3A_25 : i32
    %mul3A_27 = arith.constant 10000 : i32
    %mul3A_28 = arith.muli %arg0, %mul3A_27 : i32
    %mul3A_29 = arith.constant 624 : i32
    %mul3A_30 = arith.muli %arg1, %mul3A_29 : i32
    %add3A_31 = arith.addi %mul3A_28, %mul3A_30 : i32
    "tpu.region"() ({
      %run_scoped3A = tpu.sem_alloc : memref<!tpu.dma_semaphore, #tpu.memory_space<semaphore_mem>>
      %dma_start3A_37 = arith.constant 0 : i32
      %dma_start3A_38 = tpu.memref_slice %arg6[%add3A_31, %dma_start3A_37] : memref<20000x128xf32, #tpu.memory_space<hbm>> -> memref<624x128xf32, #tpu.memory_space<hbm>>
      %dma_start3A_39 = arith.constant 0 : i32
      %dma_start3A_40 = tpu.memref_slice %arg13[%mul3A_26, %dma_start3A_39] : memref<10000x128xf32, #tpu.memory_space<vmem_shared>> -> memref<624x128xf32, #tpu.memory_space<vmem_shared>>
      tpu.enqueue_dma source(%dma_start3A_40 : memref<624x128xf32, #tpu.memory_space<vmem_shared>>) target(%dma_start3A_38 : memref<624x128xf32, #tpu.memory_space<hbm>>) target_semaphore(%run_scoped3A : memref<!tpu.dma_semaphore, #tpu.memory_space<semaphore_mem>>)
      %dma_wait3A_41 = arith.constant 0 : i32
      %dma_wait3A_42 = tpu.memref_slice %arg6[%add3A_31, %dma_wait3A_41] : memref<20000x128xf32, #tpu.memory_space<hbm>> -> memref<624x128xf32, #tpu.memory_space<hbm>>
      %dma_wait3A_43 = arith.constant 0 : i32
      %dma_wait3A_44 = tpu.memref_slice %arg13[%mul3A_26, %dma_wait3A_43] : memref<10000x128xf32, #tpu.memory_space<vmem_shared>> -> memref<624x128xf32, #tpu.memory_space<vmem_shared>>
      tpu.wait_dma2 semaphore(%run_scoped3A : memref<!tpu.dma_semaphore, #tpu.memory_space<semaphore_mem>>) src(%dma_wait3A_44 : memref<624x128xf32, #tpu.memory_space<vmem_shared>>) dst(%dma_wait3A_42 : memref<624x128xf32, #tpu.memory_space<hbm>>)
      tpu.yield
    }) : () -> ()
    %eq3A_32 = arith.constant 0 : i32
    %eq3A_33 = arith.cmpi eq, %arg1, %eq3A_32 : i32
    %convert_element_type3A_34 = arith.extui %eq3A_33 : i1 to i32
    %cond3A_35 = arith.constant 0 : i32
    %cond3A_36 = arith.cmpi ne, %convert_element_type3A_34, %cond3A_35 : i32
    scf.if %cond3A_36 {
      %mul3A_37 = arith.constant 10000 : i32
      %mul3A_38 = arith.muli %arg0, %mul3A_37 : i32
      %add3A_39 = arith.constant 9984 : i32
      %add3A_40 = arith.addi %mul3A_38, %add3A_39 : i32
      "tpu.region"() ({
        %run_scoped3A = tpu.sem_alloc : memref<!tpu.dma_semaphore, #tpu.memory_space<semaphore_mem>>
        %dma_start3A_41 = arith.constant 0 : i32
        %dma_start3A_42 = tpu.memref_slice %arg6[%add3A_40, %dma_start3A_41] : memref<20000x128xf32, #tpu.memory_space<hbm>> -> memref<16x128xf32, #tpu.memory_space<hbm>>
        %dma_start3A_43 = arith.constant 9984 : i32
        %dma_start3A_44 = arith.constant 0 : i32
        %dma_start3A_45 = tpu.memref_slice %arg13[%dma_start3A_43, %dma_start3A_44] : memref<10000x128xf32, #tpu.memory_space<vmem_shared>> -> memref<16x128xf32, #tpu.memory_space<vmem_shared>>
        tpu.enqueue_dma source(%dma_start3A_45 : memref<16x128xf32, #tpu.memory_space<vmem_shared>>) target(%dma_start3A_42 : memref<16x128xf32, #tpu.memory_space<hbm>>) target_semaphore(%run_scoped3A : memref<!tpu.dma_semaphore, #tpu.memory_space<semaphore_mem>>)
        %dma_wait3A_46 = arith.constant 0 : i32
        %dma_wait3A_47 = tpu.memref_slice %arg6[%add3A_40, %dma_wait3A_46] : memref<20000x128xf32, #tpu.memory_space<hbm>> -> memref<16x128xf32, #tpu.memory_space<hbm>>
        %dma_wait3A_48 = arith.constant 9984 : i32
        %dma_wait3A_49 = arith.constant 0 : i32
        %dma_wait3A_50 = tpu.memref_slice %arg13[%dma_wait3A_48, %dma_wait3A_49] : memref<10000x128xf32, #tpu.memory_space<vmem_shared>> -> memref<16x128xf32, #tpu.memory_space<vmem_shared>>
        tpu.wait_dma2 semaphore(%run_scoped3A : memref<!tpu.dma_semaphore, #tpu.memory_space<semaphore_mem>>) src(%dma_wait3A_50 : memref<16x128xf32, #tpu.memory_space<vmem_shared>>) dst(%dma_wait3A_47 : memref<16x128xf32, #tpu.memory_space<hbm>>)
        tpu.yield
      }) : () -> ()
    } else {
    }
    return
  }
}

#map = affine_map<(d0, d1) -> (0)>
#map1 = affine_map<(d0, d1) -> (0, 0)>
module attributes {stable_mosaic.version = 14 : i64} {
  func.func @cnt(%arg0: i32, %arg1: i32, %arg2: memref<320000xi32, #tpu.memory_space<hbm>>, %arg3: memref<80x128xf32, #tpu.memory_space<hbm>>, %arg4: memref<10000x128xf32, #tpu.memory_space<hbm>>, %arg5: memref<20000x128xf32, #tpu.memory_space<hbm>>, %arg6: memref<80xi32, #tpu.memory_space<vmem>>, %arg7: memref<80x128xf32, #tpu.memory_space<vmem>>, %arg8: memref<10000x128xf32, #tpu.memory_space<vmem_shared>>) attributes {dimension_semantics = [#tpu.dimension_semantics<core_parallel>, #tpu.dimension_semantics<subcore_parallel>], iteration_bounds = array<i64: 2, 16>, scalar_prefetch = 0 : i64, scratch_operands = 3 : i64, tpu.core_type = #tpu.core_type<sc_vector_subcore>, window_params = [{transform_indices = #map}, {transform_indices = #map1}, {transform_indices = #map1}, {transform_indices = #map1}]} {
    %mul3A = arith.constant 2 : i32
    %mul3A_0 = arith.muli %arg1, %mul3A : i32
    %add3A = arith.addi %mul3A_0, %arg0 : i32
    "tpu.region"() ({
      %run_scoped3A = tpu.sem_alloc : memref<!tpu.dma_semaphore, #tpu.memory_space<semaphore_mem>>
      tpu.enqueue_dma source(%arg3 : memref<80x128xf32, #tpu.memory_space<hbm>>) target(%arg7 : memref<80x128xf32, #tpu.memory_space<vmem>>) target_semaphore(%run_scoped3A : memref<!tpu.dma_semaphore, #tpu.memory_space<semaphore_mem>>)
      tpu.wait_dma2 semaphore(%run_scoped3A : memref<!tpu.dma_semaphore, #tpu.memory_space<semaphore_mem>>) src(%arg3 : memref<80x128xf32, #tpu.memory_space<hbm>>) dst(%arg7 : memref<80x128xf32, #tpu.memory_space<vmem>>)
      tpu.yield
    }) : () -> ()
    %mul3A_1 = arith.constant 624 : i32
    %mul3A_2 = arith.muli %arg1, %mul3A_1 : i32
    %mul3A_3 = arith.constant 624 : i32
    %mul3A_4 = arith.muli %arg1, %mul3A_3 : i32
    "tpu.region"() ({
      %run_scoped3A = tpu.sem_alloc : memref<!tpu.dma_semaphore, #tpu.memory_space<semaphore_mem>>
      %dma_start3A = arith.constant 0 : i32
      %dma_start3A_25 = tpu.memref_slice %arg8[%mul3A_4, %dma_start3A] : memref<10000x128xf32, #tpu.memory_space<vmem_shared>> -> memref<624x128xf32, #tpu.memory_space<vmem_shared>>
      %dma_start3A_26 = arith.constant 0 : i32
      %dma_start3A_27 = tpu.memref_slice %arg4[%mul3A_2, %dma_start3A_26] : memref<10000x128xf32, #tpu.memory_space<hbm>> -> memref<624x128xf32, #tpu.memory_space<hbm>>
      tpu.enqueue_dma source(%dma_start3A_27 : memref<624x128xf32, #tpu.memory_space<hbm>>) target(%dma_start3A_25 : memref<624x128xf32, #tpu.memory_space<vmem_shared>>) target_semaphore(%run_scoped3A : memref<!tpu.dma_semaphore, #tpu.memory_space<semaphore_mem>>)
      %dma_wait3A = arith.constant 0 : i32
      %dma_wait3A_28 = tpu.memref_slice %arg8[%mul3A_4, %dma_wait3A] : memref<10000x128xf32, #tpu.memory_space<vmem_shared>> -> memref<624x128xf32, #tpu.memory_space<vmem_shared>>
      %dma_wait3A_29 = arith.constant 0 : i32
      %dma_wait3A_30 = tpu.memref_slice %arg4[%mul3A_2, %dma_wait3A_29] : memref<10000x128xf32, #tpu.memory_space<hbm>> -> memref<624x128xf32, #tpu.memory_space<hbm>>
      tpu.wait_dma2 semaphore(%run_scoped3A : memref<!tpu.dma_semaphore, #tpu.memory_space<semaphore_mem>>) src(%dma_wait3A_30 : memref<624x128xf32, #tpu.memory_space<hbm>>) dst(%dma_wait3A_28 : memref<624x128xf32, #tpu.memory_space<vmem_shared>>)
      tpu.yield
    }) : () -> ()
    %eq3A = arith.constant 0 : i32
    %eq3A_5 = arith.cmpi eq, %arg1, %eq3A : i32
    %convert_element_type3A = arith.extui %eq3A_5 : i1 to i32
    %cond3A = arith.constant 0 : i32
    %cond3A_6 = arith.cmpi ne, %convert_element_type3A, %cond3A : i32
    scf.if %cond3A_6 {
      "tpu.region"() ({
        %run_scoped3A = tpu.sem_alloc : memref<!tpu.dma_semaphore, #tpu.memory_space<semaphore_mem>>
        %dma_start3A = arith.constant 9984 : i32
        %dma_start3A_25 = arith.constant 0 : i32
        %dma_start3A_26 = tpu.memref_slice %arg8[%dma_start3A, %dma_start3A_25] : memref<10000x128xf32, #tpu.memory_space<vmem_shared>> -> memref<16x128xf32, #tpu.memory_space<vmem_shared>>
        %dma_start3A_27 = arith.constant 9984 : i32
        %dma_start3A_28 = arith.constant 0 : i32
        %dma_start3A_29 = tpu.memref_slice %arg4[%dma_start3A_27, %dma_start3A_28] : memref<10000x128xf32, #tpu.memory_space<hbm>> -> memref<16x128xf32, #tpu.memory_space<hbm>>
        tpu.enqueue_dma source(%dma_start3A_29 : memref<16x128xf32, #tpu.memory_space<hbm>>) target(%dma_start3A_26 : memref<16x128xf32, #tpu.memory_space<vmem_shared>>) target_semaphore(%run_scoped3A : memref<!tpu.dma_semaphore, #tpu.memory_space<semaphore_mem>>)
        %dma_wait3A = arith.constant 9984 : i32
        %dma_wait3A_30 = arith.constant 0 : i32
        %dma_wait3A_31 = tpu.memref_slice %arg8[%dma_wait3A, %dma_wait3A_30] : memref<10000x128xf32, #tpu.memory_space<vmem_shared>> -> memref<16x128xf32, #tpu.memory_space<vmem_shared>>
        %dma_wait3A_32 = arith.constant 9984 : i32
        %dma_wait3A_33 = arith.constant 0 : i32
        %dma_wait3A_34 = tpu.memref_slice %arg4[%dma_wait3A_32, %dma_wait3A_33] : memref<10000x128xf32, #tpu.memory_space<hbm>> -> memref<16x128xf32, #tpu.memory_space<hbm>>
        tpu.wait_dma2 semaphore(%run_scoped3A : memref<!tpu.dma_semaphore, #tpu.memory_space<semaphore_mem>>) src(%dma_wait3A_34 : memref<16x128xf32, #tpu.memory_space<hbm>>) dst(%dma_wait3A_31 : memref<16x128xf32, #tpu.memory_space<vmem_shared>>)
        tpu.yield
      }) : () -> ()
    } else {
    }
    %barrier3A = arith.constant 0 : index
    tpu.barrier barrier_id(%barrier3A)
    %scan3A = arith.constant 0 : i32
    %scan3A_7 = arith.constant 0 : i32
    %scan3A_8 = arith.constant 125 : i32
    %scan3A_9 = arith.addi %scan3A_7, %scan3A_8 : i32
    %scan3A_10 = arith.constant 1 : i32
    scf.for %scan3A_25 = %scan3A_7 to %scan3A_9 step %scan3A_10  : i32 {
      %mul3A_26 = arith.constant 32 : i32
      %mul3A_27 = arith.muli %mul3A_26, %scan3A_25 : i32
      %add3A_28 = arith.addi %add3A, %mul3A_27 : i32
      %mul3A_29 = arith.constant 80 : i32
      %mul3A_30 = arith.muli %add3A_28, %mul3A_29 : i32
      "tpu.region"() ({
        %run_scoped3A = tpu.sem_alloc : memref<!tpu.dma_semaphore, #tpu.memory_space<semaphore_mem>>
        %dma_start3A = tpu.memref_slice %arg2[%mul3A_30] : memref<320000xi32, #tpu.memory_space<hbm>> -> memref<80xi32, #tpu.memory_space<hbm>>
        %dma_start3A_31 = tpu.memref_slice %arg2[%mul3A_30] : memref<320000xi32, #tpu.memory_space<hbm>> -> memref<80xi32, #tpu.memory_space<hbm>>
        tpu.enqueue_dma source(%dma_start3A_31 : memref<80xi32, #tpu.memory_space<hbm>>) target(%arg6 : memref<80xi32, #tpu.memory_space<vmem>>) target_semaphore(%run_scoped3A : memref<!tpu.dma_semaphore, #tpu.memory_space<semaphore_mem>>)
        %dma_wait3A = tpu.memref_slice %arg2[%mul3A_30] : memref<320000xi32, #tpu.memory_space<hbm>> -> memref<80xi32, #tpu.memory_space<hbm>>
        %dma_wait3A_32 = tpu.memref_slice %arg2[%mul3A_30] : memref<320000xi32, #tpu.memory_space<hbm>> -> memref<80xi32, #tpu.memory_space<hbm>>
        tpu.wait_dma2 semaphore(%run_scoped3A : memref<!tpu.dma_semaphore, #tpu.memory_space<semaphore_mem>>) src(%dma_wait3A_32 : memref<80xi32, #tpu.memory_space<hbm>>) dst(%arg6 : memref<80xi32, #tpu.memory_space<vmem>>)
        tpu.yield
      }) : () -> ()
      "tpu.region"() ({
        %run_scoped3A = tpu.sem_alloc : memref<!tpu.dma_semaphore, #tpu.memory_space<semaphore_mem>>
        %dma_start3A = arith.constant 0 : i32
        %dma_start3A_31 = arith.constant 0 : i32
        %dma_start3A_32 = tpu.memref_slice %arg8[%dma_start3A, %dma_start3A_31] : memref<10000x128xf32, #tpu.memory_space<vmem_shared>> -> memref<10000x128xf32, #tpu.memory_space<vmem_shared>>
        tpu.enqueue_indirect_dma source(%arg7 : memref<80x128xf32, #tpu.memory_space<vmem>>) target(%dma_start3A_32 : memref<10000x128xf32, #tpu.memory_space<vmem_shared>>) offsets(%arg6 : memref<80xi32, #tpu.memory_space<vmem>>) semaphore(%run_scoped3A : memref<!tpu.dma_semaphore, #tpu.memory_space<semaphore_mem>>) {add = true}
        %dma_wait3A = arith.constant 0 : i32
        %dma_wait3A_33 = arith.constant 0 : i32
        %dma_wait3A_34 = tpu.memref_slice %arg8[%dma_wait3A, %dma_wait3A_33] : memref<10000x128xf32, #tpu.memory_space<vmem_shared>> -> memref<10000x128xf32, #tpu.memory_space<vmem_shared>>
        tpu.wait_indirect_dma semaphore(%run_scoped3A : memref<!tpu.dma_semaphore, #tpu.memory_space<semaphore_mem>>) src(%arg7 : memref<80x128xf32, #tpu.memory_space<vmem>>) dst(%dma_wait3A_34 : memref<10000x128xf32, #tpu.memory_space<vmem_shared>>)
        tpu.yield
      }) : () -> ()
    }
    %scan3A_11 = arith.constant 125 : i32
    %barrier3A_12 = arith.constant 0 : index
    tpu.barrier barrier_id(%barrier3A_12)
    %mul3A_13 = arith.constant 624 : i32
    %mul3A_14 = arith.muli %arg1, %mul3A_13 : i32
    %mul3A_15 = arith.constant 10000 : i32
    %mul3A_16 = arith.muli %arg0, %mul3A_15 : i32
    %mul3A_17 = arith.constant 624 : i32
    %mul3A_18 = arith.muli %arg1, %mul3A_17 : i32
    %add3A_19 = arith.addi %mul3A_16, %mul3A_18 : i32
    "tpu.region"() ({
      %run_scoped3A = tpu.sem_alloc : memref<!tpu.dma_semaphore, #tpu.memory_space<semaphore_mem>>
      %dma_start3A = arith.constant 0 : i32
      %dma_start3A_25 = tpu.memref_slice %arg5[%add3A_19, %dma_start3A] : memref<20000x128xf32, #tpu.memory_space<hbm>> -> memref<624x128xf32, #tpu.memory_space<hbm>>
      %dma_start3A_26 = arith.constant 0 : i32
      %dma_start3A_27 = tpu.memref_slice %arg8[%mul3A_14, %dma_start3A_26] : memref<10000x128xf32, #tpu.memory_space<vmem_shared>> -> memref<624x128xf32, #tpu.memory_space<vmem_shared>>
      tpu.enqueue_dma source(%dma_start3A_27 : memref<624x128xf32, #tpu.memory_space<vmem_shared>>) target(%dma_start3A_25 : memref<624x128xf32, #tpu.memory_space<hbm>>) target_semaphore(%run_scoped3A : memref<!tpu.dma_semaphore, #tpu.memory_space<semaphore_mem>>)
      %dma_wait3A = arith.constant 0 : i32
      %dma_wait3A_28 = tpu.memref_slice %arg5[%add3A_19, %dma_wait3A] : memref<20000x128xf32, #tpu.memory_space<hbm>> -> memref<624x128xf32, #tpu.memory_space<hbm>>
      %dma_wait3A_29 = arith.constant 0 : i32
      %dma_wait3A_30 = tpu.memref_slice %arg8[%mul3A_14, %dma_wait3A_29] : memref<10000x128xf32, #tpu.memory_space<vmem_shared>> -> memref<624x128xf32, #tpu.memory_space<vmem_shared>>
      tpu.wait_dma2 semaphore(%run_scoped3A : memref<!tpu.dma_semaphore, #tpu.memory_space<semaphore_mem>>) src(%dma_wait3A_30 : memref<624x128xf32, #tpu.memory_space<vmem_shared>>) dst(%dma_wait3A_28 : memref<624x128xf32, #tpu.memory_space<hbm>>)
      tpu.yield
    }) : () -> ()
    %eq3A_20 = arith.constant 0 : i32
    %eq3A_21 = arith.cmpi eq, %arg1, %eq3A_20 : i32
    %convert_element_type3A_22 = arith.extui %eq3A_21 : i1 to i32
    %cond3A_23 = arith.constant 0 : i32
    %cond3A_24 = arith.cmpi ne, %convert_element_type3A_22, %cond3A_23 : i32
    scf.if %cond3A_24 {
      %mul3A_25 = arith.constant 10000 : i32
      %mul3A_26 = arith.muli %arg0, %mul3A_25 : i32
      %add3A_27 = arith.constant 9984 : i32
      %add3A_28 = arith.addi %mul3A_26, %add3A_27 : i32
      "tpu.region"() ({
        %run_scoped3A = tpu.sem_alloc : memref<!tpu.dma_semaphore, #tpu.memory_space<semaphore_mem>>
        %dma_start3A = arith.constant 0 : i32
        %dma_start3A_29 = tpu.memref_slice %arg5[%add3A_28, %dma_start3A] : memref<20000x128xf32, #tpu.memory_space<hbm>> -> memref<16x128xf32, #tpu.memory_space<hbm>>
        %dma_start3A_30 = arith.constant 9984 : i32
        %dma_start3A_31 = arith.constant 0 : i32
        %dma_start3A_32 = tpu.memref_slice %arg8[%dma_start3A_30, %dma_start3A_31] : memref<10000x128xf32, #tpu.memory_space<vmem_shared>> -> memref<16x128xf32, #tpu.memory_space<vmem_shared>>
        tpu.enqueue_dma source(%dma_start3A_32 : memref<16x128xf32, #tpu.memory_space<vmem_shared>>) target(%dma_start3A_29 : memref<16x128xf32, #tpu.memory_space<hbm>>) target_semaphore(%run_scoped3A : memref<!tpu.dma_semaphore, #tpu.memory_space<semaphore_mem>>)
        %dma_wait3A = arith.constant 0 : i32
        %dma_wait3A_33 = tpu.memref_slice %arg5[%add3A_28, %dma_wait3A] : memref<20000x128xf32, #tpu.memory_space<hbm>> -> memref<16x128xf32, #tpu.memory_space<hbm>>
        %dma_wait3A_34 = arith.constant 9984 : i32
        %dma_wait3A_35 = arith.constant 0 : i32
        %dma_wait3A_36 = tpu.memref_slice %arg8[%dma_wait3A_34, %dma_wait3A_35] : memref<10000x128xf32, #tpu.memory_space<vmem_shared>> -> memref<16x128xf32, #tpu.memory_space<vmem_shared>>
        tpu.wait_dma2 semaphore(%run_scoped3A : memref<!tpu.dma_semaphore, #tpu.memory_space<semaphore_mem>>) src(%dma_wait3A_36 : memref<16x128xf32, #tpu.memory_space<vmem_shared>>) dst(%dma_wait3A_33 : memref<16x128xf32, #tpu.memory_space<hbm>>)
        tpu.yield
      }) : () -> ()
    } else {
    }
    return
  }
}

#map = affine_map<(d0, d1) -> (0, 0)>
#map1 = affine_map<(d0, d1) -> (0)>
module attributes {stable_mosaic.version = 14 : i64} {
  func.func @agg(%arg0: i32, %arg1: i32, %arg2: memref<10000x128xf32, #tpu.memory_space<hbm>>, %arg3: memref<320000xi32, #tpu.memory_space<hbm>>, %arg4: memref<320000xi32, #tpu.memory_space<hbm>>, %arg5: memref<10000x128xf32, #tpu.memory_space<hbm>>, %arg6: memref<20000x128xf32, #tpu.memory_space<hbm>>, %arg7: memref<80xi32, #tpu.memory_space<vmem>>, %arg8: memref<80xi32, #tpu.memory_space<vmem>>, %arg9: memref<80xi32, #tpu.memory_space<vmem>>, %arg10: memref<80xi32, #tpu.memory_space<vmem>>, %arg11: memref<80x128xf32, #tpu.memory_space<vmem>>, %arg12: memref<80x128xf32, #tpu.memory_space<vmem>>, %arg13: memref<10000x128xf32, #tpu.memory_space<vmem_shared>>, %arg14: memref<!tpu.dma_semaphore, #tpu.memory_space<semaphore_mem>>, %arg15: memref<!tpu.dma_semaphore, #tpu.memory_space<semaphore_mem>>) attributes {dimension_semantics = [#tpu.dimension_semantics<core_parallel>, #tpu.dimension_semantics<subcore_parallel>], iteration_bounds = array<i64: 2, 16>, scalar_prefetch = 0 : i64, scratch_operands = 9 : i64, tpu.core_type = #tpu.core_type<sc_vector_subcore>, window_params = [{transform_indices = #map}, {transform_indices = #map1}, {transform_indices = #map1}, {transform_indices = #map}, {transform_indices = #map}]} {
    %mul3A = arith.constant 2 : i32
    %mul3A_0 = arith.muli %arg1, %mul3A : i32
    %add3A = arith.addi %mul3A_0, %arg0 : i32
    %mul3A_1 = arith.constant 624 : i32
    %mul3A_2 = arith.muli %arg1, %mul3A_1 : i32
    %mul3A_3 = arith.constant 624 : i32
    %mul3A_4 = arith.muli %arg1, %mul3A_3 : i32
    "tpu.region"() ({
      %run_scoped3A = tpu.sem_alloc : memref<!tpu.dma_semaphore, #tpu.memory_space<semaphore_mem>>
      %dma_start3A_37 = arith.constant 0 : i32
      %dma_start3A_38 = tpu.memref_slice %arg13[%mul3A_4, %dma_start3A_37] : memref<10000x128xf32, #tpu.memory_space<vmem_shared>> -> memref<624x128xf32, #tpu.memory_space<vmem_shared>>
      %dma_start3A_39 = arith.constant 0 : i32
      %dma_start3A_40 = tpu.memref_slice %arg5[%mul3A_2, %dma_start3A_39] : memref<10000x128xf32, #tpu.memory_space<hbm>> -> memref<624x128xf32, #tpu.memory_space<hbm>>
      tpu.enqueue_dma source(%dma_start3A_40 : memref<624x128xf32, #tpu.memory_space<hbm>>) target(%dma_start3A_38 : memref<624x128xf32, #tpu.memory_space<vmem_shared>>) target_semaphore(%run_scoped3A : memref<!tpu.dma_semaphore, #tpu.memory_space<semaphore_mem>>)
      %dma_wait3A_41 = arith.constant 0 : i32
      %dma_wait3A_42 = tpu.memref_slice %arg13[%mul3A_4, %dma_wait3A_41] : memref<10000x128xf32, #tpu.memory_space<vmem_shared>> -> memref<624x128xf32, #tpu.memory_space<vmem_shared>>
      %dma_wait3A_43 = arith.constant 0 : i32
      %dma_wait3A_44 = tpu.memref_slice %arg5[%mul3A_2, %dma_wait3A_43] : memref<10000x128xf32, #tpu.memory_space<hbm>> -> memref<624x128xf32, #tpu.memory_space<hbm>>
      tpu.wait_dma2 semaphore(%run_scoped3A : memref<!tpu.dma_semaphore, #tpu.memory_space<semaphore_mem>>) src(%dma_wait3A_44 : memref<624x128xf32, #tpu.memory_space<hbm>>) dst(%dma_wait3A_42 : memref<624x128xf32, #tpu.memory_space<vmem_shared>>)
      tpu.yield
    }) : () -> ()
    %eq3A = arith.constant 0 : i32
    %eq3A_5 = arith.cmpi eq, %arg1, %eq3A : i32
    %convert_element_type3A = arith.extui %eq3A_5 : i1 to i32
    %cond3A = arith.constant 0 : i32
    %cond3A_6 = arith.cmpi ne, %convert_element_type3A, %cond3A : i32
    scf.if %cond3A_6 {
      "tpu.region"() ({
        %run_scoped3A = tpu.sem_alloc : memref<!tpu.dma_semaphore, #tpu.memory_space<semaphore_mem>>
        %dma_start3A_37 = arith.constant 9984 : i32
        %dma_start3A_38 = arith.constant 0 : i32
        %dma_start3A_39 = tpu.memref_slice %arg13[%dma_start3A_37, %dma_start3A_38] : memref<10000x128xf32, #tpu.memory_space<vmem_shared>> -> memref<16x128xf32, #tpu.memory_space<vmem_shared>>
        %dma_start3A_40 = arith.constant 9984 : i32
        %dma_start3A_41 = arith.constant 0 : i32
        %dma_start3A_42 = tpu.memref_slice %arg5[%dma_start3A_40, %dma_start3A_41] : memref<10000x128xf32, #tpu.memory_space<hbm>> -> memref<16x128xf32, #tpu.memory_space<hbm>>
        tpu.enqueue_dma source(%dma_start3A_42 : memref<16x128xf32, #tpu.memory_space<hbm>>) target(%dma_start3A_39 : memref<16x128xf32, #tpu.memory_space<vmem_shared>>) target_semaphore(%run_scoped3A : memref<!tpu.dma_semaphore, #tpu.memory_space<semaphore_mem>>)
        %dma_wait3A_43 = arith.constant 9984 : i32
        %dma_wait3A_44 = arith.constant 0 : i32
        %dma_wait3A_45 = tpu.memref_slice %arg13[%dma_wait3A_43, %dma_wait3A_44] : memref<10000x128xf32, #tpu.memory_space<vmem_shared>> -> memref<16x128xf32, #tpu.memory_space<vmem_shared>>
        %dma_wait3A_46 = arith.constant 9984 : i32
        %dma_wait3A_47 = arith.constant 0 : i32
        %dma_wait3A_48 = tpu.memref_slice %arg5[%dma_wait3A_46, %dma_wait3A_47] : memref<10000x128xf32, #tpu.memory_space<hbm>> -> memref<16x128xf32, #tpu.memory_space<hbm>>
        tpu.wait_dma2 semaphore(%run_scoped3A : memref<!tpu.dma_semaphore, #tpu.memory_space<semaphore_mem>>) src(%dma_wait3A_48 : memref<16x128xf32, #tpu.memory_space<hbm>>) dst(%dma_wait3A_45 : memref<16x128xf32, #tpu.memory_space<vmem_shared>>)
        tpu.yield
      }) : () -> ()
    } else {
    }
    %barrier3A = arith.constant 0 : index
    tpu.barrier barrier_id(%barrier3A)
    %add3A_7 = arith.constant 0 : i32
    %add3A_8 = arith.addi %add3A, %add3A_7 : i32
    %mul3A_9 = arith.constant 80 : i32
    %mul3A_10 = arith.muli %add3A_8, %mul3A_9 : i32
    "tpu.region"() ({
      %run_scoped3A = tpu.sem_alloc : memref<!tpu.dma_semaphore, #tpu.memory_space<semaphore_mem>>
      %dma_start3A_37 = tpu.memref_slice %arg3[%mul3A_10] : memref<320000xi32, #tpu.memory_space<hbm>> -> memref<80xi32, #tpu.memory_space<hbm>>
      %dma_start3A_38 = tpu.memref_slice %arg3[%mul3A_10] : memref<320000xi32, #tpu.memory_space<hbm>> -> memref<80xi32, #tpu.memory_space<hbm>>
      tpu.enqueue_dma source(%dma_start3A_38 : memref<80xi32, #tpu.memory_space<hbm>>) target(%arg7 : memref<80xi32, #tpu.memory_space<vmem>>) target_semaphore(%run_scoped3A : memref<!tpu.dma_semaphore, #tpu.memory_space<semaphore_mem>>)
      %dma_wait3A_39 = tpu.memref_slice %arg3[%mul3A_10] : memref<320000xi32, #tpu.memory_space<hbm>> -> memref<80xi32, #tpu.memory_space<hbm>>
      %dma_wait3A_40 = tpu.memref_slice %arg3[%mul3A_10] : memref<320000xi32, #tpu.memory_space<hbm>> -> memref<80xi32, #tpu.memory_space<hbm>>
      tpu.wait_dma2 semaphore(%run_scoped3A : memref<!tpu.dma_semaphore, #tpu.memory_space<semaphore_mem>>) src(%dma_wait3A_40 : memref<80xi32, #tpu.memory_space<hbm>>) dst(%arg7 : memref<80xi32, #tpu.memory_space<vmem>>)
      tpu.yield
    }) : () -> ()
    %add3A_11 = arith.constant 0 : i32
    %add3A_12 = arith.addi %add3A, %add3A_11 : i32
    %mul3A_13 = arith.constant 80 : i32
    %mul3A_14 = arith.muli %add3A_12, %mul3A_13 : i32
    "tpu.region"() ({
      %run_scoped3A = tpu.sem_alloc : memref<!tpu.dma_semaphore, #tpu.memory_space<semaphore_mem>>
      %dma_start3A_37 = tpu.memref_slice %arg4[%mul3A_14] : memref<320000xi32, #tpu.memory_space<hbm>> -> memref<80xi32, #tpu.memory_space<hbm>>
      %dma_start3A_38 = tpu.memref_slice %arg4[%mul3A_14] : memref<320000xi32, #tpu.memory_space<hbm>> -> memref<80xi32, #tpu.memory_space<hbm>>
      tpu.enqueue_dma source(%dma_start3A_38 : memref<80xi32, #tpu.memory_space<hbm>>) target(%arg8 : memref<80xi32, #tpu.memory_space<vmem>>) target_semaphore(%run_scoped3A : memref<!tpu.dma_semaphore, #tpu.memory_space<semaphore_mem>>)
      %dma_wait3A_39 = tpu.memref_slice %arg4[%mul3A_14] : memref<320000xi32, #tpu.memory_space<hbm>> -> memref<80xi32, #tpu.memory_space<hbm>>
      %dma_wait3A_40 = tpu.memref_slice %arg4[%mul3A_14] : memref<320000xi32, #tpu.memory_space<hbm>> -> memref<80xi32, #tpu.memory_space<hbm>>
      tpu.wait_dma2 semaphore(%run_scoped3A : memref<!tpu.dma_semaphore, #tpu.memory_space<semaphore_mem>>) src(%dma_wait3A_40 : memref<80xi32, #tpu.memory_space<hbm>>) dst(%arg8 : memref<80xi32, #tpu.memory_space<vmem>>)
      tpu.yield
    }) : () -> ()
    %dma_start3A = arith.constant 0 : i32
    %dma_start3A_15 = arith.constant 0 : i32
    %dma_start3A_16 = tpu.memref_slice %arg2[%dma_start3A, %dma_start3A_15] : memref<10000x128xf32, #tpu.memory_space<hbm>> -> memref<10000x128xf32, #tpu.memory_space<hbm>>
    tpu.enqueue_indirect_dma source(%dma_start3A_16 : memref<10000x128xf32, #tpu.memory_space<hbm>>) target(%arg11 : memref<80x128xf32, #tpu.memory_space<vmem>>) offsets(%arg7 : memref<80xi32, #tpu.memory_space<vmem>>) semaphore(%arg14 : memref<!tpu.dma_semaphore, #tpu.memory_space<semaphore_mem>>)
    %scan3A = arith.constant 0 : i32
    %scan3A_17 = arith.constant 0 : i32
    %scan3A_18 = arith.constant 62 : i32
    %scan3A_19 = arith.addi %scan3A_17, %scan3A_18 : i32
    %scan3A_20 = arith.constant 1 : i32
    scf.for %scan3A_37 = %scan3A_17 to %scan3A_19 step %scan3A_20  : i32 {
      %mul3A_38 = arith.constant 2 : i32
      %mul3A_39 = arith.muli %mul3A_38, %scan3A_37 : i32
      %add3A_40 = arith.constant 1 : i32
      %add3A_41 = arith.addi %mul3A_39, %add3A_40 : i32
      %add3A_42 = arith.constant 2 : i32
      %add3A_43 = arith.addi %mul3A_39, %add3A_42 : i32
      %mul3A_44 = arith.constant 32 : i32
      %mul3A_45 = arith.muli %mul3A_44, %add3A_41 : i32
      %add3A_46 = arith.addi %add3A, %mul3A_45 : i32
      %mul3A_47 = arith.constant 80 : i32
      %mul3A_48 = arith.muli %add3A_46, %mul3A_47 : i32
      "tpu.region"() ({
        %run_scoped3A = tpu.sem_alloc : memref<!tpu.dma_semaphore, #tpu.memory_space<semaphore_mem>>
        %dma_start3A_76 = tpu.memref_slice %arg3[%mul3A_48] : memref<320000xi32, #tpu.memory_space<hbm>> -> memref<80xi32, #tpu.memory_space<hbm>>
        %dma_start3A_77 = tpu.memref_slice %arg3[%mul3A_48] : memref<320000xi32, #tpu.memory_space<hbm>> -> memref<80xi32, #tpu.memory_space<hbm>>
        tpu.enqueue_dma source(%dma_start3A_77 : memref<80xi32, #tpu.memory_space<hbm>>) target(%arg9 : memref<80xi32, #tpu.memory_space<vmem>>) target_semaphore(%run_scoped3A : memref<!tpu.dma_semaphore, #tpu.memory_space<semaphore_mem>>)
        %dma_wait3A_78 = tpu.memref_slice %arg3[%mul3A_48] : memref<320000xi32, #tpu.memory_space<hbm>> -> memref<80xi32, #tpu.memory_space<hbm>>
        %dma_wait3A_79 = tpu.memref_slice %arg3[%mul3A_48] : memref<320000xi32, #tpu.memory_space<hbm>> -> memref<80xi32, #tpu.memory_space<hbm>>
        tpu.wait_dma2 semaphore(%run_scoped3A : memref<!tpu.dma_semaphore, #tpu.memory_space<semaphore_mem>>) src(%dma_wait3A_79 : memref<80xi32, #tpu.memory_space<hbm>>) dst(%arg9 : memref<80xi32, #tpu.memory_space<vmem>>)
        tpu.yield
      }) : () -> ()
      %mul3A_49 = arith.constant 32 : i32
      %mul3A_50 = arith.muli %mul3A_49, %add3A_41 : i32
      %add3A_51 = arith.addi %add3A, %mul3A_50 : i32
      %mul3A_52 = arith.constant 80 : i32
      %mul3A_53 = arith.muli %add3A_51, %mul3A_52 : i32
      "tpu.region"() ({
        %run_scoped3A = tpu.sem_alloc : memref<!tpu.dma_semaphore, #tpu.memory_space<semaphore_mem>>
        %dma_start3A_76 = tpu.memref_slice %arg4[%mul3A_53] : memref<320000xi32, #tpu.memory_space<hbm>> -> memref<80xi32, #tpu.memory_space<hbm>>
        %dma_start3A_77 = tpu.memref_slice %arg4[%mul3A_53] : memref<320000xi32, #tpu.memory_space<hbm>> -> memref<80xi32, #tpu.memory_space<hbm>>
        tpu.enqueue_dma source(%dma_start3A_77 : memref<80xi32, #tpu.memory_space<hbm>>) target(%arg10 : memref<80xi32, #tpu.memory_space<vmem>>) target_semaphore(%run_scoped3A : memref<!tpu.dma_semaphore, #tpu.memory_space<semaphore_mem>>)
        %dma_wait3A_78 = tpu.memref_slice %arg4[%mul3A_53] : memref<320000xi32, #tpu.memory_space<hbm>> -> memref<80xi32, #tpu.memory_space<hbm>>
        %dma_wait3A_79 = tpu.memref_slice %arg4[%mul3A_53] : memref<320000xi32, #tpu.memory_space<hbm>> -> memref<80xi32, #tpu.memory_space<hbm>>
        tpu.wait_dma2 semaphore(%run_scoped3A : memref<!tpu.dma_semaphore, #tpu.memory_space<semaphore_mem>>) src(%dma_wait3A_79 : memref<80xi32, #tpu.memory_space<hbm>>) dst(%arg10 : memref<80xi32, #tpu.memory_space<vmem>>)
        tpu.yield
      }) : () -> ()
      %dma_start3A_54 = arith.constant 0 : i32
      %dma_start3A_55 = arith.constant 0 : i32
      %dma_start3A_56 = tpu.memref_slice %arg2[%dma_start3A_54, %dma_start3A_55] : memref<10000x128xf32, #tpu.memory_space<hbm>> -> memref<10000x128xf32, #tpu.memory_space<hbm>>
      tpu.enqueue_indirect_dma source(%dma_start3A_56 : memref<10000x128xf32, #tpu.memory_space<hbm>>) target(%arg12 : memref<80x128xf32, #tpu.memory_space<vmem>>) offsets(%arg9 : memref<80xi32, #tpu.memory_space<vmem>>) semaphore(%arg15 : memref<!tpu.dma_semaphore, #tpu.memory_space<semaphore_mem>>)
      %dma_wait3A_57 = arith.constant 0 : i32
      %dma_wait3A_58 = arith.constant 0 : i32
      %dma_wait3A_59 = tpu.memref_slice %arg2[%dma_wait3A_57, %dma_wait3A_58] : memref<10000x128xf32, #tpu.memory_space<hbm>> -> memref<10000x128xf32, #tpu.memory_space<hbm>>
      tpu.wait_indirect_dma semaphore(%arg14 : memref<!tpu.dma_semaphore, #tpu.memory_space<semaphore_mem>>) src(%dma_wait3A_59 : memref<10000x128xf32, #tpu.memory_space<hbm>>) dst(%arg11 : memref<80x128xf32, #tpu.memory_space<vmem>>)
      "tpu.region"() ({
        %run_scoped3A = tpu.sem_alloc : memref<!tpu.dma_semaphore, #tpu.memory_space<semaphore_mem>>
        %dma_start3A_76 = arith.constant 0 : i32
        %dma_start3A_77 = arith.constant 0 : i32
        %dma_start3A_78 = tpu.memref_slice %arg13[%dma_start3A_76, %dma_start3A_77] : memref<10000x128xf32, #tpu.memory_space<vmem_shared>> -> memref<10000x128xf32, #tpu.memory_space<vmem_shared>>
        tpu.enqueue_indirect_dma source(%arg11 : memref<80x128xf32, #tpu.memory_space<vmem>>) target(%dma_start3A_78 : memref<10000x128xf32, #tpu.memory_space<vmem_shared>>) offsets(%arg8 : memref<80xi32, #tpu.memory_space<vmem>>) semaphore(%run_scoped3A : memref<!tpu.dma_semaphore, #tpu.memory_space<semaphore_mem>>) {add = true}
        %dma_wait3A_79 = arith.constant 0 : i32
        %dma_wait3A_80 = arith.constant 0 : i32
        %dma_wait3A_81 = tpu.memref_slice %arg13[%dma_wait3A_79, %dma_wait3A_80] : memref<10000x128xf32, #tpu.memory_space<vmem_shared>> -> memref<10000x128xf32, #tpu.memory_space<vmem_shared>>
        tpu.wait_indirect_dma semaphore(%run_scoped3A : memref<!tpu.dma_semaphore, #tpu.memory_space<semaphore_mem>>) src(%arg11 : memref<80x128xf32, #tpu.memory_space<vmem>>) dst(%dma_wait3A_81 : memref<10000x128xf32, #tpu.memory_space<vmem_shared>>)
        tpu.yield
      }) : () -> ()
      %mul3A_60 = arith.constant 32 : i32
      %mul3A_61 = arith.muli %mul3A_60, %add3A_43 : i32
      %add3A_62 = arith.addi %add3A, %mul3A_61 : i32
      %mul3A_63 = arith.constant 80 : i32
      %mul3A_64 = arith.muli %add3A_62, %mul3A_63 : i32
      "tpu.region"() ({
        %run_scoped3A = tpu.sem_alloc : memref<!tpu.dma_semaphore, #tpu.memory_space<semaphore_mem>>
        %dma_start3A_76 = tpu.memref_slice %arg3[%mul3A_64] : memref<320000xi32, #tpu.memory_space<hbm>> -> memref<80xi32, #tpu.memory_space<hbm>>
        %dma_start3A_77 = tpu.memref_slice %arg3[%mul3A_64] : memref<320000xi32, #tpu.memory_space<hbm>> -> memref<80xi32, #tpu.memory_space<hbm>>
        tpu.enqueue_dma source(%dma_start3A_77 : memref<80xi32, #tpu.memory_space<hbm>>) target(%arg7 : memref<80xi32, #tpu.memory_space<vmem>>) target_semaphore(%run_scoped3A : memref<!tpu.dma_semaphore, #tpu.memory_space<semaphore_mem>>)
        %dma_wait3A_78 = tpu.memref_slice %arg3[%mul3A_64] : memref<320000xi32, #tpu.memory_space<hbm>> -> memref<80xi32, #tpu.memory_space<hbm>>
        %dma_wait3A_79 = tpu.memref_slice %arg3[%mul3A_64] : memref<320000xi32, #tpu.memory_space<hbm>> -> memref<80xi32, #tpu.memory_space<hbm>>
        tpu.wait_dma2 semaphore(%run_scoped3A : memref<!tpu.dma_semaphore, #tpu.memory_space<semaphore_mem>>) src(%dma_wait3A_79 : memref<80xi32, #tpu.memory_space<hbm>>) dst(%arg7 : memref<80xi32, #tpu.memory_space<vmem>>)
        tpu.yield
      }) : () -> ()
      %mul3A_65 = arith.constant 32 : i32
      %mul3A_66 = arith.muli %mul3A_65, %add3A_43 : i32
      %add3A_67 = arith.addi %add3A, %mul3A_66 : i32
      %mul3A_68 = arith.constant 80 : i32
      %mul3A_69 = arith.muli %add3A_67, %mul3A_68 : i32
      "tpu.region"() ({
        %run_scoped3A = tpu.sem_alloc : memref<!tpu.dma_semaphore, #tpu.memory_space<semaphore_mem>>
        %dma_start3A_76 = tpu.memref_slice %arg4[%mul3A_69] : memref<320000xi32, #tpu.memory_space<hbm>> -> memref<80xi32, #tpu.memory_space<hbm>>
        %dma_start3A_77 = tpu.memref_slice %arg4[%mul3A_69] : memref<320000xi32, #tpu.memory_space<hbm>> -> memref<80xi32, #tpu.memory_space<hbm>>
        tpu.enqueue_dma source(%dma_start3A_77 : memref<80xi32, #tpu.memory_space<hbm>>) target(%arg8 : memref<80xi32, #tpu.memory_space<vmem>>) target_semaphore(%run_scoped3A : memref<!tpu.dma_semaphore, #tpu.memory_space<semaphore_mem>>)
        %dma_wait3A_78 = tpu.memref_slice %arg4[%mul3A_69] : memref<320000xi32, #tpu.memory_space<hbm>> -> memref<80xi32, #tpu.memory_space<hbm>>
        %dma_wait3A_79 = tpu.memref_slice %arg4[%mul3A_69] : memref<320000xi32, #tpu.memory_space<hbm>> -> memref<80xi32, #tpu.memory_space<hbm>>
        tpu.wait_dma2 semaphore(%run_scoped3A : memref<!tpu.dma_semaphore, #tpu.memory_space<semaphore_mem>>) src(%dma_wait3A_79 : memref<80xi32, #tpu.memory_space<hbm>>) dst(%arg8 : memref<80xi32, #tpu.memory_space<vmem>>)
        tpu.yield
      }) : () -> ()
      %dma_start3A_70 = arith.constant 0 : i32
      %dma_start3A_71 = arith.constant 0 : i32
      %dma_start3A_72 = tpu.memref_slice %arg2[%dma_start3A_70, %dma_start3A_71] : memref<10000x128xf32, #tpu.memory_space<hbm>> -> memref<10000x128xf32, #tpu.memory_space<hbm>>
      tpu.enqueue_indirect_dma source(%dma_start3A_72 : memref<10000x128xf32, #tpu.memory_space<hbm>>) target(%arg11 : memref<80x128xf32, #tpu.memory_space<vmem>>) offsets(%arg7 : memref<80xi32, #tpu.memory_space<vmem>>) semaphore(%arg14 : memref<!tpu.dma_semaphore, #tpu.memory_space<semaphore_mem>>)
      %dma_wait3A_73 = arith.constant 0 : i32
      %dma_wait3A_74 = arith.constant 0 : i32
      %dma_wait3A_75 = tpu.memref_slice %arg2[%dma_wait3A_73, %dma_wait3A_74] : memref<10000x128xf32, #tpu.memory_space<hbm>> -> memref<10000x128xf32, #tpu.memory_space<hbm>>
      tpu.wait_indirect_dma semaphore(%arg15 : memref<!tpu.dma_semaphore, #tpu.memory_space<semaphore_mem>>) src(%dma_wait3A_75 : memref<10000x128xf32, #tpu.memory_space<hbm>>) dst(%arg12 : memref<80x128xf32, #tpu.memory_space<vmem>>)
      "tpu.region"() ({
        %run_scoped3A = tpu.sem_alloc : memref<!tpu.dma_semaphore, #tpu.memory_space<semaphore_mem>>
        %dma_start3A_76 = arith.constant 0 : i32
        %dma_start3A_77 = arith.constant 0 : i32
        %dma_start3A_78 = tpu.memref_slice %arg13[%dma_start3A_76, %dma_start3A_77] : memref<10000x128xf32, #tpu.memory_space<vmem_shared>> -> memref<10000x128xf32, #tpu.memory_space<vmem_shared>>
        tpu.enqueue_indirect_dma source(%arg12 : memref<80x128xf32, #tpu.memory_space<vmem>>) target(%dma_start3A_78 : memref<10000x128xf32, #tpu.memory_space<vmem_shared>>) offsets(%arg10 : memref<80xi32, #tpu.memory_space<vmem>>) semaphore(%run_scoped3A : memref<!tpu.dma_semaphore, #tpu.memory_space<semaphore_mem>>) {add = true}
        %dma_wait3A_79 = arith.constant 0 : i32
        %dma_wait3A_80 = arith.constant 0 : i32
        %dma_wait3A_81 = tpu.memref_slice %arg13[%dma_wait3A_79, %dma_wait3A_80] : memref<10000x128xf32, #tpu.memory_space<vmem_shared>> -> memref<10000x128xf32, #tpu.memory_space<vmem_shared>>
        tpu.wait_indirect_dma semaphore(%run_scoped3A : memref<!tpu.dma_semaphore, #tpu.memory_space<semaphore_mem>>) src(%arg12 : memref<80x128xf32, #tpu.memory_space<vmem>>) dst(%dma_wait3A_81 : memref<10000x128xf32, #tpu.memory_space<vmem_shared>>)
        tpu.yield
      }) : () -> ()
    }
    %scan3A_21 = arith.constant 62 : i32
    %dma_wait3A = arith.constant 0 : i32
    %dma_wait3A_22 = arith.constant 0 : i32
    %dma_wait3A_23 = tpu.memref_slice %arg2[%dma_wait3A, %dma_wait3A_22] : memref<10000x128xf32, #tpu.memory_space<hbm>> -> memref<10000x128xf32, #tpu.memory_space<hbm>>
    tpu.wait_indirect_dma semaphore(%arg14 : memref<!tpu.dma_semaphore, #tpu.memory_space<semaphore_mem>>) src(%dma_wait3A_23 : memref<10000x128xf32, #tpu.memory_space<hbm>>) dst(%arg11 : memref<80x128xf32, #tpu.memory_space<vmem>>)
    "tpu.region"() ({
      %run_scoped3A = tpu.sem_alloc : memref<!tpu.dma_semaphore, #tpu.memory_space<semaphore_mem>>
      %dma_start3A_37 = arith.constant 0 : i32
      %dma_start3A_38 = arith.constant 0 : i32
      %dma_start3A_39 = tpu.memref_slice %arg13[%dma_start3A_37, %dma_start3A_38] : memref<10000x128xf32, #tpu.memory_space<vmem_shared>> -> memref<10000x128xf32, #tpu.memory_space<vmem_shared>>
      tpu.enqueue_indirect_dma source(%arg11 : memref<80x128xf32, #tpu.memory_space<vmem>>) target(%dma_start3A_39 : memref<10000x128xf32, #tpu.memory_space<vmem_shared>>) offsets(%arg8 : memref<80xi32, #tpu.memory_space<vmem>>) semaphore(%run_scoped3A : memref<!tpu.dma_semaphore, #tpu.memory_space<semaphore_mem>>) {add = true}
      %dma_wait3A_40 = arith.constant 0 : i32
      %dma_wait3A_41 = arith.constant 0 : i32
      %dma_wait3A_42 = tpu.memref_slice %arg13[%dma_wait3A_40, %dma_wait3A_41] : memref<10000x128xf32, #tpu.memory_space<vmem_shared>> -> memref<10000x128xf32, #tpu.memory_space<vmem_shared>>
      tpu.wait_indirect_dma semaphore(%run_scoped3A : memref<!tpu.dma_semaphore, #tpu.memory_space<semaphore_mem>>) src(%arg11 : memref<80x128xf32, #tpu.memory_space<vmem>>) dst(%dma_wait3A_42 : memref<10000x128xf32, #tpu.memory_space<vmem_shared>>)
      tpu.yield
    }) : () -> ()
    %barrier3A_24 = arith.constant 0 : index
    tpu.barrier barrier_id(%barrier3A_24)
    %mul3A_25 = arith.constant 624 : i32
    %mul3A_26 = arith.muli %arg1, %mul3A_25 : i32
    %mul3A_27 = arith.constant 10000 : i32
    %mul3A_28 = arith.muli %arg0, %mul3A_27 : i32
    %mul3A_29 = arith.constant 624 : i32
    %mul3A_30 = arith.muli %arg1, %mul3A_29 : i32
    %add3A_31 = arith.addi %mul3A_28, %mul3A_30 : i32
    "tpu.region"() ({
      %run_scoped3A = tpu.sem_alloc : memref<!tpu.dma_semaphore, #tpu.memory_space<semaphore_mem>>
      %dma_start3A_37 = arith.constant 0 : i32
      %dma_start3A_38 = tpu.memref_slice %arg6[%add3A_31, %dma_start3A_37] : memref<20000x128xf32, #tpu.memory_space<hbm>> -> memref<624x128xf32, #tpu.memory_space<hbm>>
      %dma_start3A_39 = arith.constant 0 : i32
      %dma_start3A_40 = tpu.memref_slice %arg13[%mul3A_26, %dma_start3A_39] : memref<10000x128xf32, #tpu.memory_space<vmem_shared>> -> memref<624x128xf32, #tpu.memory_space<vmem_shared>>
      tpu.enqueue_dma source(%dma_start3A_40 : memref<624x128xf32, #tpu.memory_space<vmem_shared>>) target(%dma_start3A_38 : memref<624x128xf32, #tpu.memory_space<hbm>>) target_semaphore(%run_scoped3A : memref<!tpu.dma_semaphore, #tpu.memory_space<semaphore_mem>>)
      %dma_wait3A_41 = arith.constant 0 : i32
      %dma_wait3A_42 = tpu.memref_slice %arg6[%add3A_31, %dma_wait3A_41] : memref<20000x128xf32, #tpu.memory_space<hbm>> -> memref<624x128xf32, #tpu.memory_space<hbm>>
      %dma_wait3A_43 = arith.constant 0 : i32
      %dma_wait3A_44 = tpu.memref_slice %arg13[%mul3A_26, %dma_wait3A_43] : memref<10000x128xf32, #tpu.memory_space<vmem_shared>> -> memref<624x128xf32, #tpu.memory_space<vmem_shared>>
      tpu.wait_dma2 semaphore(%run_scoped3A : memref<!tpu.dma_semaphore, #tpu.memory_space<semaphore_mem>>) src(%dma_wait3A_44 : memref<624x128xf32, #tpu.memory_space<vmem_shared>>) dst(%dma_wait3A_42 : memref<624x128xf32, #tpu.memory_space<hbm>>)
      tpu.yield
    }) : () -> ()
    %eq3A_32 = arith.constant 0 : i32
    %eq3A_33 = arith.cmpi eq, %arg1, %eq3A_32 : i32
    %convert_element_type3A_34 = arith.extui %eq3A_33 : i1 to i32
    %cond3A_35 = arith.constant 0 : i32
    %cond3A_36 = arith.cmpi ne, %convert_element_type3A_34, %cond3A_35 : i32
    scf.if %cond3A_36 {
      %mul3A_37 = arith.constant 10000 : i32
      %mul3A_38 = arith.muli %arg0, %mul3A_37 : i32
      %add3A_39 = arith.constant 9984 : i32
      %add3A_40 = arith.addi %mul3A_38, %add3A_39 : i32
      "tpu.region"() ({
        %run_scoped3A = tpu.sem_alloc : memref<!tpu.dma_semaphore, #tpu.memory_space<semaphore_mem>>
        %dma_start3A_41 = arith.constant 0 : i32
        %dma_start3A_42 = tpu.memref_slice %arg6[%add3A_40, %dma_start3A_41] : memref<20000x128xf32, #tpu.memory_space<hbm>> -> memref<16x128xf32, #tpu.memory_space<hbm>>
        %dma_start3A_43 = arith.constant 9984 : i32
        %dma_start3A_44 = arith.constant 0 : i32
        %dma_start3A_45 = tpu.memref_slice %arg13[%dma_start3A_43, %dma_start3A_44] : memref<10000x128xf32, #tpu.memory_space<vmem_shared>> -> memref<16x128xf32, #tpu.memory_space<vmem_shared>>
        tpu.enqueue_dma source(%dma_start3A_45 : memref<16x128xf32, #tpu.memory_space<vmem_shared>>) target(%dma_start3A_42 : memref<16x128xf32, #tpu.memory_space<hbm>>) target_semaphore(%run_scoped3A : memref<!tpu.dma_semaphore, #tpu.memory_space<semaphore_mem>>)
        %dma_wait3A_46 = arith.constant 0 : i32
        %dma_wait3A_47 = tpu.memref_slice %arg6[%add3A_40, %dma_wait3A_46] : memref<20000x128xf32, #tpu.memory_space<hbm>> -> memref<16x128xf32, #tpu.memory_space<hbm>>
        %dma_wait3A_48 = arith.constant 9984 : i32
        %dma_wait3A_49 = arith.constant 0 : i32
        %dma_wait3A_50 = tpu.memref_slice %arg13[%dma_wait3A_48, %dma_wait3A_49] : memref<10000x128xf32, #tpu.memory_space<vmem_shared>> -> memref<16x128xf32, #tpu.memory_space<vmem_shared>>
        tpu.wait_dma2 semaphore(%run_scoped3A : memref<!tpu.dma_semaphore, #tpu.memory_space<semaphore_mem>>) src(%dma_wait3A_50 : memref<16x128xf32, #tpu.memory_space<vmem_shared>>) dst(%dma_wait3A_47 : memref<16x128xf32, #tpu.memory_space<hbm>>)
        tpu.yield
      }) : () -> ()
    } else {
    }
    return
  }
}

#map = affine_map<(d0, d1) -> (0, 0)>
#map1 = affine_map<(d0, d1) -> (0)>
module attributes {stable_mosaic.version = 14 : i64} {
  func.func @pool(%arg0: i32, %arg1: i32, %arg2: memref<10000x128xf32, #tpu.memory_space<hbm>>, %arg3: memref<10000xi32, #tpu.memory_space<hbm>>, %arg4: memref<10000xi32, #tpu.memory_space<hbm>>, %arg5: memref<10000x128xf32, #tpu.memory_space<hbm>>, %arg6: memref<3072x128xf32, #tpu.memory_space<hbm>>, %arg7: memref<80xi32, #tpu.memory_space<vmem>>, %arg8: memref<80xi32, #tpu.memory_space<vmem>>, %arg9: memref<80xi32, #tpu.memory_space<vmem>>, %arg10: memref<80x128xf32, #tpu.memory_space<vmem>>, %arg11: memref<!tpu.dma_semaphore, #tpu.memory_space<semaphore_mem>>) attributes {dimension_semantics = [#tpu.dimension_semantics<core_parallel>, #tpu.dimension_semantics<subcore_parallel>], iteration_bounds = array<i64: 1, 16>, scalar_prefetch = 0 : i64, scratch_operands = 5 : i64, tpu.core_type = #tpu.core_type<sc_vector_subcore>, window_params = [{transform_indices = #map}, {transform_indices = #map1}, {transform_indices = #map1}, {transform_indices = #map}, {transform_indices = #map}]} {
    %mul3A = arith.constant 192 : i32
    %mul3A_0 = arith.muli %arg1, %mul3A : i32
    %mul3A_1 = arith.constant 192 : i32
    %mul3A_2 = arith.muli %arg1, %mul3A_1 : i32
    "tpu.region"() ({
      %run_scoped3A = tpu.sem_alloc : memref<!tpu.dma_semaphore, #tpu.memory_space<semaphore_mem>>
      %dma_start3A = arith.constant 0 : i32
      %dma_start3A_8 = tpu.memref_slice %arg6[%mul3A_2, %dma_start3A] : memref<3072x128xf32, #tpu.memory_space<hbm>> -> memref<192x128xf32, #tpu.memory_space<hbm>>
      %dma_start3A_9 = arith.constant 0 : i32
      %dma_start3A_10 = tpu.memref_slice %arg5[%mul3A_0, %dma_start3A_9] : memref<10000x128xf32, #tpu.memory_space<hbm>> -> memref<192x128xf32, #tpu.memory_space<hbm>>
      tpu.enqueue_dma source(%dma_start3A_10 : memref<192x128xf32, #tpu.memory_space<hbm>>) target(%dma_start3A_8 : memref<192x128xf32, #tpu.memory_space<hbm>>) target_semaphore(%run_scoped3A : memref<!tpu.dma_semaphore, #tpu.memory_space<semaphore_mem>>)
      %dma_wait3A = arith.constant 0 : i32
      %dma_wait3A_11 = tpu.memref_slice %arg6[%mul3A_2, %dma_wait3A] : memref<3072x128xf32, #tpu.memory_space<hbm>> -> memref<192x128xf32, #tpu.memory_space<hbm>>
      %dma_wait3A_12 = arith.constant 0 : i32
      %dma_wait3A_13 = tpu.memref_slice %arg5[%mul3A_0, %dma_wait3A_12] : memref<10000x128xf32, #tpu.memory_space<hbm>> -> memref<192x128xf32, #tpu.memory_space<hbm>>
      tpu.wait_dma2 semaphore(%run_scoped3A : memref<!tpu.dma_semaphore, #tpu.memory_space<semaphore_mem>>) src(%dma_wait3A_13 : memref<192x128xf32, #tpu.memory_space<hbm>>) dst(%dma_wait3A_11 : memref<192x128xf32, #tpu.memory_space<hbm>>)
      tpu.yield
    }) : () -> ()
    %barrier3A = arith.constant 0 : index
    tpu.barrier barrier_id(%barrier3A)
    %scan3A = arith.constant 0 : i32
    %scan3A_3 = arith.constant 0 : i32
    %scan3A_4 = arith.constant 8 : i32
    %scan3A_5 = arith.addi %scan3A_3, %scan3A_4 : i32
    %scan3A_6 = arith.constant 1 : i32
    scf.for %scan3A_8 = %scan3A_3 to %scan3A_5 step %scan3A_6  : i32 {
      %mul3A_9 = arith.constant 16 : i32
      %mul3A_10 = arith.muli %mul3A_9, %scan3A_8 : i32
      %add3A = arith.addi %arg1, %mul3A_10 : i32
      %lt3A = arith.constant 125 : i32
      %lt3A_11 = arith.cmpi slt, %add3A, %lt3A : i32
      %convert_element_type3A = arith.extui %lt3A_11 : i1 to i32
      %cond3A = arith.constant 0 : i32
      %cond3A_12 = arith.cmpi ne, %convert_element_type3A, %cond3A : i32
      scf.if %cond3A_12 {
        %mul3A_13 = arith.constant 80 : i32
        %mul3A_14 = arith.muli %add3A, %mul3A_13 : i32
        "tpu.region"() ({
          %run_scoped3A = tpu.sem_alloc : memref<!tpu.dma_semaphore, #tpu.memory_space<semaphore_mem>>
          %dma_start3A_120 = tpu.memref_slice %arg3[%mul3A_14] : memref<10000xi32, #tpu.memory_space<hbm>> -> memref<80xi32, #tpu.memory_space<hbm>>
          %dma_start3A_121 = tpu.memref_slice %arg3[%mul3A_14] : memref<10000xi32, #tpu.memory_space<hbm>> -> memref<80xi32, #tpu.memory_space<hbm>>
          tpu.enqueue_dma source(%dma_start3A_121 : memref<80xi32, #tpu.memory_space<hbm>>) target(%arg7 : memref<80xi32, #tpu.memory_space<vmem>>) target_semaphore(%run_scoped3A : memref<!tpu.dma_semaphore, #tpu.memory_space<semaphore_mem>>)
          %dma_wait3A_122 = tpu.memref_slice %arg3[%mul3A_14] : memref<10000xi32, #tpu.memory_space<hbm>> -> memref<80xi32, #tpu.memory_space<hbm>>
          %dma_wait3A_123 = tpu.memref_slice %arg3[%mul3A_14] : memref<10000xi32, #tpu.memory_space<hbm>> -> memref<80xi32, #tpu.memory_space<hbm>>
          tpu.wait_dma2 semaphore(%run_scoped3A : memref<!tpu.dma_semaphore, #tpu.memory_space<semaphore_mem>>) src(%dma_wait3A_123 : memref<80xi32, #tpu.memory_space<hbm>>) dst(%arg7 : memref<80xi32, #tpu.memory_space<vmem>>)
          tpu.yield
        }) : () -> ()
        "tpu.region"() ({
          %run_scoped3A = tpu.sem_alloc : memref<!tpu.dma_semaphore, #tpu.memory_space<semaphore_mem>>
          %dma_start3A_120 = tpu.memref_slice %arg4[%mul3A_14] : memref<10000xi32, #tpu.memory_space<hbm>> -> memref<80xi32, #tpu.memory_space<hbm>>
          %dma_start3A_121 = tpu.memref_slice %arg4[%mul3A_14] : memref<10000xi32, #tpu.memory_space<hbm>> -> memref<80xi32, #tpu.memory_space<hbm>>
          tpu.enqueue_dma source(%dma_start3A_121 : memref<80xi32, #tpu.memory_space<hbm>>) target(%arg8 : memref<80xi32, #tpu.memory_space<vmem>>) target_semaphore(%run_scoped3A : memref<!tpu.dma_semaphore, #tpu.memory_space<semaphore_mem>>)
          %dma_wait3A_122 = tpu.memref_slice %arg4[%mul3A_14] : memref<10000xi32, #tpu.memory_space<hbm>> -> memref<80xi32, #tpu.memory_space<hbm>>
          %dma_wait3A_123 = tpu.memref_slice %arg4[%mul3A_14] : memref<10000xi32, #tpu.memory_space<hbm>> -> memref<80xi32, #tpu.memory_space<hbm>>
          tpu.wait_dma2 semaphore(%run_scoped3A : memref<!tpu.dma_semaphore, #tpu.memory_space<semaphore_mem>>) src(%dma_wait3A_123 : memref<80xi32, #tpu.memory_space<hbm>>) dst(%arg8 : memref<80xi32, #tpu.memory_space<vmem>>)
          tpu.yield
        }) : () -> ()
        "tpu.region"() ({
          %run_scoped3A = tpu.sem_alloc : memref<!tpu.dma_semaphore, #tpu.memory_space<semaphore_mem>>
          %dma_start3A_120 = arith.constant 0 : i32
          %dma_start3A_121 = tpu.memref_slice %arg2[%mul3A_14, %dma_start3A_120] : memref<10000x128xf32, #tpu.memory_space<hbm>> -> memref<80x128xf32, #tpu.memory_space<hbm>>
          %dma_start3A_122 = arith.constant 0 : i32
          %dma_start3A_123 = tpu.memref_slice %arg2[%mul3A_14, %dma_start3A_122] : memref<10000x128xf32, #tpu.memory_space<hbm>> -> memref<80x128xf32, #tpu.memory_space<hbm>>
          tpu.enqueue_dma source(%dma_start3A_123 : memref<80x128xf32, #tpu.memory_space<hbm>>) target(%arg10 : memref<80x128xf32, #tpu.memory_space<vmem>>) target_semaphore(%run_scoped3A : memref<!tpu.dma_semaphore, #tpu.memory_space<semaphore_mem>>)
          %dma_wait3A_124 = arith.constant 0 : i32
          %dma_wait3A_125 = tpu.memref_slice %arg2[%mul3A_14, %dma_wait3A_124] : memref<10000x128xf32, #tpu.memory_space<hbm>> -> memref<80x128xf32, #tpu.memory_space<hbm>>
          %dma_wait3A_126 = arith.constant 0 : i32
          %dma_wait3A_127 = tpu.memref_slice %arg2[%mul3A_14, %dma_wait3A_126] : memref<10000x128xf32, #tpu.memory_space<hbm>> -> memref<80x128xf32, #tpu.memory_space<hbm>>
          tpu.wait_dma2 semaphore(%run_scoped3A : memref<!tpu.dma_semaphore, #tpu.memory_space<semaphore_mem>>) src(%dma_wait3A_127 : memref<80x128xf32, #tpu.memory_space<hbm>>) dst(%arg10 : memref<80x128xf32, #tpu.memory_space<vmem>>)
          tpu.yield
        }) : () -> ()
        %get3A = arith.constant 0 : index
        %get3A_15 = tpu.vector_load %arg7[%get3A] {strides = array<i32>} : memref<80xi32, #tpu.memory_space<vmem>>, vector<16xi32>,
        %get3A_16 = vector.shape_cast %get3A_15 : vector<16xi32> to vector<16xi32>
        %get3A_17 = arith.constant 0 : index
        %get3A_18 = tpu.vector_load %arg8[%get3A_17] {strides = array<i32>} : memref<80xi32, #tpu.memory_space<vmem>>, vector<16xi32>,
        %get3A_19 = vector.shape_cast %get3A_18 : vector<16xi32> to vector<16xi32>
        %lt3A_20 = arith.constant 30 : i32
        %lt3A_21 = vector.broadcast %lt3A_20 : i32 to vector<16xi32>
        %lt3A_22 = arith.cmpi slt, %get3A_16, %lt3A_21 : vector<16xi32>
        %mul3A_23 = arith.constant 30 : i32
        %mul3A_24 = vector.broadcast %mul3A_23 : i32 to vector<16xi32>
        %mul3A_25 = arith.muli %get3A_19, %mul3A_24 : vector<16xi32>
        %add3A_26 = arith.addi %mul3A_25, %get3A_16 : vector<16xi32>
        %add3A_27 = arith.constant 3000 : i32
        %add3A_28 = arith.addi %add3A_27, %arg1 : i32
        %broadcast_in_dim3A = vector.broadcast %add3A_28 : i32 to vector<16xi32>
        %select_n3A = arith.select %lt3A_22, %add3A_26, %broadcast_in_dim3A : vector<16xi1>, vector<16xi32>
        %swap3A = arith.constant 0 : index
        %swap3A_29 = tpu.vector_load %arg9[%swap3A] {strides = array<i32>} : memref<80xi32, #tpu.memory_space<vmem>>, vector<16xi32>,
        %swap3A_30 = vector.shape_cast %swap3A_29 : vector<16xi32> to vector<16xi32>
        %swap3A_31 = vector.shape_cast %select_n3A : vector<16xi32> to vector<16xi32>
        tpu.vector_store %arg9[%swap3A], %swap3A_31 {strides = array<i32>} : memref<80xi32, #tpu.memory_space<vmem>>, vector<16xi32>,
        %get3A_32 = arith.constant 16 : index
        %get3A_33 = tpu.vector_load %arg7[%get3A_32] {strides = array<i32>} : memref<80xi32, #tpu.memory_space<vmem>>, vector<16xi32>,
        %get3A_34 = vector.shape_cast %get3A_33 : vector<16xi32> to vector<16xi32>
        %get3A_35 = arith.constant 16 : index
        %get3A_36 = tpu.vector_load %arg8[%get3A_35] {strides = array<i32>} : memref<80xi32, #tpu.memory_space<vmem>>, vector<16xi32>,
        %get3A_37 = vector.shape_cast %get3A_36 : vector<16xi32> to vector<16xi32>
        %lt3A_38 = arith.constant 30 : i32
        %lt3A_39 = vector.broadcast %lt3A_38 : i32 to vector<16xi32>
        %lt3A_40 = arith.cmpi slt, %get3A_34, %lt3A_39 : vector<16xi32>
        %mul3A_41 = arith.constant 30 : i32
        %mul3A_42 = vector.broadcast %mul3A_41 : i32 to vector<16xi32>
        %mul3A_43 = arith.muli %get3A_37, %mul3A_42 : vector<16xi32>
        %add3A_44 = arith.addi %mul3A_43, %get3A_34 : vector<16xi32>
        %add3A_45 = arith.constant 3000 : i32
        %add3A_46 = arith.addi %add3A_45, %arg1 : i32
        %broadcast_in_dim3A_47 = vector.broadcast %add3A_46 : i32 to vector<16xi32>
        %select_n3A_48 = arith.select %lt3A_40, %add3A_44, %broadcast_in_dim3A_47 : vector<16xi1>, vector<16xi32>
        %swap3A_49 = arith.constant 16 : index
        %swap3A_50 = tpu.vector_load %arg9[%swap3A_49] {strides = array<i32>} : memref<80xi32, #tpu.memory_space<vmem>>, vector<16xi32>,
        %swap3A_51 = vector.shape_cast %swap3A_50 : vector<16xi32> to vector<16xi32>
        %swap3A_52 = vector.shape_cast %select_n3A_48 : vector<16xi32> to vector<16xi32>
        tpu.vector_store %arg9[%swap3A_49], %swap3A_52 {strides = array<i32>} : memref<80xi32, #tpu.memory_space<vmem>>, vector<16xi32>,
        %get3A_53 = arith.constant 32 : index
        %get3A_54 = tpu.vector_load %arg7[%get3A_53] {strides = array<i32>} : memref<80xi32, #tpu.memory_space<vmem>>, vector<16xi32>,
        %get3A_55 = vector.shape_cast %get3A_54 : vector<16xi32> to vector<16xi32>
        %get3A_56 = arith.constant 32 : index
        %get3A_57 = tpu.vector_load %arg8[%get3A_56] {strides = array<i32>} : memref<80xi32, #tpu.memory_space<vmem>>, vector<16xi32>,
        %get3A_58 = vector.shape_cast %get3A_57 : vector<16xi32> to vector<16xi32>
        %lt3A_59 = arith.constant 30 : i32
        %lt3A_60 = vector.broadcast %lt3A_59 : i32 to vector<16xi32>
        %lt3A_61 = arith.cmpi slt, %get3A_55, %lt3A_60 : vector<16xi32>
        %mul3A_62 = arith.constant 30 : i32
        %mul3A_63 = vector.broadcast %mul3A_62 : i32 to vector<16xi32>
        %mul3A_64 = arith.muli %get3A_58, %mul3A_63 : vector<16xi32>
        %add3A_65 = arith.addi %mul3A_64, %get3A_55 : vector<16xi32>
        %add3A_66 = arith.constant 3000 : i32
        %add3A_67 = arith.addi %add3A_66, %arg1 : i32
        %broadcast_in_dim3A_68 = vector.broadcast %add3A_67 : i32 to vector<16xi32>
        %select_n3A_69 = arith.select %lt3A_61, %add3A_65, %broadcast_in_dim3A_68 : vector<16xi1>, vector<16xi32>
        %swap3A_70 = arith.constant 32 : index
        %swap3A_71 = tpu.vector_load %arg9[%swap3A_70] {strides = array<i32>} : memref<80xi32, #tpu.memory_space<vmem>>, vector<16xi32>,
        %swap3A_72 = vector.shape_cast %swap3A_71 : vector<16xi32> to vector<16xi32>
        %swap3A_73 = vector.shape_cast %select_n3A_69 : vector<16xi32> to vector<16xi32>
        tpu.vector_store %arg9[%swap3A_70], %swap3A_73 {strides = array<i32>} : memref<80xi32, #tpu.memory_space<vmem>>, vector<16xi32>,
        %get3A_74 = arith.constant 48 : index
        %get3A_75 = tpu.vector_load %arg7[%get3A_74] {strides = array<i32>} : memref<80xi32, #tpu.memory_space<vmem>>, vector<16xi32>,
        %get3A_76 = vector.shape_cast %get3A_75 : vector<16xi32> to vector<16xi32>
        %get3A_77 = arith.constant 48 : index
        %get3A_78 = tpu.vector_load %arg8[%get3A_77] {strides = array<i32>} : memref<80xi32, #tpu.memory_space<vmem>>, vector<16xi32>,
        %get3A_79 = vector.shape_cast %get3A_78 : vector<16xi32> to vector<16xi32>
        %lt3A_80 = arith.constant 30 : i32
        %lt3A_81 = vector.broadcast %lt3A_80 : i32 to vector<16xi32>
        %lt3A_82 = arith.cmpi slt, %get3A_76, %lt3A_81 : vector<16xi32>
        %mul3A_83 = arith.constant 30 : i32
        %mul3A_84 = vector.broadcast %mul3A_83 : i32 to vector<16xi32>
        %mul3A_85 = arith.muli %get3A_79, %mul3A_84 : vector<16xi32>
        %add3A_86 = arith.addi %mul3A_85, %get3A_76 : vector<16xi32>
        %add3A_87 = arith.constant 3000 : i32
        %add3A_88 = arith.addi %add3A_87, %arg1 : i32
        %broadcast_in_dim3A_89 = vector.broadcast %add3A_88 : i32 to vector<16xi32>
        %select_n3A_90 = arith.select %lt3A_82, %add3A_86, %broadcast_in_dim3A_89 : vector<16xi1>, vector<16xi32>
        %swap3A_91 = arith.constant 48 : index
        %swap3A_92 = tpu.vector_load %arg9[%swap3A_91] {strides = array<i32>} : memref<80xi32, #tpu.memory_space<vmem>>, vector<16xi32>,
        %swap3A_93 = vector.shape_cast %swap3A_92 : vector<16xi32> to vector<16xi32>
        %swap3A_94 = vector.shape_cast %select_n3A_90 : vector<16xi32> to vector<16xi32>
        tpu.vector_store %arg9[%swap3A_91], %swap3A_94 {strides = array<i32>} : memref<80xi32, #tpu.memory_space<vmem>>, vector<16xi32>,
        %get3A_95 = arith.constant 64 : index
        %get3A_96 = tpu.vector_load %arg7[%get3A_95] {strides = array<i32>} : memref<80xi32, #tpu.memory_space<vmem>>, vector<16xi32>,
        %get3A_97 = vector.shape_cast %get3A_96 : vector<16xi32> to vector<16xi32>
        %get3A_98 = arith.constant 64 : index
        %get3A_99 = tpu.vector_load %arg8[%get3A_98] {strides = array<i32>} : memref<80xi32, #tpu.memory_space<vmem>>, vector<16xi32>,
        %get3A_100 = vector.shape_cast %get3A_99 : vector<16xi32> to vector<16xi32>
        %lt3A_101 = arith.constant 30 : i32
        %lt3A_102 = vector.broadcast %lt3A_101 : i32 to vector<16xi32>
        %lt3A_103 = arith.cmpi slt, %get3A_97, %lt3A_102 : vector<16xi32>
        %mul3A_104 = arith.constant 30 : i32
        %mul3A_105 = vector.broadcast %mul3A_104 : i32 to vector<16xi32>
        %mul3A_106 = arith.muli %get3A_100, %mul3A_105 : vector<16xi32>
        %add3A_107 = arith.addi %mul3A_106, %get3A_97 : vector<16xi32>
        %add3A_108 = arith.constant 3000 : i32
        %add3A_109 = arith.addi %add3A_108, %arg1 : i32
        %broadcast_in_dim3A_110 = vector.broadcast %add3A_109 : i32 to vector<16xi32>
        %select_n3A_111 = arith.select %lt3A_103, %add3A_107, %broadcast_in_dim3A_110 : vector<16xi1>, vector<16xi32>
        %swap3A_112 = arith.constant 64 : index
        %swap3A_113 = tpu.vector_load %arg9[%swap3A_112] {strides = array<i32>} : memref<80xi32, #tpu.memory_space<vmem>>, vector<16xi32>,
        %swap3A_114 = vector.shape_cast %swap3A_113 : vector<16xi32> to vector<16xi32>
        %swap3A_115 = vector.shape_cast %select_n3A_111 : vector<16xi32> to vector<16xi32>
        tpu.vector_store %arg9[%swap3A_112], %swap3A_115 {strides = array<i32>} : memref<80xi32, #tpu.memory_space<vmem>>, vector<16xi32>,
        %dma_start3A = arith.constant 0 : i32
        %dma_start3A_116 = arith.constant 0 : i32
        %dma_start3A_117 = tpu.memref_slice %arg6[%dma_start3A, %dma_start3A_116] : memref<3072x128xf32, #tpu.memory_space<hbm>> -> memref<3072x128xf32, #tpu.memory_space<hbm>>
        tpu.enqueue_indirect_dma source(%arg10 : memref<80x128xf32, #tpu.memory_space<vmem>>) target(%dma_start3A_117 : memref<3072x128xf32, #tpu.memory_space<hbm>>) offsets(%arg9 : memref<80xi32, #tpu.memory_space<vmem>>) semaphore(%arg11 : memref<!tpu.dma_semaphore, #tpu.memory_space<semaphore_mem>>)
        %dma_wait3A = arith.constant 0 : i32
        %dma_wait3A_118 = arith.constant 0 : i32
        %dma_wait3A_119 = tpu.memref_slice %arg6[%dma_wait3A, %dma_wait3A_118] : memref<3072x128xf32, #tpu.memory_space<hbm>> -> memref<3072x128xf32, #tpu.memory_space<hbm>>
        tpu.wait_indirect_dma semaphore(%arg11 : memref<!tpu.dma_semaphore, #tpu.memory_space<semaphore_mem>>) src(%arg10 : memref<80x128xf32, #tpu.memory_space<vmem>>) dst(%dma_wait3A_119 : memref<3072x128xf32, #tpu.memory_space<hbm>>)
      } else {
      }
    }
    %scan3A_7 = arith.constant 8 : i32
    return
  }
}

module attributes {stable_mosaic.version = 14 : i64} {
  func.func @_layer_body(%arg0: i32, %arg1: memref<512x128xf32, #tpu.memory_space<vmem>>, %arg2: memref<512x128xf32, #tpu.memory_space<vmem>>, %arg3: memref<512x128xf32, #tpu.memory_space<vmem>>, %arg4: memref<512x128xf32, #tpu.memory_space<vmem>>, %arg5: memref<512x128xf32, #tpu.memory_space<vmem>>, %arg6: memref<128x64xf32, #tpu.memory_space<vmem>>, %arg7: memref<128x64xf32, #tpu.memory_space<vmem>>, %arg8: memref<1x64xf32, #tpu.memory_space<vmem>>, %arg9: memref<512x128xf32, #tpu.memory_space<vmem>>) attributes {dimension_semantics = [#tpu.dimension_semantics<arbitrary>], iteration_bounds = array<i64: 20>, scalar_prefetch = 0 : i64, scratch_operands = 0 : i64, tpu.core_type = #tpu.core_type<tc>, window_params = [{transform_indices = @transform_0, window_bounds = array<i64: 512, 128>}, {transform_indices = @transform_1, window_bounds = array<i64: 512, 128>}, {transform_indices = @transform_2, window_bounds = array<i64: 512, 128>}, {transform_indices = @transform_3, window_bounds = array<i64: 512, 128>}, {transform_indices = @transform_4, window_bounds = array<i64: 512, 128>}, {pipeline_mode = #tpu.pipeline_mode<synchronous>, transform_indices = @transform_5, window_bounds = array<i64: 128, 64>}, {pipeline_mode = #tpu.pipeline_mode<synchronous>, transform_indices = @transform_6, window_bounds = array<i64: 128, 64>}, {pipeline_mode = #tpu.pipeline_mode<synchronous>, transform_indices = @transform_7, window_bounds = array<i64: 1, 64>}, {transform_indices = @transform_8, window_bounds = array<i64: 512, 128>}]} {
    %get3A = arith.constant 0 : index
    %get3A_0 = arith.constant 0 : index
    %get3A_1 = vector.load %arg3[%get3A, %get3A_0] : memref<512x128xf32, #tpu.memory_space<vmem>>, vector<512x1xf32>
    %get3A_2 = arith.constant 0 : index
    %get3A_3 = arith.constant 0 : index
    %get3A_4 = vector.load %arg4[%get3A_2, %get3A_3] : memref<512x128xf32, #tpu.memory_space<vmem>>, vector<512x1xf32>
    %add3A = arith.addf %get3A_1, %get3A_4 : vector<512x1xf32>
    %get3A_5 = arith.constant 0 : index
    %get3A_6 = arith.constant 0 : index
    %get3A_7 = vector.load %arg1[%get3A_5, %get3A_6] : memref<512x128xf32, #tpu.memory_space<vmem>>, vector<512x128xf32>
    %get3A_8 = arith.constant 0 : index
    %get3A_9 = arith.constant 0 : index
    %get3A_10 = vector.load %arg2[%get3A_8, %get3A_9] : memref<512x128xf32, #tpu.memory_space<vmem>>, vector<512x128xf32>
    %add3A_11 = arith.addf %get3A_7, %get3A_10 : vector<512x128xf32>
    %max3A = arith.constant 1.000000e+00 : f32
    %max3A_12 = vector.broadcast %max3A : f32 to vector<512x1xf32>
    %max3A_13 = arith.maximumf %add3A, %max3A_12 : vector<512x1xf32>
    %div3A = vector.broadcast %max3A_13 : vector<512x1xf32> to vector<512x128xf32>
    %div3A_14 = arith.divf %add3A_11, %div3A : vector<512x128xf32>
    %get3A_15 = arith.constant 0 : index
    %get3A_16 = arith.constant 0 : index
    %get3A_17 = vector.load %arg5[%get3A_15, %get3A_16] : memref<512x128xf32, #tpu.memory_space<vmem>>, vector<512x128xf32>
    %get3A_18 = arith.constant 0 : index
    %get3A_19 = arith.constant 0 : index
    %get3A_20 = vector.load %arg6[%get3A_18, %get3A_19] : memref<128x64xf32, #tpu.memory_space<vmem>>, vector<128x64xf32>
    %dot_general3A = arith.constant dense<0.000000e+00> : vector<512x64xf32>
    %dot_general3A_21 = tpu.matmul %div3A_14, %get3A_20, %dot_general3A {dimension_numbers = #tpu.dot_dimension_numbers<[1], [0], [0], [1], [0, 0, 1, 1], [], []>, transpose_lhs_hint = false} : vector<512x128xf32>, vector<128x64xf32>, vector<512x64xf32> -> vector<512x64xf32>
    %get3A_22 = arith.constant 0 : index
    %get3A_23 = arith.constant 0 : index
    %get3A_24 = vector.load %arg7[%get3A_22, %get3A_23] : memref<128x64xf32, #tpu.memory_space<vmem>>, vector<128x64xf32>
    %dot_general3A_25 = arith.constant dense<0.000000e+00> : vector<512x64xf32>
    %dot_general3A_26 = tpu.matmul %get3A_17, %get3A_24, %dot_general3A_25 {dimension_numbers = #tpu.dot_dimension_numbers<[1], [0], [0], [1], [0, 0, 1, 1], [], []>, transpose_lhs_hint = false} : vector<512x128xf32>, vector<128x64xf32>, vector<512x64xf32> -> vector<512x64xf32>
    %add3A_27 = arith.addf %dot_general3A_21, %dot_general3A_26 : vector<512x64xf32>
    %get3A_28 = arith.constant 0 : index
    %get3A_29 = arith.constant 0 : index
    %get3A_30 = vector.load %arg8[%get3A_28, %get3A_29] : memref<1x64xf32, #tpu.memory_space<vmem>>, vector<1x64xf32>
    %add3A_31 = vector.broadcast %get3A_30 : vector<1x64xf32> to vector<512x64xf32>
    %add3A_32 = arith.addf %add3A_27, %add3A_31 : vector<512x64xf32>
    %max3A_33 = arith.constant 0.000000e+00 : f32
    %max3A_34 = vector.broadcast %max3A_33 : f32 to vector<512x64xf32>
    %max3A_35 = arith.maximumf %add3A_32, %max3A_34 : vector<512x64xf32>
    %swap3A = arith.constant 0 : index
    %swap3A_36 = arith.constant 0 : index
    %swap3A_37 = vector.load %arg9[%swap3A, %swap3A_36] : memref<512x128xf32, #tpu.memory_space<vmem>>, vector<512x64xf32>
    tpu.vector_store %arg9[%swap3A, %swap3A_36], %max3A_35 {strides = array<i32>} : memref<512x128xf32, #tpu.memory_space<vmem>>, vector<512x64xf32>,
    %broadcast_in_dim3A = arith.constant 0.000000e+00 : f32
    %broadcast_in_dim3A_38 = vector.broadcast %broadcast_in_dim3A : f32 to vector<512x64xf32>
    %swap3A_39 = arith.constant 0 : index
    %swap3A_40 = arith.constant 64 : index
    %swap3A_41 = vector.load %arg9[%swap3A_39, %swap3A_40] : memref<512x128xf32, #tpu.memory_space<vmem>>, vector<512x64xf32>
    tpu.vector_store %arg9[%swap3A_39, %swap3A_40], %broadcast_in_dim3A_38 {strides = array<i32>} : memref<512x128xf32, #tpu.memory_space<vmem>>, vector<512x64xf32>,
    return
  }
  func.func @transform_0(%arg0: i32) -> (i32, i32) {
    %c0_i32 = arith.constant 0 : i32
    %c0_i32_0 = arith.constant 0 : i32
    return %arg0, %c0_i32 : i32, i32
  }
  func.func @transform_1(%arg0: i32) -> (i32, i32) {
    %c0_i32 = arith.constant 0 : i32
    %c0_i32_0 = arith.constant 0 : i32
    return %arg0, %c0_i32 : i32, i32
  }
  func.func @transform_2(%arg0: i32) -> (i32, i32) {
    %c0_i32 = arith.constant 0 : i32
    %c0_i32_0 = arith.constant 0 : i32
    return %arg0, %c0_i32 : i32, i32
  }
  func.func @transform_3(%arg0: i32) -> (i32, i32) {
    %c0_i32 = arith.constant 0 : i32
    %c0_i32_0 = arith.constant 0 : i32
    return %arg0, %c0_i32 : i32, i32
  }
  func.func @transform_4(%arg0: i32) -> (i32, i32) {
    %c0_i32 = arith.constant 0 : i32
    %c0_i32_0 = arith.constant 0 : i32
    return %arg0, %c0_i32 : i32, i32
  }
  func.func @transform_5(%arg0: i32) -> (i32, i32) {
    %c0_i32 = arith.constant 0 : i32
    %c0_i32_0 = arith.constant 0 : i32
    %c0_i32_1 = arith.constant 0 : i32
    return %c0_i32, %c0_i32_0 : i32, i32
  }
  func.func @transform_6(%arg0: i32) -> (i32, i32) {
    %c0_i32 = arith.constant 0 : i32
    %c0_i32_0 = arith.constant 0 : i32
    %c0_i32_1 = arith.constant 0 : i32
    return %c0_i32, %c0_i32_0 : i32, i32
  }
  func.func @transform_7(%arg0: i32) -> (i32, i32) {
    %c0_i32 = arith.constant 0 : i32
    %c0_i32_0 = arith.constant 0 : i32
    %c0_i32_1 = arith.constant 0 : i32
    return %c0_i32, %c0_i32_0 : i32, i32
  }
  func.func @transform_8(%arg0: i32) -> (i32, i32) {
    %c0_i32 = arith.constant 0 : i32
    %c0_i32_0 = arith.constant 0 : i32
    return %arg0, %c0_i32 : i32, i32
  }
}

module attributes {stable_mosaic.version = 14 : i64} {
  func.func @_layer_body(%arg0: i32, %arg1: memref<512x128xf32, #tpu.memory_space<vmem>>, %arg2: memref<512x128xf32, #tpu.memory_space<vmem>>, %arg3: memref<512x128xf32, #tpu.memory_space<vmem>>, %arg4: memref<512x128xf32, #tpu.memory_space<vmem>>, %arg5: memref<512x128xf32, #tpu.memory_space<vmem>>, %arg6: memref<64x64xf32, #tpu.memory_space<vmem>>, %arg7: memref<64x64xf32, #tpu.memory_space<vmem>>, %arg8: memref<1x64xf32, #tpu.memory_space<vmem>>, %arg9: memref<512x128xf32, #tpu.memory_space<vmem>>) attributes {dimension_semantics = [#tpu.dimension_semantics<arbitrary>], iteration_bounds = array<i64: 20>, scalar_prefetch = 0 : i64, scratch_operands = 0 : i64, tpu.core_type = #tpu.core_type<tc>, window_params = [{transform_indices = @transform_0, window_bounds = array<i64: 512, 128>}, {transform_indices = @transform_1, window_bounds = array<i64: 512, 128>}, {transform_indices = @transform_2, window_bounds = array<i64: 512, 128>}, {transform_indices = @transform_3, window_bounds = array<i64: 512, 128>}, {transform_indices = @transform_4, window_bounds = array<i64: 512, 128>}, {pipeline_mode = #tpu.pipeline_mode<synchronous>, transform_indices = @transform_5, window_bounds = array<i64: 64, 64>}, {pipeline_mode = #tpu.pipeline_mode<synchronous>, transform_indices = @transform_6, window_bounds = array<i64: 64, 64>}, {pipeline_mode = #tpu.pipeline_mode<synchronous>, transform_indices = @transform_7, window_bounds = array<i64: 1, 64>}, {transform_indices = @transform_8, window_bounds = array<i64: 512, 128>}]} {
    %get3A = arith.constant 0 : index
    %get3A_0 = arith.constant 0 : index
    %get3A_1 = vector.load %arg3[%get3A, %get3A_0] : memref<512x128xf32, #tpu.memory_space<vmem>>, vector<512x1xf32>
    %get3A_2 = arith.constant 0 : index
    %get3A_3 = arith.constant 0 : index
    %get3A_4 = vector.load %arg4[%get3A_2, %get3A_3] : memref<512x128xf32, #tpu.memory_space<vmem>>, vector<512x1xf32>
    %add3A = arith.addf %get3A_1, %get3A_4 : vector<512x1xf32>
    %get3A_5 = arith.constant 0 : index
    %get3A_6 = arith.constant 0 : index
    %get3A_7 = vector.load %arg1[%get3A_5, %get3A_6] : memref<512x128xf32, #tpu.memory_space<vmem>>, vector<512x64xf32>
    %get3A_8 = arith.constant 0 : index
    %get3A_9 = arith.constant 0 : index
    %get3A_10 = vector.load %arg2[%get3A_8, %get3A_9] : memref<512x128xf32, #tpu.memory_space<vmem>>, vector<512x64xf32>
    %add3A_11 = arith.addf %get3A_7, %get3A_10 : vector<512x64xf32>
    %max3A = arith.constant 1.000000e+00 : f32
    %max3A_12 = vector.broadcast %max3A : f32 to vector<512x1xf32>
    %max3A_13 = arith.maximumf %add3A, %max3A_12 : vector<512x1xf32>
    %div3A = vector.broadcast %max3A_13 : vector<512x1xf32> to vector<512x64xf32>
    %div3A_14 = arith.divf %add3A_11, %div3A : vector<512x64xf32>
    %get3A_15 = arith.constant 0 : index
    %get3A_16 = arith.constant 0 : index
    %get3A_17 = vector.load %arg5[%get3A_15, %get3A_16] : memref<512x128xf32, #tpu.memory_space<vmem>>, vector<512x64xf32>
    %get3A_18 = arith.constant 0 : index
    %get3A_19 = arith.constant 0 : index
    %get3A_20 = vector.load %arg6[%get3A_18, %get3A_19] : memref<64x64xf32, #tpu.memory_space<vmem>>, vector<64x64xf32>
    %dot_general3A = arith.constant dense<0.000000e+00> : vector<512x64xf32>
    %dot_general3A_21 = tpu.matmul %div3A_14, %get3A_20, %dot_general3A {dimension_numbers = #tpu.dot_dimension_numbers<[1], [0], [0], [1], [0, 0, 1, 1], [], []>, transpose_lhs_hint = false} : vector<512x64xf32>, vector<64x64xf32>, vector<512x64xf32> -> vector<512x64xf32>
    %get3A_22 = arith.constant 0 : index
    %get3A_23 = arith.constant 0 : index
    %get3A_24 = vector.load %arg7[%get3A_22, %get3A_23] : memref<64x64xf32, #tpu.memory_space<vmem>>, vector<64x64xf32>
    %dot_general3A_25 = arith.constant dense<0.000000e+00> : vector<512x64xf32>
    %dot_general3A_26 = tpu.matmul %get3A_17, %get3A_24, %dot_general3A_25 {dimension_numbers = #tpu.dot_dimension_numbers<[1], [0], [0], [1], [0, 0, 1, 1], [], []>, transpose_lhs_hint = false} : vector<512x64xf32>, vector<64x64xf32>, vector<512x64xf32> -> vector<512x64xf32>
    %add3A_27 = arith.addf %dot_general3A_21, %dot_general3A_26 : vector<512x64xf32>
    %get3A_28 = arith.constant 0 : index
    %get3A_29 = arith.constant 0 : index
    %get3A_30 = vector.load %arg8[%get3A_28, %get3A_29] : memref<1x64xf32, #tpu.memory_space<vmem>>, vector<1x64xf32>
    %add3A_31 = vector.broadcast %get3A_30 : vector<1x64xf32> to vector<512x64xf32>
    %add3A_32 = arith.addf %add3A_27, %add3A_31 : vector<512x64xf32>
    %max3A_33 = arith.constant 0.000000e+00 : f32
    %max3A_34 = vector.broadcast %max3A_33 : f32 to vector<512x64xf32>
    %max3A_35 = arith.maximumf %add3A_32, %max3A_34 : vector<512x64xf32>
    %swap3A = arith.constant 0 : index
    %swap3A_36 = arith.constant 0 : index
    %swap3A_37 = vector.load %arg9[%swap3A, %swap3A_36] : memref<512x128xf32, #tpu.memory_space<vmem>>, vector<512x64xf32>
    tpu.vector_store %arg9[%swap3A, %swap3A_36], %max3A_35 {strides = array<i32>} : memref<512x128xf32, #tpu.memory_space<vmem>>, vector<512x64xf32>,
    %broadcast_in_dim3A = arith.constant 0.000000e+00 : f32
    %broadcast_in_dim3A_38 = vector.broadcast %broadcast_in_dim3A : f32 to vector<512x64xf32>
    %swap3A_39 = arith.constant 0 : index
    %swap3A_40 = arith.constant 64 : index
    %swap3A_41 = vector.load %arg9[%swap3A_39, %swap3A_40] : memref<512x128xf32, #tpu.memory_space<vmem>>, vector<512x64xf32>
    tpu.vector_store %arg9[%swap3A_39, %swap3A_40], %broadcast_in_dim3A_38 {strides = array<i32>} : memref<512x128xf32, #tpu.memory_space<vmem>>, vector<512x64xf32>,
    return
  }
  func.func @transform_0(%arg0: i32) -> (i32, i32) {
    %c0_i32 = arith.constant 0 : i32
    %c0_i32_0 = arith.constant 0 : i32
    return %arg0, %c0_i32 : i32, i32
  }
  func.func @transform_1(%arg0: i32) -> (i32, i32) {
    %c0_i32 = arith.constant 0 : i32
    %c0_i32_0 = arith.constant 0 : i32
    return %arg0, %c0_i32 : i32, i32
  }
  func.func @transform_2(%arg0: i32) -> (i32, i32) {
    %c0_i32 = arith.constant 0 : i32
    %c0_i32_0 = arith.constant 0 : i32
    return %arg0, %c0_i32 : i32, i32
  }
  func.func @transform_3(%arg0: i32) -> (i32, i32) {
    %c0_i32 = arith.constant 0 : i32
    %c0_i32_0 = arith.constant 0 : i32
    return %arg0, %c0_i32 : i32, i32
  }
  func.func @transform_4(%arg0: i32) -> (i32, i32) {
    %c0_i32 = arith.constant 0 : i32
    %c0_i32_0 = arith.constant 0 : i32
    return %arg0, %c0_i32 : i32, i32
  }
  func.func @transform_5(%arg0: i32) -> (i32, i32) {
    %c0_i32 = arith.constant 0 : i32
    %c0_i32_0 = arith.constant 0 : i32
    %c0_i32_1 = arith.constant 0 : i32
    return %c0_i32, %c0_i32_0 : i32, i32
  }
  func.func @transform_6(%arg0: i32) -> (i32, i32) {
    %c0_i32 = arith.constant 0 : i32
    %c0_i32_0 = arith.constant 0 : i32
    %c0_i32_1 = arith.constant 0 : i32
    return %c0_i32, %c0_i32_0 : i32, i32
  }
  func.func @transform_7(%arg0: i32) -> (i32, i32) {
    %c0_i32 = arith.constant 0 : i32
    %c0_i32_0 = arith.constant 0 : i32
    %c0_i32_1 = arith.constant 0 : i32
    return %c0_i32, %c0_i32_0 : i32, i32
  }
  func.func @transform_8(%arg0: i32) -> (i32, i32) {
    %c0_i32 = arith.constant 0 : i32
    %c0_i32_0 = arith.constant 0 : i32
    return %arg0, %c0_i32 : i32, i32
  }
}

module attributes {stable_mosaic.version = 14 : i64} {
  func.func @_rank_body(%arg0: i32, %arg1: i32, %arg2: memref<512x1xf32, #tpu.memory_space<vmem>>, %arg3: memref<512x1xi32, #tpu.memory_space<vmem>>, %arg4: memref<1x512xf32, #tpu.memory_space<vmem>>, %arg5: memref<1x512xi32, #tpu.memory_space<vmem>>, %arg6: memref<512x1xi32, #tpu.memory_space<vmem>>) attributes {dimension_semantics = [#tpu.dimension_semantics<arbitrary>, #tpu.dimension_semantics<arbitrary>], iteration_bounds = array<i64: 20, 20>, scalar_prefetch = 0 : i64, scratch_operands = 0 : i64, tpu.core_type = #tpu.core_type<tc>, window_params = [{transform_indices = @transform_0, window_bounds = array<i64: 512, 1>}, {transform_indices = @transform_1, window_bounds = array<i64: 512, 1>}, {transform_indices = @transform_2, window_bounds = array<i64: 1, 512>}, {transform_indices = @transform_3, window_bounds = array<i64: 1, 512>}, {transform_indices = @transform_4, window_bounds = array<i64: 512, 1>}]} {
    %eq3A = arith.constant 0 : i32
    %eq3A_0 = arith.cmpi eq, %arg1, %eq3A : i32
    %convert_element_type3A = arith.extui %eq3A_0 : i1 to i32
    %cond3A = arith.constant 0 : i32
    %cond3A_1 = arith.cmpi ne, %convert_element_type3A, %cond3A : i32
    scf.if %cond3A_1 {
      %broadcast_in_dim3A_50 = arith.constant 0 : i32
      %broadcast_in_dim3A_51 = vector.broadcast %broadcast_in_dim3A_50 : i32 to vector<512x1xi32>
      %swap3A = arith.constant 0 : index
      %swap3A_52 = arith.constant 0 : index
      %swap3A_53 = vector.load %arg6[%swap3A, %swap3A_52] : memref<512x1xi32, #tpu.memory_space<vmem>>, vector<512x1xi32>
      tpu.vector_store %arg6[%swap3A, %swap3A_52], %broadcast_in_dim3A_51 {strides = array<i32>} : memref<512x1xi32, #tpu.memory_space<vmem>>, vector<512x1xi32>,
    } else {
    }
    %mul3A = arith.constant 512 : i32
    %mul3A_2 = arith.muli %arg0, %mul3A : i32
    %iota3A = tpu.iota {dimensions = array<i32: 0>} : vector<512x1xi32>
    %add3A = vector.broadcast %mul3A_2 : i32 to vector<512x1xi32>
    %add3A_3 = arith.addi %add3A, %iota3A : vector<512x1xi32>
    %mul3A_4 = arith.constant 512 : i32
    %mul3A_5 = arith.muli %arg1, %mul3A_4 : i32
    %iota3A_6 = tpu.iota {dimensions = array<i32: 1>} : vector<1x512xi32>
    %add3A_7 = vector.broadcast %mul3A_5 : i32 to vector<1x512xi32>
    %add3A_8 = arith.addi %add3A_7, %iota3A_6 : vector<1x512xi32>
    %lt3A = arith.constant 10000 : i32
    %lt3A_9 = vector.broadcast %lt3A : i32 to vector<512x1xi32>
    %lt3A_10 = arith.cmpi slt, %add3A_3, %lt3A_9 : vector<512x1xi32>
    %lt3A_11 = arith.constant 10000 : i32
    %lt3A_12 = vector.broadcast %lt3A_11 : i32 to vector<1x512xi32>
    %lt3A_13 = arith.cmpi slt, %add3A_8, %lt3A_12 : vector<1x512xi32>
    %get3A = arith.constant 0 : index
    %get3A_14 = arith.constant 0 : index
    %get3A_15 = vector.load %arg3[%get3A, %get3A_14] : memref<512x1xi32, #tpu.memory_space<vmem>>, vector<512x1xi32>
    %get3A_16 = arith.constant 0 : index
    %get3A_17 = arith.constant 0 : index
    %get3A_18 = vector.load %arg5[%get3A_16, %get3A_17] : memref<1x512xi32, #tpu.memory_space<vmem>>, vector<1x512xi32>
    %jit3A = arith.constant 2147483647 : i32
    %broadcast_in_dim3A = vector.broadcast %jit3A : i32 to vector<512x1xi32>
    %select_n3A = arith.select %lt3A_10, %get3A_15, %broadcast_in_dim3A : vector<512x1xi1>, vector<512x1xi32>
    %reduce_min3A = vector.shape_cast %select_n3A : vector<512x1xi32> to vector<1x512x1xi32>
    %reduce_min3A_19 = arith.constant dense<2147483647> : vector<1xi32>
    %reduce_min3A_20 = vector.multi_reduction <minsi>, %reduce_min3A, %reduce_min3A_19 [1, 2] : vector<1x512x1xi32> to vector<1xi32>
    %reduce_min3A_21 = vector.shape_cast %reduce_min3A_20 : vector<1xi32> to vector<1x1x1xi32>
    %reduce_min3A_22 = vector.extract %reduce_min3A_21[0, 0, 0] : i32 from vector<1x1x1xi32>
    %jit3A_23 = arith.constant -1 : i32
    %broadcast_in_dim3A_24 = vector.broadcast %jit3A_23 : i32 to vector<512x1xi32>
    %select_n3A_25 = arith.select %lt3A_10, %get3A_15, %broadcast_in_dim3A_24 : vector<512x1xi1>, vector<512x1xi32>
    %reduce_max3A = vector.shape_cast %select_n3A_25 : vector<512x1xi32> to vector<1x512x1xi32>
    %reduce_max3A_26 = arith.constant dense<-2147483648> : vector<1xi32>
    %reduce_max3A_27 = vector.multi_reduction <maxsi>, %reduce_max3A, %reduce_max3A_26 [1, 2] : vector<1x512x1xi32> to vector<1xi32>
    %reduce_max3A_28 = vector.shape_cast %reduce_max3A_27 : vector<1xi32> to vector<1x1x1xi32>
    %reduce_max3A_29 = vector.extract %reduce_max3A_28[0, 0, 0] : i32 from vector<1x1x1xi32>
    %jit3A_30 = arith.constant 2147483647 : i32
    %broadcast_in_dim3A_31 = vector.broadcast %jit3A_30 : i32 to vector<1x512xi32>
    %select_n3A_32 = arith.select %lt3A_13, %get3A_18, %broadcast_in_dim3A_31 : vector<1x512xi1>, vector<1x512xi32>
    %reduce_min3A_33 = vector.shape_cast %select_n3A_32 : vector<1x512xi32> to vector<1x1x512xi32>
    %reduce_min3A_34 = arith.constant dense<2147483647> : vector<1xi32>
    %reduce_min3A_35 = vector.multi_reduction <minsi>, %reduce_min3A_33, %reduce_min3A_34 [1, 2] : vector<1x1x512xi32> to vector<1xi32>
    %reduce_min3A_36 = vector.shape_cast %reduce_min3A_35 : vector<1xi32> to vector<1x1x1xi32>
    %reduce_min3A_37 = vector.extract %reduce_min3A_36[0, 0, 0] : i32 from vector<1x1x1xi32>
    %jit3A_38 = arith.constant -1 : i32
    %broadcast_in_dim3A_39 = vector.broadcast %jit3A_38 : i32 to vector<1x512xi32>
    %select_n3A_40 = arith.select %lt3A_13, %get3A_18, %broadcast_in_dim3A_39 : vector<1x512xi1>, vector<1x512xi32>
    %reduce_max3A_41 = vector.shape_cast %select_n3A_40 : vector<1x512xi32> to vector<1x1x512xi32>
    %reduce_max3A_42 = arith.constant dense<-2147483648> : vector<1xi32>
    %reduce_max3A_43 = vector.multi_reduction <maxsi>, %reduce_max3A_41, %reduce_max3A_42 [1, 2] : vector<1x1x512xi32> to vector<1xi32>
    %reduce_max3A_44 = vector.shape_cast %reduce_max3A_43 : vector<1xi32> to vector<1x1x1xi32>
    %reduce_max3A_45 = vector.extract %reduce_max3A_44[0, 0, 0] : i32 from vector<1x1x1xi32>
    %le3A = arith.cmpi sle, %reduce_min3A_22, %reduce_max3A_45 : i32
    %le3A_46 = arith.cmpi sle, %reduce_min3A_37, %reduce_max3A_29 : i32
    %and3A = arith.andi %le3A, %le3A_46 : i1
    %convert_element_type3A_47 = arith.extui %and3A : i1 to i32
    %cond3A_48 = arith.constant 0 : i32
    %cond3A_49 = arith.cmpi ne, %convert_element_type3A_47, %cond3A_48 : i32
    scf.if %cond3A_49 {
      %get3A_50 = arith.constant 0 : index
      %get3A_51 = arith.constant 0 : index
      %get3A_52 = vector.load %arg2[%get3A_50, %get3A_51] : memref<512x1xf32, #tpu.memory_space<vmem>>, vector<512x1xf32>
      %get3A_53 = arith.constant 0 : index
      %get3A_54 = arith.constant 0 : index
      %get3A_55 = vector.load %arg4[%get3A_53, %get3A_54] : memref<1x512xf32, #tpu.memory_space<vmem>>, vector<1x512xf32>
      %gt3A = vector.broadcast %get3A_55 : vector<1x512xf32> to vector<512x512xf32>
      %gt3A_56 = vector.broadcast %get3A_52 : vector<512x1xf32> to vector<512x512xf32>
      %gt3A_57 = arith.cmpf ogt, %gt3A, %gt3A_56 : vector<512x512xf32>
      %eq3A_58 = vector.broadcast %get3A_55 : vector<1x512xf32> to vector<512x512xf32>
      %eq3A_59 = vector.broadcast %get3A_52 : vector<512x1xf32> to vector<512x512xf32>
      %eq3A_60 = arith.cmpf oeq, %eq3A_58, %eq3A_59 : vector<512x512xf32>
      %lt3A_61 = vector.broadcast %add3A_8 : vector<1x512xi32> to vector<512x512xi32>
      %lt3A_62 = vector.broadcast %add3A_3 : vector<512x1xi32> to vector<512x512xi32>
      %lt3A_63 = arith.cmpi slt, %lt3A_61, %lt3A_62 : vector<512x512xi32>
      %and3A_64 = arith.andi %eq3A_60, %lt3A_63 : vector<512x512xi1>
      %or3A = arith.ori %gt3A_57, %and3A_64 : vector<512x512xi1>
      %eq3A_65 = vector.broadcast %get3A_18 : vector<1x512xi32> to vector<512x512xi32>
      %eq3A_66 = vector.broadcast %get3A_15 : vector<512x1xi32> to vector<512x512xi32>
      %eq3A_67 = arith.cmpi eq, %eq3A_65, %eq3A_66 : vector<512x512xi32>
      %and3A_68 = vector.broadcast %lt3A_13 : vector<1x512xi1> to vector<512x512xi1>
      %and3A_69 = arith.andi %eq3A_67, %and3A_68 : vector<512x512xi1>
      %and3A_70 = arith.andi %and3A_69, %or3A : vector<512x512xi1>
      %get3A_71 = arith.constant 0 : index
      %get3A_72 = arith.constant 0 : index
      %get3A_73 = vector.load %arg6[%get3A_71, %get3A_72] : memref<512x1xi32, #tpu.memory_space<vmem>>, vector<512x1xi32>
      %convert_element_type3A_74 = arith.extui %and3A_70 : vector<512x512xi1> to vector<512x512xi32>
      %reduce_sum3A = arith.constant dense<0> : vector<512xi32>
      %reduce_sum3A_75 = vector.multi_reduction <add>, %convert_element_type3A_74, %reduce_sum3A [1] : vector<512x512xi32> to vector<512xi32>
      %broadcast_in_dim3A_76 = vector.shape_cast %reduce_sum3A_75 : vector<512xi32> to vector<512x1xi32>
      %add3A_77 = arith.addi %get3A_73, %broadcast_in_dim3A_76 : vector<512x1xi32>
      %swap3A = arith.constant 0 : index
      %swap3A_78 = arith.constant 0 : index
      %swap3A_79 = vector.load %arg6[%swap3A, %swap3A_78] : memref<512x1xi32, #tpu.memory_space<vmem>>, vector<512x1xi32>
      tpu.vector_store %arg6[%swap3A, %swap3A_78], %add3A_77 {strides = array<i32>} : memref<512x1xi32, #tpu.memory_space<vmem>>, vector<512x1xi32>,
    } else {
    }
    return
  }
  func.func @transform_0(%arg0: i32, %arg1: i32) -> (i32, i32) {
    %c0_i32 = arith.constant 0 : i32
    %c0_i32_0 = arith.constant 0 : i32
    return %arg0, %c0_i32 : i32, i32
  }
  func.func @transform_1(%arg0: i32, %arg1: i32) -> (i32, i32) {
    %c0_i32 = arith.constant 0 : i32
    %c0_i32_0 = arith.constant 0 : i32
    return %arg0, %c0_i32 : i32, i32
  }
  func.func @transform_2(%arg0: i32, %arg1: i32) -> (i32, i32) {
    %c0_i32 = arith.constant 0 : i32
    %c0_i32_0 = arith.constant 0 : i32
    return %c0_i32, %arg1 : i32, i32
  }
  func.func @transform_3(%arg0: i32, %arg1: i32) -> (i32, i32) {
    %c0_i32 = arith.constant 0 : i32
    %c0_i32_0 = arith.constant 0 : i32
    return %c0_i32, %arg1 : i32, i32
  }
  func.func @transform_4(%arg0: i32, %arg1: i32) -> (i32, i32) {
    %c0_i32 = arith.constant 0 : i32
    %c0_i32_0 = arith.constant 0 : i32
    return %arg0, %c0_i32 : i32, i32
  }
}

module attributes {stable_mosaic.version = 14 : i64} {
  func.func @_mlp_body(%arg0: memref<100x1920xf32, #tpu.memory_space<vmem>>, %arg1: memref<1920x64xf32, #tpu.memory_space<vmem>>, %arg2: memref<1x64xf32, #tpu.memory_space<vmem>>, %arg3: memref<64x10xf32, #tpu.memory_space<vmem>>, %arg4: memref<1x10xf32, #tpu.memory_space<vmem>>, %arg5: memref<100x10xf32, #tpu.memory_space<vmem>>) attributes {dimension_semantics = [], scalar_prefetch = 0 : i64, scratch_operands = 0 : i64, tpu.core_type = #tpu.core_type<tc>} {
    %get3A = arith.constant 0 : index
    %get3A_0 = arith.constant 0 : index
    %get3A_1 = vector.load %arg0[%get3A, %get3A_0] : memref<100x1920xf32, #tpu.memory_space<vmem>>, vector<100x1920xf32>
    %get3A_2 = arith.constant 0 : index
    %get3A_3 = arith.constant 0 : index
    %get3A_4 = vector.load %arg1[%get3A_2, %get3A_3] : memref<1920x64xf32, #tpu.memory_space<vmem>>, vector<1920x64xf32>
    %dot_general3A = arith.constant dense<0.000000e+00> : vector<100x64xf32>
    %dot_general3A_5 = tpu.matmul %get3A_1, %get3A_4, %dot_general3A {dimension_numbers = #tpu.dot_dimension_numbers<[1], [0], [0], [1], [0, 0, 1, 1], [], []>, transpose_lhs_hint = false} : vector<100x1920xf32>, vector<1920x64xf32>, vector<100x64xf32> -> vector<100x64xf32>
    %get3A_6 = arith.constant 0 : index
    %get3A_7 = arith.constant 0 : index
    %get3A_8 = vector.load %arg2[%get3A_6, %get3A_7] : memref<1x64xf32, #tpu.memory_space<vmem>>, vector<1x64xf32>
    %add3A = vector.broadcast %get3A_8 : vector<1x64xf32> to vector<100x64xf32>
    %add3A_9 = arith.addf %dot_general3A_5, %add3A : vector<100x64xf32>
    %max3A = arith.constant 0.000000e+00 : f32
    %max3A_10 = vector.broadcast %max3A : f32 to vector<100x64xf32>
    %max3A_11 = arith.maximumf %add3A_9, %max3A_10 : vector<100x64xf32>
    %get3A_12 = arith.constant 0 : index
    %get3A_13 = arith.constant 0 : index
    %get3A_14 = vector.load %arg3[%get3A_12, %get3A_13] : memref<64x10xf32, #tpu.memory_space<vmem>>, vector<64x10xf32>
    %dot_general3A_15 = arith.constant dense<0.000000e+00> : vector<100x10xf32>
    %dot_general3A_16 = tpu.matmul %max3A_11, %get3A_14, %dot_general3A_15 {dimension_numbers = #tpu.dot_dimension_numbers<[1], [0], [0], [1], [0, 0, 1, 1], [], []>, transpose_lhs_hint = false} : vector<100x64xf32>, vector<64x10xf32>, vector<100x10xf32> -> vector<100x10xf32>
    %get3A_17 = arith.constant 0 : index
    %get3A_18 = arith.constant 0 : index
    %get3A_19 = vector.load %arg4[%get3A_17, %get3A_18] : memref<1x10xf32, #tpu.memory_space<vmem>>, vector<1x10xf32>
    %add3A_20 = vector.broadcast %get3A_19 : vector<1x10xf32> to vector<100x10xf32>
    %add3A_21 = arith.addf %dot_general3A_16, %add3A_20 : vector<100x10xf32>
    %reduce_max3A = arith.constant dense<0xFF800000> : vector<100xf32>
    %reduce_max3A_22 = vector.multi_reduction <maximumf>, %add3A_21, %reduce_max3A [1] : vector<100x10xf32> to vector<100xf32>
    %broadcast_in_dim3A = vector.shape_cast %reduce_max3A_22 : vector<100xf32> to vector<100x1xf32>
    %sub3A = vector.broadcast %broadcast_in_dim3A : vector<100x1xf32> to vector<100x10xf32>
    %sub3A_23 = arith.subf %add3A_21, %sub3A : vector<100x10xf32>
    %exp3A = math.exp %sub3A_23 : vector<100x10xf32>
    %sub3A_24 = vector.broadcast %broadcast_in_dim3A : vector<100x1xf32> to vector<100x10xf32>
    %sub3A_25 = arith.subf %add3A_21, %sub3A_24 : vector<100x10xf32>
    %reduce_sum3A = arith.constant dense<0.000000e+00> : vector<100xf32>
    %reduce_sum3A_26 = vector.multi_reduction <add>, %exp3A, %reduce_sum3A [1] : vector<100x10xf32> to vector<100xf32>
    %broadcast_in_dim3A_27 = vector.shape_cast %reduce_sum3A_26 : vector<100xf32> to vector<100x1xf32>
    %log3A = math.log %broadcast_in_dim3A_27 : vector<100x1xf32>
    %sub3A_28 = vector.broadcast %log3A : vector<100x1xf32> to vector<100x10xf32>
    %sub3A_29 = arith.subf %sub3A_25, %sub3A_28 : vector<100x10xf32>
    %swap3A = arith.constant 0 : index
    %swap3A_30 = arith.constant 0 : index
    %swap3A_31 = vector.load %arg5[%swap3A, %swap3A_30] : memref<100x10xf32, #tpu.memory_space<vmem>>, vector<100x10xf32>
    tpu.vector_store %arg5[%swap3A, %swap3A_30], %sub3A_29 {strides = array<i32>} : memref<100x10xf32, #tpu.memory_space<vmem>>, vector<100x10xf32>,
    return
  }
}

</mosaic_0001>

<sc_bundles>
// kernel: kernel.12.cloned.1.call-start
scs
__scs_entry_jumppad:
0x0: {  	(pc) =	sbr.rel $0x88, $3  }
0x1: {  	(tag) =	ssettag $0x0;
	lr =	simm.s32 $0x1  }
0x2: {  	[smem:$0x3F91] =	sst lr;
	_ =	strace $0xD0000000  }
0x3: {  	_ = 	snop  }
0x4: {  	_ = 	snop  }
0x5: {  	_ = 	snop  }
0x6: {  	_ = 	snop  }
0x7: {  	_ = 	snop  }
__scs_overlays_trampoline_lowered:
0x8: {  	[smem:$0x3FA0] =	sst s0  }
0x9: {  	[smem:$0x3FA1] =	sst s1  }
0xa: {  	[smem:$0x3FA2] =	sst s2  }
0xb: {  	[smem:$0x3FA3] =	sst s3  }
0xc: {  	[smem:$0x3FA4] =	sst s4  }
0xd: {  	[smem:$0x3FA5] =	sst s5  }
0xe: {  	[smem:$0x3FA6] =	sst s6  }
0xf: {  	[smem:$0x3FA7] =	sst s7  }
0x10: {  	[smem:$0x3FA8] =	sst s8  }
0x11: {  	[smem:$0x3FA9] =	sst s9;
	s0 =	simm.s32 @!p0 $0x0  }
0x12: {  	s1 =	sld [smem:$0x3F8F];
	s0 =	simm.s32 @p0 $0x1  }
0x13: {  	[smem:$0x3FAA] =	sst s0;
	s0 =	simm.s32 @!p1 $0x0  }
0x14: {  	s2 =	sld [smem:$0x3F8E];
	s0 =	simm.s32 @p1 $0x1  }
0x15: {  	[smem:$0x3FAB] =	sst s0;
	s0 =	simm.s32 @!p2 $0x0  }
0x16: {  	s3 =	sld [smem:$0x3FDB];
	s0 =	simm.s32 @p2 $0x1  }
0x17: {  	s4 =	simm.s32 $0x1BF5;
	[smem:$0x3FAD] =	sst s0  }
0x18: {  	s0 =	sld [smem:$0x3F90];
	_ =	swait.ge [sflag:s4], $0x0  }
0x19: {  	s7 =	sld [smem:$0x3F91]  }
0x1a: {  	s8 =	sadd.s32 $0xFFFFE003, lr  }
0x1b: {  	s9 =	sadd.s32 $0xFFFFFEF7, lr;
	s5 =	simm.s32 $0xFFFFFFFF;
	p2 =	slt.u32 s8, $0xFFFFF086  }
0x1c: {  	p1 =	slt.u32 s9, $0xF7A;
	s5 =	simm.s32 @!p2 $0x0  }
0x1d: {  	s5 =	simm.s32 @p1 $0x1;
	p0 =	seq.s32 s7, s2  }
0x1e: {  	s7 =	smul.u32 @!p0 $0xF7A, s2;
	p2 =	seq.s32 @!p0 s5, $0x0  }
0x1f: {  	s9 =	smul.u32 $0xF7A, s1;
	s8 =	simm.s32 @!p0 $0x1BF5;
	p2 =	por !p2, p0  }
0x20: {  	[sflag:s8] =	ssyncset.s32 @!p0 $0xFFFFF086;
	s6 =	sadd.s32 @!p0 s3, s7;
	s7 =	simm.s32 @!p0 $0x108  }
0x21: {  	s3 =	sadd.s32 s3, s9;
	s6 =	sadd.s32 @!p0 $0x88, s6;
	s7 =	simm.s32 @p2 $0x1082  }
0x22: {  	[simem:s7], [sflag:s8] =	dma.local @!p0 [hbm:s6], $0xF7A  }
0x23: {  	s9 =	sor.u32 $0xD0000000, s2;
	s6 =	simm.s32 $0x108;
	_ =	swait.ge @!p0 [sflag:s8], $0x0  }
0x24: {  	s3 =	sadd.s32 $0x88, s3;
	s6 =	simm.s32 @!p1 $0x1082;
	[sflag:s4] =	ssyncset.s32 $0xFFFFF086  }
0x25: {  	[simem:s6], [sflag:s4] =	dma.local [hbm:s3], $0xF7A  }
0x26: {  	[smem:$0x3F91] =	sst s1;
	(tag) =	ssettag s2;
	_ =	strace s9  }
0x27: {  	s1 =	sld [smem:$0x3FA1]  }
0x28: {  	s2 =	sld [smem:$0x3FA2]  }
0x29: {  	s4 =	sld [smem:$0x3FA4]  }
0x2a: {  	p0 =	seq.s32 s5, $0x0;
	s5 =	sld [smem:$0x3FA5]  }
0x2b: {  	s6 =	sld [smem:$0x3FA6]  }
0x2c: {  	s7 =	sld [smem:$0x3FA7]  }
0x2d: {  	s3 =	simm.s32 $0x108;
	s8 =	sld [smem:$0x3FA8]  }
0x2e: {  	s3 =	simm.s32 @!p0 $0x1082;
	s9 =	sld [smem:$0x3FA9]  }
0x2f: {  	lr =	sadd.s32 s0, s3;
	s0 =	sld [smem:$0x3FA0]  }
0x30: {  	s3 =	sld [smem:$0x3FA3]  }
0x31: {  	[smem:$0x3FAC] =	sst s10  }
0x32: {  	s10 =	sld [smem:$0x3FAA];
	_ =	sdelay $0x3  }
0x33: {  	p0 =	seq.s32 s10, $0x1;
	s10 =	sld [smem:$0x3FAC];
	_ =	sdelay $0x3  }
0x34: {  	[smem:$0x3FAC] =	sst s10  }
0x35: {  	s10 =	sld [smem:$0x3FAB];
	_ =	sdelay $0x3  }
0x36: {  	p1 =	seq.s32 s10, $0x1;
	s10 =	sld [smem:$0x3FAC];
	_ =	sdelay $0x3  }
0x37: {  	[smem:$0x3FAC] =	sst s10  }
0x38: {  	s10 =	sld [smem:$0x3FAD]  }
0x39: {  	_ = 	snop;
	(pc) =	sbr.ind lr, $3  }
0x3a: {  	_ = 	snop  }
0x3b: {  	_ = 	snop  }
0x3c: {  	p2 =	seq.s32 s10, $0x1;
	s10 =	sld [smem:$0x3FAC]  }
0x3d: {  	_ =	shalt  }
0x3e: {  	_ =	shalt  }
0x3f: {  	_ =	shalt  }
0x40: {  	_ =	shalt  }
0x41: {  	_ =	shalt  }
0x42: {  	_ =	shalt  }
0x43: {  	_ =	shalt  }
0x44: {  	_ =	shalt  }
0x45: {  	_ =	shalt  }
0x46: {  	_ =	shalt  }
0x47: {  	_ =	shalt  }
0x48: {  	_ =	shalt  }
0x49: {  	_ =	shalt  }
0x4a: {  	_ =	shalt  }
0x4b: {  	_ =	shalt  }
0x4c: {  	_ =	shalt  }
0x4d: {  	_ =	shalt  }
0x4e: {  	_ =	shalt  }
0x4f: {  	_ =	shalt  }
0x50: {  	_ =	shalt  }
0x51: {  	_ =	shalt  }
0x52: {  	_ =	shalt  }
0x53: {  	_ =	shalt  }
0x54: {  	_ =	shalt  }
0x55: {  	_ =	shalt  }
0x56: {  	_ =	shalt  }
0x57: {  	_ =	shalt  }
0x58: {  	_ =	shalt  }
0x59: {  	_ =	shalt  }
0x5a: {  	_ =	shalt  }
0x5b: {  	_ =	shalt  }
0x5c: {  	_ =	shalt  }
0x5d: {  	_ =	shalt  }
0x5e: {  	_ =	shalt  }
0x5f: {  	_ =	shalt  }
0x60: {  	_ =	shalt  }
0x61: {  	_ =	shalt  }
0x62: {  	_ =	shalt  }
0x63: {  	_ =	shalt  }
0x64: {  	_ =	shalt  }
0x65: {  	_ =	shalt  }
0x66: {  	_ =	shalt  }
0x67: {  	_ =	shalt  }
0x68: {  	_ =	shalt  }
0x69: {  	_ =	shalt  }
0x6a: {  	_ =	shalt  }
0x6b: {  	_ =	shalt  }
0x6c: {  	_ =	shalt  }
0x6d: {  	_ =	shalt  }
0x6e: {  	_ =	shalt  }
0x6f: {  	_ =	shalt  }
0x70: {  	_ =	shalt  }
0x71: {  	_ =	shalt  }
0x72: {  	_ =	shalt  }
0x73: {  	_ =	shalt  }
0x74: {  	_ =	shalt  }
0x75: {  	_ =	shalt  }
0x76: {  	_ =	shalt  }
0x77: {  	_ =	shalt  }
0x78: {  	_ =	shalt  }
0x79: {  	_ =	shalt  }
0x7a: {  	_ =	shalt  }
0x7b: {  	_ =	shalt  }
0x7c: {  	_ =	shalt  }
0x7d: {  	_ =	shalt  }
0x7e: {  	_ =	shalt  }
0x7f: {  	_ =	shalt  }
0x80: {  	_ =	shalt  }
0x81: {  	_ =	shalt  }
0x82: {  	_ =	shalt  }
0x83: {  	_ =	shalt  }
0x84: {  	_ =	shalt  }
0x85: {  	_ =	shalt  }
0x86: {  	_ =	shalt  }
0x87: {  	_ =	shalt  }
.Lfunc_end0:
.L_simem_size_0:
called_computation_lowered:
.L_overlay_start_0:
0x88: {  	s2 =	sld [smem:$0x3FD9]  }
0x89: {  	s3 =	sld [smem:$0x3FFE];
	_ =	sdelay $0x1  }
0x8a: {  	s1 =	srdreg.scid  }
0x8b: {  	s0 =	sand.u32 $0x1, s1  }
0x8c: {  	s17 =	sshll.u32 s0, $0xA;
	s2 =	sadd.s32 s3, s2  }
0x8d: {  	s2 =	sadd.s32 s2, s17  }
0x8e: {  	[smem:$0x3FB8] =	sst s2  }
0x8f: {  	_ = 	snop  }
0x90: {  	(tm) =	ssettm $0x1  }
0x91: {  	s18 =	sld [smem:$0x3FFB];
	_ =	sdelay $0x3  }
0x92: {  	_ =	strace s18  }
0x93: {  	s2 =	sld [smem:$0x3FFC];
	_ =	sdelay $0x3  }
0x94: {  	_ =	strace s2  }
0x95: {  	s2 =	sld [smem:$0x3FFD];
	_ =	sdelay $0x3  }
0x96: {  	_ =	strace s2  }
0x97: {  	_ =	strace $0x8FFFFFFF  }
0x98: {  	s19 =	sld [smem:$0x3FDB];
	_ =	sdelay $0x1  }
0x99: {  	s20 =	simm.s32 $_scs_section_size  }
0x9a: {  	s4 =	simm.s32 $_size__tile_overlayer_lowered;
	s5 =	simm.s32 $_tile_overlayer_lowered  }
0x9b: {  	s6 =	simm.s32 $0x1BFF;
	s21 =	sshll.u32 s5, $0x1;
	s3 =	sadd.s32 s20, s19  }
0x9c: {  	s22 =	simm.s32 $0x0;
	s4 =	sshll.u32 s4, $0x1;
	s5 =	sadd.s32 s21, s3  }
0x9d: {  	[timem:s22], [sflag:s6] =	dma.local [hbm:s5], s4  }
0x9e: {  	_ =	swait.ge [sflag:s6], s4  }
0x9f: {  	s4 =	ssub.s32 $0x0, s4;
	[sflag:s6] =	ssyncset.done $0x0  }
0xa0: {  	[sflag:s6] =	ssyncadd.s32 s4;
	_ =	sdelay $0x1  }
0xa1: {  	s23 =	simm.s32 $0x1B8B  }
0xa2: {  	_ =	swait.ge [sflag:s23], $0x1  }
0xa3: {  	[sflag:s23] =	ssyncset.done $0x0  }
0xa4: {  	[sflag:s23] =	ssyncadd.s32 $0xFFFFFFFF  }
0xa5: {  	s4 =	sld [smem:$0x0]  }
0xa6: {  	s5 =	sand.u32 $0xFFFFFFFE, s1  }
0xa7: {  	p0 =	sne.s32 s1, s5  }
0xa8: {  	s5 =	sshll.u32 @p0 s5, $0xE  }
0xa9: {  	s5 =	sadd.s32 @p0 $0x11B8D, s5;
	s6 =	sshll.u32 @p0 s4, $0x11  }
0xaa: {  	s5 =	sor.u32 @p0 s6, s5  }
0xab: {  	[sflag:s5] =	ssyncadd.remote.s32 @p0 $0x1;
	_ =	sdelay $0x1  }
0xac: {  	s5 =	simm.s32 @p0 $0x1B8D  }
0xad: {  	_ =	swait.eq @p0 [sflag:s5], $0x1  }
0xae: {  	[sflag:s5] =	ssyncadd.s32 @p0 $0xFFFFFFFF  }
0xaf: {  	s6 =	sshll.u32 @!p0 s1, $0xE  }
0xb0: {  	s6 =	sor.u32 @!p0 $0x4000, s6;
	s5 =	simm.s32 @!p0 $0x1B8D  }
0xb1: {  	s4 =	sshll.u32 @!p0 s4, $0x11;
	s6 =	sadd.s32 @!p0 $0x11B8D, s6;
	_ =	swait.eq @!p0 [sflag:s5], $0x1  }
0xb2: {  	s4 =	sor.u32 @!p0 s4, s6;
	[sflag:s5] =	ssyncadd.s32 @!p0 $0xFFFFFFFF  }
0xb3: {  	s25 =	simm.s32 $0x1B8E;
	s24 =	sld [smem:$0x3FFE];
	[sflag:s4] =	ssyncadd.remote.s32 @!p0 $0x1  }
0xb4: {  	s26 =	simm.s32 $execute0_lowered;
	[smem:$0x3FD2] =	sst s25  }
0xb5: {  	s5 =	sshll.u32 s26, $0x1;
	_ =	strace $0x80000049;
	[dreg:$0x1] =	wrdreg $0xFFFFFFFF  }
0xb6: {  	s28 =	simm.s32 $_size_execute0_lowered;
	s3 =	sadd.s32 s3, s5;
	[dreg:$0x0] =	wrdreg $0x0  }
0xb7: {  	s5 =	sshll.u32 s28, $0x1;
	[dreg:$0x2] =	wrdreg s3  }
0xb8: {  	[dreg:$0x3] =	wrdreg s5  }
0xb9: {  	[dreg:$0x4] =	wrdreg $0xC0  }
0xba: {  	_ =	task [dreg:s22], $0x5FFFF  }
0xbb: {  	[dreg:$0x1] =	wrdreg $0xFFFFFFFF  }
0xbc: {  	[dreg:$0x0] =	wrdreg $0x60  }
0xbd: {  	[dreg:$0x2] =	wrdreg s24  }
0xbe: {  	[dreg:$0x3] =	wrdreg $0x28800  }
0xbf: {  	[dreg:$0x4] =	wrdreg $0x9  }
0xc0: {  	_ =	task.clear_ibuf [dreg:s22], $0x5FFFF;
	_ =	strace $0x90000049  }
0xc1: {  	s29 =	simm.s32 $0x9;
	_ =	strace $0x8000004B  }
0xc2: {  	_ =	swait.ge [sflag:s29], $0x1  }
0xc3: {  	[sflag:s29] =	ssyncadd.s32 $0xFFFFFFFF  }
0xc4: {  	_ =	strace $0x9000004B  }
0xc5: {  	_ =	sfence  }
0xc6: {  	s30 =	sld [smem:$0x0];
	_ =	sdelay $0x2  }
0xc7: {  	s31 =	sshll.u32 s1, $0xD;
	s1 =	sshrl.u32 s1, $0x2  }
0xc8: {  	s4 =	sand.u32 $0x4000, s31;
	s1 =	sadd.s32 s1, s30  }
0xc9: {  	s0 =	sor.u32 s4, s0;
	s1 =	sshll.u32 s1, $0x11  }
0xca: {  	s0 =	sor.u32 s1, s0  }
0xcb: {  	s0 =	sadd.s32 $0x8F2B, s0  }
0xcc: {  	[sflag:s0] =	ssyncadd.remote.s32 $0x1  }
0xcd: {  	_ =	sfence.sel $0xFFFF  }
0xce: {  	[dreg:$0x0] =	wrdreg $0xFFFFFFFF;
	(pc) =	sbr.abs _section_cstart, $3  }
0xcf: {  	[dreg:$0x1] =	wrdreg $0xFFFFFFFF  }
0xd0: {  	_ =	task.clear_ibuf [dreg:s22], $0x2FFFF;
	_ =	strace $0x9FFFFFFF  }
0xd1: {  	(tm) =	ssettm $0x7FFFFFFF  }
tec
execute0_lowered:
.L_overlay_start_1:
0x0: {  	(tag) =	ssettag $0x1  }
0x1: {  	s5 =	rddreg [dreg:$0x0]  }
0x2: {  	s1 =	rddreg [dreg:$0x1];
	s11 =	stileid.u32  }
0x3: {  	s0 =	rddreg [dreg:$0x2];
	s3 =	smul.u32 $0x14, s11  }
0x4: {  	s2 =	simm.s32 $0x0;
	s4 =	srdreg.scid;
	s6 =	smul.u32 $0x2700, s11  }
0x5: {  	[smem:$0x7FF] =	sst s2;
	s8 =	sand.u32 $0x1, s4;
	s26 =	smul.u32 $0x4E000, s11  }
0x6: {  	s10 =	sadd.s32 $0x8C000, s5;
	s16 =	sadd.s32 $0x138000, s1;
	p0 =	sne.s32 s11, $0x0  }
0x7: {  	s31 =	sshll.u32 s11, $0x6;
	s11 =	simm.s32 $0x1;
	s14 =	smul.u32 $0x27100, s8  }
0x8: {  	_ =	strace $0x8000004A;
	s12 =	ssub.s32 $0x2, s8;
	s15 =	smul.u32 $0x138800, s8  }
0x9: {  	s8 =	smul.u32 $0xA, s8;
	s7 =	sadd.s32 s3, s5;
	s3 =	sadd.s32 $0x8BA00, s5  }
0xa: {  	s9 =	sadd.s32 s6, s5;
	s13 =	sshrl.u32 s12, $0x1;
	s4 =	sshrl.u32 s26, $0x2  }
0xb: {  	s5 =	sadd.s32 $0x3D600, s5;
	s12 =	ssub.s32 s12, s13;
	s28 =	sadd.s32 s4, s1  }
0xc: {  	s4 =	sadd.s32 $0x16600, s9;
	s6 =	sadd.s32 s6, s14;
	s29 =	sshrl.u32 s15, $0x3  }
0xd: {  	s30 =	sadd.s32 s8, s7;
	s14 =	sshrl.u32 @!p0 s16, $0x3;
	s15 =	simm.s32 $0x50  }
0xe: {  	s16 =	simm.s32 $0x0;
	s6 =	sadd.s32 s10, s6;
	s9 =	sadd.s32 s10, s29  }
0xf: {  	s8 =	smax.u32 s12, $0x1;
	s10 =	simm.s32 $0x80;
	s12 =	sor.u32 $0x1C01, s31  }
0x10: {  	s13 =	sshrl.u32 s28, $0x3;
	s7 =	sadd.s32 $0x27000, s9;
	s9 =	sadd.s32 $0x2A00, s30  }
.LBB2_1:
0x11: {  	[tilespmem:s10], [sflag:$0x1] =	stream.linear.gather [hbm4b:s3+s2], $0x2800, $0x38;
	[tilespmem:$0x16100] =	vst v63  }
0x12: {  	_ =	swait.ge [sflag:s11], $0x2800  }
0x13: {  	[sflag:s11] =	ssyncset.done $0x0  }
0x14: {  	[sflag:s11] =	ssyncadd.s32 $0xFFFFD800  }
0x15: {  	[spmem:s13], [sflag:s12] =	dma.local [hbm:s4], $0x2700  }
0x16: {  	_ =	swait.ge [sflag:s11], $0x2700  }
0x17: {  	[sflag:s11] =	ssyncset.done $0x0  }
0x18: {  	s17 =	simm.s32 @!p0 $0x1;
	[sflag:s11] =	ssyncadd.s32 $0xFFFFD900  }
0x19: {  	[spmem:s14], [sflag:s12] =	dma.local @!p0 [hbm:s5], $0x100  }
0x1a: {  	_ =	swait.ge @!p0 [sflag:s17], $0x100  }
0x1b: {  	[sflag:s17] =	ssyncset.done @!p0 $0x0  }
0x1c: {  	[sflag:s17] =	ssyncadd.s32 @!p0 $0xFFFFFF00  }
0x1d: {  	s31 =	sadd.s32 $0x0, s9;
	[bflag:$0x0] =	sbarrier.arrive $0xFFFF  }
0x1e: {  	[tilespmem:s2], [sflag:$0x1] =	stream.linear.gather [hbm4b:s31+s2], $0x50, $0x38;
	[tilespmem:$0x16100] =	vst v63  }
0x1f: {  	_ =	swait.ge [sflag:s11], $0x50  }
0x20: {  	[sflag:s11] =	ssyncset.done $0x0  }
0x21: {  	[sflag:s11] =	ssyncadd.s32 $0xFFFFFFB0  }
0x22: {  	[spmem:s1] =	stream.indirect.scatter.add.f32 [tilespmem:s10], [sflag:$0x1], $0x80, s2, s15, $0xb8;
	[tilespmem:$0x16100] =	vst v63  }
0x23: {  	_ =	swait.ge [sflag:s11], $0x2800  }
0x24: {  	s18 =	simm.s32 $0x280;
	s17 =	simm.s32 $0x140;
	[sflag:s11] =	ssyncset.done $0x0  }
.LBB2_2:
0x25: {  	s19 =	sadd.s32 s17, s9  }
0x26: {  	[sflag:s11] =	ssyncadd.s32 $0xFFFFD800;
	s17 =	smov.u32 s18;
	s20 =	sadd.s32 $0x140, s18  }
0x27: {  	[tilespmem:s2], [sflag:$0x1] =	stream.linear.gather [hbm4b:s19+s2], $0x50, $0x38;
	[tilespmem:$0x16100] =	vst v63  }
0x28: {  	p1 =	sne.s32 s18, $0x9B00;
	_ =	swait.ge [sflag:s11], $0x50  }
.Ltmp0:
0x29: {  	[sflag:s11] =	ssyncset.done $0x0;
	(pc) =	sbr.rel @p1 .LBB2_2-.Ltmp0, $4  }
0x2a: {  	[sflag:s11] =	ssyncadd.s32 $0xFFFFFFB0  }
0x2b: {  	[spmem:s1] =	stream.indirect.scatter.add.f32 [tilespmem:s10], [sflag:$0x1], $0x80, s2, s15, $0xb8;
	[tilespmem:$0x16100] =	vst v63  }
0x2c: {  	_ =	swait.ge [sflag:s11], $0x2800  }
0x2d: {  	s18 =	smov.u32 s20;
	[sflag:s11] =	ssyncset.done $0x0  }
0x2e: {  	s17 =	sadd.s32 s17, s9;
	[sflag:s11] =	ssyncadd.s32 $0xFFFFD800  }
0x2f: {  	[tilespmem:s2], [sflag:$0x1] =	stream.linear.gather [hbm4b:s17+s2], $0x50, $0x38;
	[tilespmem:$0x16100] =	vst v63  }
0x30: {  	_ =	swait.ge [sflag:s11], $0x50  }
0x31: {  	[sflag:s11] =	ssyncset.done $0x0  }
0x32: {  	[sflag:s11] =	ssyncadd.s32 $0xFFFFFFB0  }
0x33: {  	[spmem:s1] =	stream.indirect.scatter.add.f32 [tilespmem:s10], [sflag:$0x1], $0x80, s2, s15, $0xb8;
	[tilespmem:$0x16100] =	vst v63  }
0x34: {  	_ =	swait.ge [sflag:s11], $0x2800  }
0x35: {  	[sflag:s11] =	ssyncset.done $0x0  }
0x36: {  	[sflag:s11] =	ssyncadd.s32 $0xFFFFD800  }
0x37: {  	[bflag:$0x0] =	sbarrier.arrive $0xFFFF  }
0x38: {  	[hbm:s6], [sflag:s12] =	dma.local [spmem:s13], $0x2700  }
0x39: {  	s16 =	sadd.s32 $0x1, s16;
	_ =	swait.ge [sflag:s11], $0x2700  }
0x3a: {  	p1 =	sne.s32 s16, s8;
	[sflag:s11] =	ssyncset.done $0x0  }
.Ltmp1:
0x3b: {  	s17 =	simm.s32 @!p0 $0x1;
	[sflag:s11] =	ssyncadd.s32 $0xFFFFD900;
	(pc) =	sbr.rel @p1 .LBB2_1-.Ltmp1, $4  }
0x3c: {  	[hbm:s7], [sflag:s12] =	dma.local @!p0 [spmem:s14], $0x100  }
0x3d: {  	_ =	swait.ge @!p0 [sflag:s17], $0x100  }
0x3e: {  	[sflag:s17] =	ssyncset.done @!p0 $0x0  }
0x3f: {  	[sflag:s17] =	ssyncadd.s32 @!p0 $0xFFFFFF00  }
0x40: {  	_ =	sfence.sel $0x180000  }
0x41: {  	[bflag:$0x0] =	sbarrier.arrive $0xFFFF  }
0x42: {  	_ =	strace $0x9000004A  }
0x43: {  	s0 =	sadd.s32 @!p0 $0x100000, s0;
	[bflag:$0x2] =	sbarrier.arrive $0xFFFF  }
0x44: {  	[sflag:s0] =	ssyncadd.tile.s32 @!p0 $0x1;
	_ =	shalt  }
.Lfunc_end2:
_tile_overlayer_lowered:
.L_overlay_start_2:
0x45: {  	(tag) =	ssettag $0x2  }
0x46: {  	s0 =	rddreg [dreg:$0x0];
	s2 =	stileid.u32  }
0x47: {  	s1 =	rddreg [dreg:$0x1];
	p0 =	sne.s32 s2, $0x0  }
0x48: {  	s3 =	rddreg [dreg:$0x2];
	[bflag:$0x3] =	sbarrier.arrive $0xFFFF;
	s2 =	simm.s32 @!p0 $0x1C01  }
0x49: {  	[timem:s3], [sflag:s2] =	dma.local @!p0 [hbm:s0], s1  }
0x4a: {  	s0 =	simm.s32 @!p0 $0x1  }
0x4b: {  	_ =	swait.ge @!p0 [sflag:s0], s1  }
0x4c: {  	s1 =	ssub.s32 @!p0 $0x0, s1;
	[sflag:s0] =	ssyncset.done @!p0 $0x0  }
0x4d: {  	[sflag:s0] =	ssyncadd.s32 @!p0 s1  }
0x4e: {  	[bflag:$0x3] =	sbarrier.arrive $0xFFFF  }
0x4f: {  	_ =	shalt  }

// kernel: kernel.15.cloned.1.call-start
scs
__scs_entry_jumppad:
0x0: {  	(pc) =	sbr.rel $0x88, $3  }
0x1: {  	(tag) =	ssettag $0x0;
	lr =	simm.s32 $0x1  }
0x2: {  	[smem:$0x3F91] =	sst lr;
	_ =	strace $0xD0000000  }
0x3: {  	_ = 	snop  }
0x4: {  	_ = 	snop  }
0x5: {  	_ = 	snop  }
0x6: {  	_ = 	snop  }
0x7: {  	_ = 	snop  }
__scs_overlays_trampoline_lowered:
0x8: {  	[smem:$0x3FA0] =	sst s0  }
0x9: {  	[smem:$0x3FA1] =	sst s1  }
0xa: {  	[smem:$0x3FA2] =	sst s2  }
0xb: {  	[smem:$0x3FA3] =	sst s3  }
0xc: {  	[smem:$0x3FA4] =	sst s4  }
0xd: {  	[smem:$0x3FA5] =	sst s5  }
0xe: {  	[smem:$0x3FA6] =	sst s6  }
0xf: {  	[smem:$0x3FA7] =	sst s7  }
0x10: {  	[smem:$0x3FA8] =	sst s8  }
0x11: {  	[smem:$0x3FA9] =	sst s9;
	s0 =	simm.s32 @!p0 $0x0  }
0x12: {  	s1 =	sld [smem:$0x3F8F];
	s0 =	simm.s32 @p0 $0x1  }
0x13: {  	[smem:$0x3FAA] =	sst s0;
	s0 =	simm.s32 @!p1 $0x0  }
0x14: {  	s2 =	sld [smem:$0x3F8E];
	s0 =	simm.s32 @p1 $0x1  }
0x15: {  	[smem:$0x3FAB] =	sst s0;
	s0 =	simm.s32 @!p2 $0x0  }
0x16: {  	s3 =	sld [smem:$0x3FDB];
	s0 =	simm.s32 @p2 $0x1  }
0x17: {  	s4 =	simm.s32 $0x1BF5;
	[smem:$0x3FAD] =	sst s0  }
0x18: {  	s0 =	sld [smem:$0x3F90];
	_ =	swait.ge [sflag:s4], $0x0  }
0x19: {  	s7 =	sld [smem:$0x3F91]  }
0x1a: {  	s8 =	sadd.s32 $0xFFFFE003, lr  }
0x1b: {  	s9 =	sadd.s32 $0xFFFFFEF7, lr;
	s5 =	simm.s32 $0xFFFFFFFF;
	p2 =	slt.u32 s8, $0xFFFFF086  }
0x1c: {  	p1 =	slt.u32 s9, $0xF7A;
	s5 =	simm.s32 @!p2 $0x0  }
0x1d: {  	s5 =	simm.s32 @p1 $0x1;
	p0 =	seq.s32 s7, s2  }
0x1e: {  	s7 =	smul.u32 @!p0 $0xF7A, s2;
	p2 =	seq.s32 @!p0 s5, $0x0  }
0x1f: {  	s9 =	smul.u32 $0xF7A, s1;
	s8 =	simm.s32 @!p0 $0x1BF5;
	p2 =	por !p2, p0  }
0x20: {  	[sflag:s8] =	ssyncset.s32 @!p0 $0xFFFFF086;
	s6 =	sadd.s32 @!p0 s3, s7;
	s7 =	simm.s32 @!p0 $0x108  }
0x21: {  	s3 =	sadd.s32 s3, s9;
	s6 =	sadd.s32 @!p0 $0x88, s6;
	s7 =	simm.s32 @p2 $0x1082  }
0x22: {  	[simem:s7], [sflag:s8] =	dma.local @!p0 [hbm:s6], $0xF7A  }
0x23: {  	s9 =	sor.u32 $0xD0000000, s2;
	s6 =	simm.s32 $0x108;
	_ =	swait.ge @!p0 [sflag:s8], $0x0  }
0x24: {  	s3 =	sadd.s32 $0x88, s3;
	s6 =	simm.s32 @!p1 $0x1082;
	[sflag:s4] =	ssyncset.s32 $0xFFFFF086  }
0x25: {  	[simem:s6], [sflag:s4] =	dma.local [hbm:s3], $0xF7A  }
0x26: {  	[smem:$0x3F91] =	sst s1;
	(tag) =	ssettag s2;
	_ =	strace s9  }
0x27: {  	s1 =	sld [smem:$0x3FA1]  }
0x28: {  	s2 =	sld [smem:$0x3FA2]  }
0x29: {  	s4 =	sld [smem:$0x3FA4]  }
0x2a: {  	p0 =	seq.s32 s5, $0x0;
	s5 =	sld [smem:$0x3FA5]  }
0x2b: {  	s6 =	sld [smem:$0x3FA6]  }
0x2c: {  	s7 =	sld [smem:$0x3FA7]  }
0x2d: {  	s3 =	simm.s32 $0x108;
	s8 =	sld [smem:$0x3FA8]  }
0x2e: {  	s3 =	simm.s32 @!p0 $0x1082;
	s9 =	sld [smem:$0x3FA9]  }
0x2f: {  	lr =	sadd.s32 s0, s3;
	s0 =	sld [smem:$0x3FA0]  }
0x30: {  	s3 =	sld [smem:$0x3FA3]  }
0x31: {  	[smem:$0x3FAC] =	sst s10  }
0x32: {  	s10 =	sld [smem:$0x3FAA];
	_ =	sdelay $0x3  }
0x33: {  	p0 =	seq.s32 s10, $0x1;
	s10 =	sld [smem:$0x3FAC];
	_ =	sdelay $0x3  }
0x34: {  	[smem:$0x3FAC] =	sst s10  }
0x35: {  	s10 =	sld [smem:$0x3FAB];
	_ =	sdelay $0x3  }
0x36: {  	p1 =	seq.s32 s10, $0x1;
	s10 =	sld [smem:$0x3FAC];
	_ =	sdelay $0x3  }
0x37: {  	[smem:$0x3FAC] =	sst s10  }
0x38: {  	s10 =	sld [smem:$0x3FAD]  }
0x39: {  	_ = 	snop;
	(pc) =	sbr.ind lr, $3  }
0x3a: {  	_ = 	snop  }
0x3b: {  	_ = 	snop  }
0x3c: {  	p2 =	seq.s32 s10, $0x1;
	s10 =	sld [smem:$0x3FAC]  }
0x3d: {  	_ =	shalt  }
0x3e: {  	_ =	shalt  }
0x3f: {  	_ =	shalt  }
0x40: {  	_ =	shalt  }
0x41: {  	_ =	shalt  }
0x42: {  	_ =	shalt  }
0x43: {  	_ =	shalt  }
0x44: {  	_ =	shalt  }
0x45: {  	_ =	shalt  }
0x46: {  	_ =	shalt  }
0x47: {  	_ =	shalt  }
0x48: {  	_ =	shalt  }
0x49: {  	_ =	shalt  }
0x4a: {  	_ =	shalt  }
0x4b: {  	_ =	shalt  }
0x4c: {  	_ =	shalt  }
0x4d: {  	_ =	shalt  }
0x4e: {  	_ =	shalt  }
0x4f: {  	_ =	shalt  }
0x50: {  	_ =	shalt  }
0x51: {  	_ =	shalt  }
0x52: {  	_ =	shalt  }
0x53: {  	_ =	shalt  }
0x54: {  	_ =	shalt  }
0x55: {  	_ =	shalt  }
0x56: {  	_ =	shalt  }
0x57: {  	_ =	shalt  }
0x58: {  	_ =	shalt  }
0x59: {  	_ =	shalt  }
0x5a: {  	_ =	shalt  }
0x5b: {  	_ =	shalt  }
0x5c: {  	_ =	shalt  }
0x5d: {  	_ =	shalt  }
0x5e: {  	_ =	shalt  }
0x5f: {  	_ =	shalt  }
0x60: {  	_ =	shalt  }
0x61: {  	_ =	shalt  }
0x62: {  	_ =	shalt  }
0x63: {  	_ =	shalt  }
0x64: {  	_ =	shalt  }
0x65: {  	_ =	shalt  }
0x66: {  	_ =	shalt  }
0x67: {  	_ =	shalt  }
0x68: {  	_ =	shalt  }
0x69: {  	_ =	shalt  }
0x6a: {  	_ =	shalt  }
0x6b: {  	_ =	shalt  }
0x6c: {  	_ =	shalt  }
0x6d: {  	_ =	shalt  }
0x6e: {  	_ =	shalt  }
0x6f: {  	_ =	shalt  }
0x70: {  	_ =	shalt  }
0x71: {  	_ =	shalt  }
0x72: {  	_ =	shalt  }
0x73: {  	_ =	shalt  }
0x74: {  	_ =	shalt  }
0x75: {  	_ =	shalt  }
0x76: {  	_ =	shalt  }
0x77: {  	_ =	shalt  }
0x78: {  	_ =	shalt  }
0x79: {  	_ =	shalt  }
0x7a: {  	_ =	shalt  }
0x7b: {  	_ =	shalt  }
0x7c: {  	_ =	shalt  }
0x7d: {  	_ =	shalt  }
0x7e: {  	_ =	shalt  }
0x7f: {  	_ =	shalt  }
0x80: {  	_ =	shalt  }
0x81: {  	_ =	shalt  }
0x82: {  	_ =	shalt  }
0x83: {  	_ =	shalt  }
0x84: {  	_ =	shalt  }
0x85: {  	_ =	shalt  }
0x86: {  	_ =	shalt  }
0x87: {  	_ =	shalt  }
.Lfunc_end0:
.L_simem_size_0:
called_computation.1_lowered:
.L_overlay_start_0:
0x88: {  	s2 =	sld [smem:$0x3FD9]  }
0x89: {  	s3 =	sld [smem:$0x3FFE];
	_ =	sdelay $0x1  }
0x8a: {  	s1 =	srdreg.scid  }
0x8b: {  	s0 =	sand.u32 $0x1, s1  }
0x8c: {  	s17 =	sshll.u32 s0, $0xA;
	s2 =	sadd.s32 s3, s2  }
0x8d: {  	s2 =	sadd.s32 s2, s17  }
0x8e: {  	[smem:$0x3FB8] =	sst s2  }
0x8f: {  	_ = 	snop  }
0x90: {  	s2 =	sld [smem:$0x3FC9];
	(tm) =	ssettm $0x1  }
0x91: {  	s18 =	sld [smem:$0x3FFB];
	_ =	sdelay $0x3  }
0x92: {  	_ =	strace s18  }
0x93: {  	s3 =	sld [smem:$0x3FFC];
	_ =	sdelay $0x3  }
0x94: {  	_ =	strace s3  }
0x95: {  	s3 =	sld [smem:$0x3FFD];
	_ =	sdelay $0x3  }
0x96: {  	_ =	strace s3  }
0x97: {  	_ =	strace $0x8FFFFFFF  }
0x98: {  	s19 =	sld [smem:$0x3FDB];
	_ =	sdelay $0x1  }
0x99: {  	s4 =	simm.s32 $_scs_section_size  }
0x9a: {  	s5 =	simm.s32 $_size__tile_overlayer_lowered;
	s6 =	simm.s32 $_tile_overlayer_lowered  }
0x9b: {  	s22 =	simm.s32 $0x1BFF;
	s21 =	sshll.u32 s6, $0x1;
	s3 =	sadd.s32 s4, s19  }
0x9c: {  	s7 =	simm.s32 $0x0;
	s20 =	sshll.u32 s5, $0x1;
	s5 =	sadd.s32 s21, s3  }
0x9d: {  	[timem:s7], [sflag:s22] =	dma.local [hbm:s5], s20  }
0x9e: {  	_ =	swait.ge [sflag:s22], s20  }
0x9f: {  	s4 =	ssub.s32 $0x0, s20;
	[sflag:s22] =	ssyncset.done $0x0  }
0xa0: {  	[sflag:s22] =	ssyncadd.s32 s4;
	_ =	sdelay $0x1  }
0xa1: {  	s23 =	simm.s32 $0x1B8B  }
0xa2: {  	_ =	swait.ge [sflag:s23], $0x1  }
0xa3: {  	[sflag:s23] =	ssyncset.done $0x0  }
0xa4: {  	s25 =	simm.s32 $0x1B8E;
	s24 =	sld [smem:$0x3FFE];
	[sflag:s23] =	ssyncadd.s32 $0xFFFFFFFF  }
0xa5: {  	s26 =	simm.s32 $execute0_lowered;
	[smem:$0x3FD2] =	sst s25  }
0xa6: {  	s5 =	sshll.u32 s26, $0x1;
	_ =	strace $0x80000046;
	[dreg:$0x1] =	wrdreg $0xFFFFFFFF  }
0xa7: {  	s28 =	simm.s32 $_size_execute0_lowered;
	s3 =	sadd.s32 s3, s5;
	[dreg:$0x0] =	wrdreg $0x0  }
0xa8: {  	s5 =	sshll.u32 s28, $0x1;
	[dreg:$0x2] =	wrdreg s3  }
0xa9: {  	[dreg:$0x3] =	wrdreg s5  }
0xaa: {  	[dreg:$0x4] =	wrdreg $0xC0  }
0xab: {  	_ =	task [dreg:s7], $0x5FFFF  }
0xac: {  	[dreg:$0x1] =	wrdreg $0xFFFFFFFF  }
0xad: {  	[dreg:$0x0] =	wrdreg $0x60  }
0xae: {  	[dreg:$0x2] =	wrdreg s2  }
0xaf: {  	[dreg:$0x3] =	wrdreg s24  }
0xb0: {  	[dreg:$0x4] =	wrdreg $0x52000  }
0xb1: {  	[dreg:$0x5] =	wrdreg $0xA  }
0xb2: {  	_ =	task.clear_ibuf [dreg:s7], $0x6FFFF;
	_ =	strace $0x90000046  }
0xb3: {  	s29 =	simm.s32 $0xA;
	_ =	strace $0x80000048  }
0xb4: {  	_ =	swait.ge [sflag:s29], $0x1  }
0xb5: {  	[sflag:s29] =	ssyncadd.s32 $0xFFFFFFFF  }
0xb6: {  	_ =	strace $0x90000048  }
0xb7: {  	_ =	sfence  }
0xb8: {  	s30 =	sld [smem:$0x0];
	_ =	sdelay $0x2  }
0xb9: {  	s31 =	sshll.u32 s1, $0xD;
	s1 =	sshrl.u32 s1, $0x2  }
0xba: {  	s3 =	sand.u32 $0x4000, s31;
	s1 =	sadd.s32 s1, s30  }
0xbb: {  	s0 =	sor.u32 s3, s0;
	s1 =	sshll.u32 s1, $0x11  }
0xbc: {  	s0 =	sor.u32 s1, s0  }
0xbd: {  	s0 =	sadd.s32 $0x8F2B, s0  }
0xbe: {  	[sflag:s0] =	ssyncadd.remote.s32 $0x1  }
0xbf: {  	_ =	sfence.sel $0xFFFF  }
0xc0: {  	[dreg:$0x0] =	wrdreg $0xFFFFFFFF;
	(pc) =	sbr.abs _section_cstart, $3  }
0xc1: {  	[dreg:$0x1] =	wrdreg $0xFFFFFFFF  }
0xc2: {  	_ =	task.clear_ibuf [dreg:s7], $0x2FFFF;
	_ =	strace $0x9FFFFFFF  }
0xc3: {  	(tm) =	ssettm $0x7FFFFFFF  }
tec
execute0_lowered:
.L_overlay_start_1:
0x0: {  	(tag) =	ssettag $0x1  }
0x1: {  	s1 =	rddreg [dreg:$0x0]  }
0x2: {  	s6 =	rddreg [dreg:$0x1]  }
0x3: {  	s2 =	rddreg [dreg:$0x2]  }
0x4: {  	s3 =	simm.s32 $0x0;
	s14 =	stileid.u32;
	s4 =	srdreg.scid  }
0x5: {  	s20 =	simm.s32 $0x100;
	s21 =	simm.s32 $0x180;
	s22 =	simm.s32 $0x2A00  }
0x6: {  	[smem:$0x7FF] =	sst s3;
	s9 =	smul.u32 $0x2700, s14;
	s12 =	sadd.s32 $0xC800, s6  }
0x7: {  	s13 =	sadd.s32 $0x2A00, s6;
	s11 =	sand.u32 $0x1, s4;
	s7 =	smul.u32 $0x4E000, s14  }
0x8: {  	s10 =	sadd.s32 $0x3D800, s6;
	s15 =	sshll.u32 s14, $0x1;
	s29 =	smul.u32 $0x14, s14  }
0x9: {  	s26 =	sshll.u32 s14, $0x6;
	s18 =	sadd.s32 $0x138000, s2;
	s17 =	smul.u32 $0x138800, s11  }
0xa: {  	p0 =	sne.s32 s14, $0x0;
	_ =	strace $0x80000047;
	s19 =	smul.u32 $0x27100, s11  }
0xb: {  	s5 =	ssub.s32 $0x2, s11;
	s24 =	sor.u32 s11, s15;
	s30 =	smul.u32 $0xA, s11  }
0xc: {  	s15 =	simm.s32 $0x3;
	s23 =	sadd.s32 s9, s6;
	s8 =	sshrl.u32 s5, $0x1  }
0xd: {  	s7 =	sshrl.u32 s7, $0x2;
	s28 =	smul.u32 $0xA, s24;
	s6 =	sadd.s32 $0x3D600, s6  }
0xe: {  	s31 =	sadd.s32 s29, s12;
	s24 =	simm.s32 $0x2;
	s16 =	ssub.s32 s5, s8  }
0xf: {  	s25 =	sadd.s32 s7, s2;
	s4 =	sadd.s32 $0x16600, s23;
	s5 =	sor.u32 $0x1C03, s26  }
0x10: {  	s17 =	sshrl.u32 s17, $0x3;
	s9 =	sadd.s32 s9, s19;
	s19 =	simm.s32 $0x200  }
0x11: {  	s23 =	simm.s32 $0x1;
	s7 =	sadd.s32 s12, s28;
	s8 =	sadd.s32 s13, s28  }
0x12: {  	s17 =	sadd.s32 s10, s17;
	s9 =	sadd.s32 s10, s9;
	s11 =	smax.u32 s16, $0x1  }
0x13: {  	s13 =	sadd.s32 s29, s13;
	s14 =	sshrl.u32 s25, $0x3;
	s16 =	sshrl.u32 @!p0 s18, $0x3  }
0x14: {  	s18 =	simm.s32 $0x50;
	s25 =	simm.s32 $0x0;
	s10 =	sadd.s32 $0x27000, s17  }
0x15: {  	s12 =	sadd.s32 s30, s13;
	s13 =	sadd.s32 s30, s31;
	s17 =	simm.s32 $0x80  }
.LBB2_1:
0x16: {  	[spmem:s14], [sflag:s5] =	dma.local [hbm:s4], $0x2700  }
0x17: {  	_ =	swait.ge [sflag:s15], $0x2700  }
0x18: {  	[sflag:s15] =	ssyncset.done $0x0  }
0x19: {  	s26 =	simm.s32 @!p0 $0x3;
	[sflag:s15] =	ssyncadd.s32 $0xFFFFD900  }
0x1a: {  	[spmem:s16], [sflag:s5] =	dma.local @!p0 [hbm:s6], $0x100  }
0x1b: {  	_ =	swait.ge @!p0 [sflag:s26], $0x100  }
0x1c: {  	[sflag:s26] =	ssyncset.done @!p0 $0x0  }
0x1d: {  	[sflag:s26] =	ssyncadd.s32 @!p0 $0xFFFFFF00  }
0x1e: {  	[bflag:$0x0] =	sbarrier.arrive $0xFFFF  }
0x1f: {  	[tilespmem:s3], [sflag:$0x3] =	stream.linear.gather [hbm4b:s7+s3], $0x50, $0x38;
	[tilespmem:$0x18A80] =	vst v63  }
0x20: {  	_ =	swait.ge [sflag:s15], $0x50  }
0x21: {  	[sflag:s15] =	ssyncset.done $0x0  }
0x22: {  	[sflag:s15] =	ssyncadd.s32 $0xFFFFFFB0  }
0x23: {  	[tilespmem:s17], [sflag:$0x3] =	stream.linear.gather [hbm4b:s8+s3], $0x50, $0x38;
	[tilespmem:$0x18A80] =	vst v63  }
0x24: {  	_ =	swait.ge [sflag:s15], $0x50  }
0x25: {  	[sflag:s15] =	ssyncset.done $0x0  }
0x26: {  	s31 =	sadd.s32 $0x0, s13;
	[sflag:s15] =	ssyncadd.s32 $0xFFFFFFB0  }
0x27: {  	[tilespmem:s19], [sflag:$0x1] =	stream.indirect.gather [hbm4b:s1+s18], $0x80, s3, s18, $0xb8;
	[tilespmem:$0x18A80] =	vst v63  }
0x28: {  	s28 =	sadd.s32 $0x140, s31  }
0x29: {  	[tilespmem:s20], [sflag:$0x3] =	stream.linear.gather [hbm4b:s28+s3], $0x50, $0x38;
	[tilespmem:$0x18A80] =	vst v63  }
0x2a: {  	_ =	swait.ge [sflag:s15], $0x50  }
0x2b: {  	s0 =	sadd.s32 $0x0, s12;
	[sflag:s15] =	ssyncset.done $0x0  }
0x2c: {  	s29 =	sadd.s32 $0x140, s0;
	[sflag:s15] =	ssyncadd.s32 $0xFFFFFFB0  }
0x2d: {  	[tilespmem:s21], [sflag:$0x3] =	stream.linear.gather [hbm4b:s29+s3], $0x50, $0x38;
	[tilespmem:$0x18A80] =	vst v63  }
0x2e: {  	_ =	swait.ge [sflag:s15], $0x50  }
0x2f: {  	[sflag:s15] =	ssyncset.done $0x0  }
0x30: {  	[sflag:s15] =	ssyncadd.s32 $0xFFFFFFB0  }
0x31: {  	[tilespmem:s22], [sflag:$0x2] =	stream.indirect.gather [hbm4b:s1+s18], $0x80, s20, s18, $0xb8;
	[tilespmem:$0x18A80] =	vst v63  }
0x32: {  	_ =	swait.ge [sflag:s23], $0x2800  }
0x33: {  	[sflag:s23] =	ssyncset.done $0x0  }
0x34: {  	[sflag:s23] =	ssyncadd.s32 $0xFFFFD800  }
0x35: {  	[spmem:s2] =	stream.indirect.scatter.add.f32 [tilespmem:s19], [sflag:$0x3], $0x80, s17, s18, $0xb8;
	[tilespmem:$0x18A80] =	vst v63  }
0x36: {  	_ =	swait.ge [sflag:s15], $0x2800  }
0x37: {  	[sflag:s15] =	ssyncset.done $0x0  }
0x38: {  	s26 =	sadd.s32 $0x280, s31;
	[sflag:s15] =	ssyncadd.s32 $0xFFFFD800  }
0x39: {  	[tilespmem:s3], [sflag:$0x3] =	stream.linear.gather [hbm4b:s26+s3], $0x50, $0x38;
	[tilespmem:$0x18A80] =	vst v63  }
0x3a: {  	_ =	swait.ge [sflag:s15], $0x50  }
0x3b: {  	[sflag:s15] =	ssyncset.done $0x0  }
0x3c: {  	s31 =	sadd.s32 $0x280, s0;
	[sflag:s15] =	ssyncadd.s32 $0xFFFFFFB0  }
0x3d: {  	[tilespmem:s17], [sflag:$0x3] =	stream.linear.gather [hbm4b:s31+s3], $0x50, $0x38;
	[tilespmem:$0x18A80] =	vst v63  }
0x3e: {  	_ =	swait.ge [sflag:s15], $0x50  }
0x3f: {  	[sflag:s15] =	ssyncset.done $0x0  }
0x40: {  	[sflag:s15] =	ssyncadd.s32 $0xFFFFFFB0  }
0x41: {  	[tilespmem:s19], [sflag:$0x1] =	stream.indirect.gather [hbm4b:s1+s18], $0x80, s3, s18, $0xb8;
	[tilespmem:$0x18A80] =	vst v63  }
0x42: {  	_ =	swait.ge [sflag:s24], $0x2800  }
0x43: {  	[sflag:s24] =	ssyncset.done $0x0  }
0x44: {  	[sflag:s24] =	ssyncadd.s32 $0xFFFFD800  }
0x45: {  	[spmem:s2] =	stream.indirect.scatter.add.f32 [tilespmem:s22], [sflag:$0x3], $0x80, s21, s18, $0xb8;
	[tilespmem:$0x18A80] =	vst v63  }
0x46: {  	s30 =	simm.s32 $0x500;
	_ =	swait.ge [sflag:s15], $0x2800  }
0x47: {  	s29 =	sadd.s32 $0x280, s13;
	s26 =	simm.s32 $0x280;
	[sflag:s15] =	ssyncset.done $0x0  }
.LBB2_2:
0x48: {  	s31 =	sadd.s32 $0x140, s29  }
0x49: {  	[sflag:s15] =	ssyncadd.s32 $0xFFFFD800;
	s0 =	smov.u32 s30;
	s28 =	sadd.s32 $0x280, s30  }
0x4a: {  	[tilespmem:s20], [sflag:$0x3] =	stream.linear.gather [hbm4b:s31+s3], $0x50, $0x38;
	[tilespmem:$0x18A80] =	vst v63  }
0x4b: {  	p1 =	sne.s32 s30, $0x9880;
	_ =	swait.ge [sflag:s15], $0x50  }
0x4c: {  	s30 =	sadd.s32 s26, s12;
	s26 =	smov.u32 s0;
	[sflag:s15] =	ssyncset.done $0x0  }
0x4d: {  	s0 =	sadd.s32 $0x140, s30;
	[sflag:s15] =	ssyncadd.s32 $0xFFFFFFB0  }
0x4e: {  	[tilespmem:s21], [sflag:$0x3] =	stream.linear.gather [hbm4b:s0+s3], $0x50, $0x38;
	[tilespmem:$0x18A80] =	vst v63  }
0x4f: {  	_ =	swait.ge [sflag:s15], $0x50  }
0x50: {  	[sflag:s15] =	ssyncset.done $0x0  }
0x51: {  	[sflag:s15] =	ssyncadd.s32 $0xFFFFFFB0  }
0x52: {  	[tilespmem:s22], [sflag:$0x2] =	stream.indirect.gather [hbm4b:s1+s18], $0x80, s20, s18, $0xb8;
	[tilespmem:$0x18A80] =	vst v63  }
0x53: {  	_ =	swait.ge [sflag:s23], $0x2800  }
0x54: {  	[sflag:s23] =	ssyncset.done $0x0  }
0x55: {  	[sflag:s23] =	ssyncadd.s32 $0xFFFFD800  }
0x56: {  	[spmem:s2] =	stream.indirect.scatter.add.f32 [tilespmem:s19], [sflag:$0x3], $0x80, s17, s18, $0xb8;
	[tilespmem:$0x18A80] =	vst v63  }
0x57: {  	_ =	swait.ge [sflag:s15], $0x2800  }
0x58: {  	[sflag:s15] =	ssyncset.done $0x0  }
0x59: {  	s0 =	sadd.s32 $0x280, s29;
	[sflag:s15] =	ssyncadd.s32 $0xFFFFD800  }
0x5a: {  	[tilespmem:s3], [sflag:$0x3] =	stream.linear.gather [hbm4b:s0+s3], $0x50, $0x38;
	[tilespmem:$0x18A80] =	vst v63  }
0x5b: {  	_ =	swait.ge [sflag:s15], $0x50  }
0x5c: {  	[sflag:s15] =	ssyncset.done $0x0  }
0x5d: {  	s0 =	sadd.s32 $0x280, s30;
	[sflag:s15] =	ssyncadd.s32 $0xFFFFFFB0  }
0x5e: {  	[tilespmem:s17], [sflag:$0x3] =	stream.linear.gather [hbm4b:s0+s3], $0x50, $0x38;
	[tilespmem:$0x18A80] =	vst v63  }
0x5f: {  	_ =	swait.ge [sflag:s15], $0x50  }
0x60: {  	[sflag:s15] =	ssyncset.done $0x0  }
0x61: {  	[sflag:s15] =	ssyncadd.s32 $0xFFFFFFB0  }
0x62: {  	[tilespmem:s19], [sflag:$0x1] =	stream.indirect.gather [hbm4b:s1+s18], $0x80, s3, s18, $0xb8;
	[tilespmem:$0x18A80] =	vst v63  }
0x63: {  	_ =	swait.ge [sflag:s24], $0x2800  }
.Ltmp0:
0x64: {  	[sflag:s24] =	ssyncset.done $0x0;
	(pc) =	sbr.rel @p1 .LBB2_2-.Ltmp0, $4  }
0x65: {  	[sflag:s24] =	ssyncadd.s32 $0xFFFFD800  }
0x66: {  	[spmem:s2] =	stream.indirect.scatter.add.f32 [tilespmem:s22], [sflag:$0x3], $0x80, s21, s18, $0xb8;
	[tilespmem:$0x18A80] =	vst v63  }
0x67: {  	_ =	swait.ge [sflag:s15], $0x2800  }
0x68: {  	s29 =	sadd.s32 s26, s13;
	s30 =	smov.u32 s28;
	[sflag:s15] =	ssyncset.done $0x0  }
0x69: {  	s0 =	sadd.s32 $0x140, s29;
	[sflag:s15] =	ssyncadd.s32 $0xFFFFD800  }
0x6a: {  	[tilespmem:s20], [sflag:$0x3] =	stream.linear.gather [hbm4b:s0+s3], $0x50, $0x38;
	[tilespmem:$0x18A80] =	vst v63  }
0x6b: {  	_ =	swait.ge [sflag:s15], $0x50  }
0x6c: {  	s30 =	sadd.s32 s26, s12;
	[sflag:s15] =	ssyncset.done $0x0  }
0x6d: {  	s26 =	sadd.s32 $0x140, s30;
	[sflag:s15] =	ssyncadd.s32 $0xFFFFFFB0  }
0x6e: {  	[tilespmem:s21], [sflag:$0x3] =	stream.linear.gather [hbm4b:s26+s3], $0x50, $0x38;
	[tilespmem:$0x18A80] =	vst v63  }
0x6f: {  	_ =	swait.ge [sflag:s15], $0x50  }
0x70: {  	[sflag:s15] =	ssyncset.done $0x0  }
0x71: {  	[sflag:s15] =	ssyncadd.s32 $0xFFFFFFB0  }
0x72: {  	[tilespmem:s22], [sflag:$0x2] =	stream.indirect.gather [hbm4b:s1+s18], $0x80, s20, s18, $0xb8;
	[tilespmem:$0x18A80] =	vst v63  }
0x73: {  	_ =	swait.ge [sflag:s23], $0x2800  }
0x74: {  	[sflag:s23] =	ssyncset.done $0x0  }
0x75: {  	[sflag:s23] =	ssyncadd.s32 $0xFFFFD800  }
0x76: {  	[spmem:s2] =	stream.indirect.scatter.add.f32 [tilespmem:s19], [sflag:$0x3], $0x80, s17, s18, $0xb8;
	[tilespmem:$0x18A80] =	vst v63  }
0x77: {  	_ =	swait.ge [sflag:s15], $0x2800  }
0x78: {  	[sflag:s15] =	ssyncset.done $0x0  }
0x79: {  	s31 =	sadd.s32 $0x280, s29;
	[sflag:s15] =	ssyncadd.s32 $0xFFFFD800  }
0x7a: {  	[tilespmem:s3], [sflag:$0x3] =	stream.linear.gather [hbm4b:s31+s3], $0x50, $0x38;
	[tilespmem:$0x18A80] =	vst v63  }
0x7b: {  	_ =	swait.ge [sflag:s15], $0x50  }
0x7c: {  	[sflag:s15] =	ssyncset.done $0x0  }
0x7d: {  	s0 =	sadd.s32 $0x280, s30;
	[sflag:s15] =	ssyncadd.s32 $0xFFFFFFB0  }
0x7e: {  	[tilespmem:s17], [sflag:$0x3] =	stream.linear.gather [hbm4b:s0+s3], $0x50, $0x38;
	[tilespmem:$0x18A80] =	vst v63  }
0x7f: {  	_ =	swait.ge [sflag:s15], $0x50  }
0x80: {  	[sflag:s15] =	ssyncset.done $0x0  }
0x81: {  	[sflag:s15] =	ssyncadd.s32 $0xFFFFFFB0  }
0x82: {  	[tilespmem:s19], [sflag:$0x1] =	stream.indirect.gather [hbm4b:s1+s18], $0x80, s3, s18, $0xb8;
	[tilespmem:$0x18A80] =	vst v63  }
0x83: {  	_ =	swait.ge [sflag:s24], $0x2800  }
0x84: {  	[sflag:s24] =	ssyncset.done $0x0  }
0x85: {  	[sflag:s24] =	ssyncadd.s32 $0xFFFFD800  }
0x86: {  	[spmem:s2] =	stream.indirect.scatter.add.f32 [tilespmem:s22], [sflag:$0x3], $0x80, s21, s18, $0xb8;
	[tilespmem:$0x18A80] =	vst v63  }
0x87: {  	_ =	swait.ge [sflag:s15], $0x2800  }
0x88: {  	[sflag:s15] =	ssyncset.done $0x0  }
0x89: {  	[sflag:s15] =	ssyncadd.s32 $0xFFFFD800  }
0x8a: {  	_ =	swait.ge [sflag:s23], $0x2800  }
0x8b: {  	[sflag:s23] =	ssyncset.done $0x0  }
0x8c: {  	[sflag:s23] =	ssyncadd.s32 $0xFFFFD800  }
0x8d: {  	[spmem:s2] =	stream.indirect.scatter.add.f32 [tilespmem:s19], [sflag:$0x3], $0x80, s17, s18, $0xb8;
	[tilespmem:$0x18A80] =	vst v63  }
0x8e: {  	_ =	swait.ge [sflag:s15], $0x2800  }
0x8f: {  	[sflag:s15] =	ssyncset.done $0x0  }
0x90: {  	[sflag:s15] =	ssyncadd.s32 $0xFFFFD800  }
0x91: {  	[bflag:$0x0] =	sbarrier.arrive $0xFFFF  }
0x92: {  	[hbm:s9], [sflag:s5] =	dma.local [spmem:s14], $0x2700  }
0x93: {  	s25 =	sadd.s32 $0x1, s25;
	_ =	swait.ge [sflag:s15], $0x2700  }
0x94: {  	p1 =	sne.s32 s25, s11;
	[sflag:s15] =	ssyncset.done $0x0  }
.Ltmp1:
0x95: {  	s0 =	simm.s32 @!p0 $0x3;
	[sflag:s15] =	ssyncadd.s32 $0xFFFFD900;
	(pc) =	sbr.rel @p1 .LBB2_1-.Ltmp1, $4  }
0x96: {  	[hbm:s10], [sflag:s5] =	dma.local @!p0 [spmem:s16], $0x100  }
0x97: {  	_ =	swait.ge @!p0 [sflag:s0], $0x100  }
0x98: {  	[sflag:s0] =	ssyncset.done @!p0 $0x0  }
0x99: {  	[sflag:s0] =	ssyncadd.s32 @!p0 $0xFFFFFF00  }
0x9a: {  	_ =	sfence.sel $0x180000  }
0x9b: {  	[bflag:$0x0] =	sbarrier.arrive $0xFFFF  }
0x9c: {  	_ =	strace $0x90000047  }
0x9d: {  	[bflag:$0x2] =	sbarrier.arrive $0xFFFF  }
0x9e: {  	s0 =	rddreg [dreg:$0x3]  }
0x9f: {  	s0 =	sadd.s32 @!p0 $0x100000, s0  }
0xa0: {  	[sflag:s0] =	ssyncadd.tile.s32 @!p0 $0x1;
	_ =	shalt  }
.Lfunc_end2:
_tile_overlayer_lowered:
.L_overlay_start_2:
0xa1: {  	(tag) =	ssettag $0x2  }
0xa2: {  	s0 =	rddreg [dreg:$0x0];
	s2 =	stileid.u32  }
0xa3: {  	s1 =	rddreg [dreg:$0x1];
	p0 =	sne.s32 s2, $0x0  }
0xa4: {  	s3 =	rddreg [dreg:$0x2];
	[bflag:$0x3] =	sbarrier.arrive $0xFFFF;
	s2 =	simm.s32 @!p0 $0x1C03  }
0xa5: {  	[timem:s3], [sflag:s2] =	dma.local @!p0 [hbm:s0], s1  }
0xa6: {  	s0 =	simm.s32 @!p0 $0x3  }
0xa7: {  	_ =	swait.ge @!p0 [sflag:s0], s1  }
0xa8: {  	s1 =	ssub.s32 @!p0 $0x0, s1;
	[sflag:s0] =	ssyncset.done @!p0 $0x0  }
0xa9: {  	[sflag:s0] =	ssyncadd.s32 @!p0 s1  }
0xaa: {  	[bflag:$0x3] =	sbarrier.arrive $0xFFFF  }
0xab: {  	_ =	shalt  }

// kernel: kernel.18.cloned.1.call-start
scs
__scs_entry_jumppad:
0x0: {  	(pc) =	sbr.rel $0x88, $3  }
0x1: {  	(tag) =	ssettag $0x0;
	lr =	simm.s32 $0x1  }
0x2: {  	[smem:$0x3F91] =	sst lr;
	_ =	strace $0xD0000000  }
0x3: {  	_ = 	snop  }
0x4: {  	_ = 	snop  }
0x5: {  	_ = 	snop  }
0x6: {  	_ = 	snop  }
0x7: {  	_ = 	snop  }
__scs_overlays_trampoline_lowered:
0x8: {  	[smem:$0x3FA0] =	sst s0  }
0x9: {  	[smem:$0x3FA1] =	sst s1  }
0xa: {  	[smem:$0x3FA2] =	sst s2  }
0xb: {  	[smem:$0x3FA3] =	sst s3  }
0xc: {  	[smem:$0x3FA4] =	sst s4  }
0xd: {  	[smem:$0x3FA5] =	sst s5  }
0xe: {  	[smem:$0x3FA6] =	sst s6  }
0xf: {  	[smem:$0x3FA7] =	sst s7  }
0x10: {  	[smem:$0x3FA8] =	sst s8  }
0x11: {  	[smem:$0x3FA9] =	sst s9;
	s0 =	simm.s32 @!p0 $0x0  }
0x12: {  	s1 =	sld [smem:$0x3F8F];
	s0 =	simm.s32 @p0 $0x1  }
0x13: {  	[smem:$0x3FAA] =	sst s0;
	s0 =	simm.s32 @!p1 $0x0  }
0x14: {  	s2 =	sld [smem:$0x3F8E];
	s0 =	simm.s32 @p1 $0x1  }
0x15: {  	[smem:$0x3FAB] =	sst s0;
	s0 =	simm.s32 @!p2 $0x0  }
0x16: {  	s3 =	sld [smem:$0x3FDB];
	s0 =	simm.s32 @p2 $0x1  }
0x17: {  	s4 =	simm.s32 $0x1BF5;
	[smem:$0x3FAD] =	sst s0  }
0x18: {  	s0 =	sld [smem:$0x3F90];
	_ =	swait.ge [sflag:s4], $0x0  }
0x19: {  	s7 =	sld [smem:$0x3F91]  }
0x1a: {  	s8 =	sadd.s32 $0xFFFFE003, lr  }
0x1b: {  	s9 =	sadd.s32 $0xFFFFFEF7, lr;
	s5 =	simm.s32 $0xFFFFFFFF;
	p2 =	slt.u32 s8, $0xFFFFF086  }
0x1c: {  	p1 =	slt.u32 s9, $0xF7A;
	s5 =	simm.s32 @!p2 $0x0  }
0x1d: {  	s5 =	simm.s32 @p1 $0x1;
	p0 =	seq.s32 s7, s2  }
0x1e: {  	s7 =	smul.u32 @!p0 $0xF7A, s2;
	p2 =	seq.s32 @!p0 s5, $0x0  }
0x1f: {  	s9 =	smul.u32 $0xF7A, s1;
	s8 =	simm.s32 @!p0 $0x1BF5;
	p2 =	por !p2, p0  }
0x20: {  	[sflag:s8] =	ssyncset.s32 @!p0 $0xFFFFF086;
	s6 =	sadd.s32 @!p0 s3, s7;
	s7 =	simm.s32 @!p0 $0x108  }
0x21: {  	s3 =	sadd.s32 s3, s9;
	s6 =	sadd.s32 @!p0 $0x88, s6;
	s7 =	simm.s32 @p2 $0x1082  }
0x22: {  	[simem:s7], [sflag:s8] =	dma.local @!p0 [hbm:s6], $0xF7A  }
0x23: {  	s9 =	sor.u32 $0xD0000000, s2;
	s6 =	simm.s32 $0x108;
	_ =	swait.ge @!p0 [sflag:s8], $0x0  }
0x24: {  	s3 =	sadd.s32 $0x88, s3;
	s6 =	simm.s32 @!p1 $0x1082;
	[sflag:s4] =	ssyncset.s32 $0xFFFFF086  }
0x25: {  	[simem:s6], [sflag:s4] =	dma.local [hbm:s3], $0xF7A  }
0x26: {  	[smem:$0x3F91] =	sst s1;
	(tag) =	ssettag s2;
	_ =	strace s9  }
0x27: {  	s1 =	sld [smem:$0x3FA1]  }
0x28: {  	s2 =	sld [smem:$0x3FA2]  }
0x29: {  	s4 =	sld [smem:$0x3FA4]  }
0x2a: {  	p0 =	seq.s32 s5, $0x0;
	s5 =	sld [smem:$0x3FA5]  }
0x2b: {  	s6 =	sld [smem:$0x3FA6]  }
0x2c: {  	s7 =	sld [smem:$0x3FA7]  }
0x2d: {  	s3 =	simm.s32 $0x108;
	s8 =	sld [smem:$0x3FA8]  }
0x2e: {  	s3 =	simm.s32 @!p0 $0x1082;
	s9 =	sld [smem:$0x3FA9]  }
0x2f: {  	lr =	sadd.s32 s0, s3;
	s0 =	sld [smem:$0x3FA0]  }
0x30: {  	s3 =	sld [smem:$0x3FA3]  }
0x31: {  	[smem:$0x3FAC] =	sst s10  }
0x32: {  	s10 =	sld [smem:$0x3FAA];
	_ =	sdelay $0x3  }
0x33: {  	p0 =	seq.s32 s10, $0x1;
	s10 =	sld [smem:$0x3FAC];
	_ =	sdelay $0x3  }
0x34: {  	[smem:$0x3FAC] =	sst s10  }
0x35: {  	s10 =	sld [smem:$0x3FAB];
	_ =	sdelay $0x3  }
0x36: {  	p1 =	seq.s32 s10, $0x1;
	s10 =	sld [smem:$0x3FAC];
	_ =	sdelay $0x3  }
0x37: {  	[smem:$0x3FAC] =	sst s10  }
0x38: {  	s10 =	sld [smem:$0x3FAD]  }
0x39: {  	_ = 	snop;
	(pc) =	sbr.ind lr, $3  }
0x3a: {  	_ = 	snop  }
0x3b: {  	_ = 	snop  }
0x3c: {  	p2 =	seq.s32 s10, $0x1;
	s10 =	sld [smem:$0x3FAC]  }
0x3d: {  	_ =	shalt  }
0x3e: {  	_ =	shalt  }
0x3f: {  	_ =	shalt  }
0x40: {  	_ =	shalt  }
0x41: {  	_ =	shalt  }
0x42: {  	_ =	shalt  }
0x43: {  	_ =	shalt  }
0x44: {  	_ =	shalt  }
0x45: {  	_ =	shalt  }
0x46: {  	_ =	shalt  }
0x47: {  	_ =	shalt  }
0x48: {  	_ =	shalt  }
0x49: {  	_ =	shalt  }
0x4a: {  	_ =	shalt  }
0x4b: {  	_ =	shalt  }
0x4c: {  	_ =	shalt  }
0x4d: {  	_ =	shalt  }
0x4e: {  	_ =	shalt  }
0x4f: {  	_ =	shalt  }
0x50: {  	_ =	shalt  }
0x51: {  	_ =	shalt  }
0x52: {  	_ =	shalt  }
0x53: {  	_ =	shalt  }
0x54: {  	_ =	shalt  }
0x55: {  	_ =	shalt  }
0x56: {  	_ =	shalt  }
0x57: {  	_ =	shalt  }
0x58: {  	_ =	shalt  }
0x59: {  	_ =	shalt  }
0x5a: {  	_ =	shalt  }
0x5b: {  	_ =	shalt  }
0x5c: {  	_ =	shalt  }
0x5d: {  	_ =	shalt  }
0x5e: {  	_ =	shalt  }
0x5f: {  	_ =	shalt  }
0x60: {  	_ =	shalt  }
0x61: {  	_ =	shalt  }
0x62: {  	_ =	shalt  }
0x63: {  	_ =	shalt  }
0x64: {  	_ =	shalt  }
0x65: {  	_ =	shalt  }
0x66: {  	_ =	shalt  }
0x67: {  	_ =	shalt  }
0x68: {  	_ =	shalt  }
0x69: {  	_ =	shalt  }
0x6a: {  	_ =	shalt  }
0x6b: {  	_ =	shalt  }
0x6c: {  	_ =	shalt  }
0x6d: {  	_ =	shalt  }
0x6e: {  	_ =	shalt  }
0x6f: {  	_ =	shalt  }
0x70: {  	_ =	shalt  }
0x71: {  	_ =	shalt  }
0x72: {  	_ =	shalt  }
0x73: {  	_ =	shalt  }
0x74: {  	_ =	shalt  }
0x75: {  	_ =	shalt  }
0x76: {  	_ =	shalt  }
0x77: {  	_ =	shalt  }
0x78: {  	_ =	shalt  }
0x79: {  	_ =	shalt  }
0x7a: {  	_ =	shalt  }
0x7b: {  	_ =	shalt  }
0x7c: {  	_ =	shalt  }
0x7d: {  	_ =	shalt  }
0x7e: {  	_ =	shalt  }
0x7f: {  	_ =	shalt  }
0x80: {  	_ =	shalt  }
0x81: {  	_ =	shalt  }
0x82: {  	_ =	shalt  }
0x83: {  	_ =	shalt  }
0x84: {  	_ =	shalt  }
0x85: {  	_ =	shalt  }
0x86: {  	_ =	shalt  }
0x87: {  	_ =	shalt  }
.Lfunc_end0:
.L_simem_size_0:
called_computation.2_lowered:
.L_overlay_start_0:
0x88: {  	s2 =	sld [smem:$0x3FD9]  }
0x89: {  	s3 =	sld [smem:$0x3FFE];
	_ =	sdelay $0x1  }
0x8a: {  	s1 =	srdreg.scid  }
0x8b: {  	s0 =	sand.u32 $0x1, s1  }
0x8c: {  	s16 =	sshll.u32 s0, $0xA;
	s2 =	sadd.s32 s3, s2  }
0x8d: {  	s2 =	sadd.s32 s2, s16  }
0x8e: {  	[smem:$0x3FB8] =	sst s2  }
0x8f: {  	_ = 	snop  }
0x90: {  	(tm) =	ssettm $0x1  }
0x91: {  	s17 =	sld [smem:$0x3FFB];
	_ =	sdelay $0x3  }
0x92: {  	_ =	strace s17  }
0x93: {  	s2 =	sld [smem:$0x3FFC];
	_ =	sdelay $0x3  }
0x94: {  	_ =	strace s2  }
0x95: {  	s2 =	sld [smem:$0x3FFD];
	_ =	sdelay $0x3  }
0x96: {  	_ =	strace s2  }
0x97: {  	_ =	strace $0x8FFFFFFF  }
0x98: {  	s18 =	sld [smem:$0x3FDB];
	_ =	sdelay $0x1  }
0x99: {  	s19 =	simm.s32 $_scs_section_size  }
0x9a: {  	s4 =	simm.s32 $_size__tile_overlayer_lowered;
	s5 =	simm.s32 $_tile_overlayer_lowered  }
0x9b: {  	s22 =	simm.s32 $0x1BFF;
	s21 =	sshll.u32 s5, $0x1;
	s2 =	sadd.s32 s19, s18  }
0x9c: {  	s6 =	simm.s32 $0x0;
	s20 =	sshll.u32 s4, $0x1;
	s4 =	sadd.s32 s21, s2  }
0x9d: {  	[timem:s6], [sflag:s22] =	dma.local [hbm:s4], s20  }
0x9e: {  	_ =	swait.ge [sflag:s22], s20  }
0x9f: {  	s3 =	ssub.s32 $0x0, s20;
	[sflag:s22] =	ssyncset.done $0x0  }
0xa0: {  	[sflag:s22] =	ssyncadd.s32 s3;
	_ =	sdelay $0x1  }
0xa1: {  	s23 =	simm.s32 $0x1B8B  }
0xa2: {  	_ =	swait.ge [sflag:s23], $0x1  }
0xa3: {  	[sflag:s23] =	ssyncset.done $0x0  }
0xa4: {  	s25 =	simm.s32 $0x1B8E;
	s24 =	sld [smem:$0x3FFE];
	[sflag:s23] =	ssyncadd.s32 $0xFFFFFFFF  }
0xa5: {  	s26 =	simm.s32 $execute0_lowered;
	[smem:$0x3FD2] =	sst s25  }
0xa6: {  	s4 =	sshll.u32 s26, $0x1;
	_ =	strace $0x8000004C;
	[dreg:$0x1] =	wrdreg $0xFFFFFFFF  }
0xa7: {  	s28 =	simm.s32 $_size_execute0_lowered;
	s2 =	sadd.s32 s2, s4;
	[dreg:$0x0] =	wrdreg $0x0  }
0xa8: {  	s4 =	sshll.u32 s28, $0x1;
	[dreg:$0x2] =	wrdreg s2  }
0xa9: {  	[dreg:$0x3] =	wrdreg s4  }
0xaa: {  	[dreg:$0x4] =	wrdreg $0xC0  }
0xab: {  	_ =	task [dreg:s6], $0x5FFFF  }
0xac: {  	[dreg:$0x1] =	wrdreg $0xFFFFFFFF  }
0xad: {  	[dreg:$0x0] =	wrdreg $0x60  }
0xae: {  	[dreg:$0x2] =	wrdreg s24  }
0xaf: {  	[dreg:$0x3] =	wrdreg $0x52000  }
0xb0: {  	[dreg:$0x4] =	wrdreg $0x9  }
0xb1: {  	_ =	task.clear_ibuf [dreg:s6], $0x5FFFF;
	_ =	strace $0x9000004C  }
0xb2: {  	s29 =	simm.s32 $0x9;
	_ =	strace $0x8000004E  }
0xb3: {  	_ =	swait.ge [sflag:s29], $0x1  }
0xb4: {  	[sflag:s29] =	ssyncadd.s32 $0xFFFFFFFF  }
0xb5: {  	_ =	strace $0x9000004E  }
0xb6: {  	_ =	sfence  }
0xb7: {  	s30 =	sld [smem:$0x0];
	_ =	sdelay $0x2  }
0xb8: {  	s31 =	sshll.u32 s1, $0xD;
	s1 =	sshrl.u32 s1, $0x2  }
0xb9: {  	s3 =	sand.u32 $0x4000, s31;
	s1 =	sadd.s32 s1, s30  }
0xba: {  	s0 =	sor.u32 s3, s0;
	s1 =	sshll.u32 s1, $0x11  }
0xbb: {  	s0 =	sor.u32 s1, s0  }
0xbc: {  	s0 =	sadd.s32 $0x8F2B, s0  }
0xbd: {  	[sflag:s0] =	ssyncadd.remote.s32 $0x1  }
0xbe: {  	_ =	sfence.sel $0xFFFF  }
0xbf: {  	[dreg:$0x0] =	wrdreg $0xFFFFFFFF;
	(pc) =	sbr.abs _section_cstart, $3  }
0xc0: {  	[dreg:$0x1] =	wrdreg $0xFFFFFFFF  }
0xc1: {  	_ =	task.clear_ibuf [dreg:s6], $0x2FFFF;
	_ =	strace $0x9FFFFFFF  }
0xc2: {  	(tm) =	ssettm $0x7FFFFFFF  }
0xc3: {  	_ =	shalt  }
tec
execute0_lowered:
.L_overlay_start_1:
0x0: {  	(tag) =	ssettag $0x1  }
0x1: {  	s6 =	rddreg [dreg:$0x0]  }
0x2: {  	s1 =	rddreg [dreg:$0x1];
	s2 =	simm.s32 $0x0  }
0x3: {  	s14 =	stileid.u32;
	s4 =	srdreg.scid;
	s20 =	simm.s32 $0x100  }
0x4: {  	s21 =	simm.s32 $0x180;
	s22 =	simm.s32 $0x2A00;
	[smem:$0x7FF] =	sst s2  }
0x5: {  	s3 =	sadd.s32 $0x3D800, s6;
	s9 =	smul.u32 $0x2700, s14;
	s12 =	sadd.s32 $0xC800, s6  }
0x6: {  	s13 =	sadd.s32 $0x2A00, s6;
	s11 =	sand.u32 $0x1, s4;
	s7 =	smul.u32 $0x4E000, s14  }
0x7: {  	s10 =	sadd.s32 $0x64A00, s6;
	s15 =	sshll.u32 s14, $0x1;
	s29 =	smul.u32 $0x14, s14  }
0x8: {  	s26 =	sshll.u32 s14, $0x6;
	s18 =	sadd.s32 $0x138000, s1;
	s17 =	smul.u32 $0x138800, s11  }
0x9: {  	p0 =	sne.s32 s14, $0x0;
	_ =	strace $0x8000004D;
	s19 =	smul.u32 $0x27100, s11  }
0xa: {  	s5 =	ssub.s32 $0x2, s11;
	s24 =	sor.u32 s11, s15;
	s30 =	smul.u32 $0xA, s11  }
0xb: {  	s15 =	simm.s32 $0x3;
	s23 =	sadd.s32 s9, s6;
	s8 =	sshrl.u32 s5, $0x1  }
0xc: {  	s7 =	sshrl.u32 s7, $0x2;
	s28 =	smul.u32 $0xA, s24;
	s6 =	sadd.s32 $0x3D600, s6  }
0xd: {  	s31 =	sadd.s32 s29, s12;
	s24 =	simm.s32 $0x2;
	s16 =	ssub.s32 s5, s8  }
0xe: {  	s25 =	sadd.s32 s7, s1;
	s4 =	sadd.s32 $0x16600, s23;
	s5 =	sor.u32 $0x1C03, s26  }
0xf: {  	s17 =	sshrl.u32 s17, $0x3;
	s9 =	sadd.s32 s9, s19;
	s19 =	simm.s32 $0x200  }
0x10: {  	s23 =	simm.s32 $0x1;
	s7 =	sadd.s32 s12, s28;
	s8 =	sadd.s32 s13, s28  }
0x11: {  	s17 =	sadd.s32 s10, s17;
	s9 =	sadd.s32 s10, s9;
	s11 =	smax.u32 s16, $0x1  }
0x12: {  	s13 =	sadd.s32 s29, s13;
	s14 =	sshrl.u32 s25, $0x3;
	s16 =	sshrl.u32 @!p0 s18, $0x3  }
0x13: {  	s18 =	simm.s32 $0x50;
	s25 =	simm.s32 $0x0;
	s10 =	sadd.s32 $0x27000, s17  }
0x14: {  	s12 =	sadd.s32 s30, s13;
	s13 =	sadd.s32 s30, s31;
	s17 =	simm.s32 $0x80  }
.LBB2_1:
0x15: {  	[spmem:s14], [sflag:s5] =	dma.local [hbm:s4], $0x2700  }
0x16: {  	_ =	swait.ge [sflag:s15], $0x2700  }
0x17: {  	[sflag:s15] =	ssyncset.done $0x0  }
0x18: {  	s26 =	simm.s32 @!p0 $0x3;
	[sflag:s15] =	ssyncadd.s32 $0xFFFFD900  }
0x19: {  	[spmem:s16], [sflag:s5] =	dma.local @!p0 [hbm:s6], $0x100  }
0x1a: {  	_ =	swait.ge @!p0 [sflag:s26], $0x100  }
0x1b: {  	[sflag:s26] =	ssyncset.done @!p0 $0x0  }
0x1c: {  	[sflag:s26] =	ssyncadd.s32 @!p0 $0xFFFFFF00  }
0x1d: {  	[bflag:$0x0] =	sbarrier.arrive $0xFFFF  }
0x1e: {  	[tilespmem:s2], [sflag:$0x3] =	stream.linear.gather [hbm4b:s7+s2], $0x50, $0x38;
	[tilespmem:$0x18A80] =	vst v63  }
0x1f: {  	_ =	swait.ge [sflag:s15], $0x50  }
0x20: {  	[sflag:s15] =	ssyncset.done $0x0  }
0x21: {  	[sflag:s15] =	ssyncadd.s32 $0xFFFFFFB0  }
0x22: {  	[tilespmem:s17], [sflag:$0x3] =	stream.linear.gather [hbm4b:s8+s2], $0x50, $0x38;
	[tilespmem:$0x18A80] =	vst v63  }
0x23: {  	_ =	swait.ge [sflag:s15], $0x50  }
0x24: {  	[sflag:s15] =	ssyncset.done $0x0  }
0x25: {  	s31 =	sadd.s32 $0x0, s13;
	[sflag:s15] =	ssyncadd.s32 $0xFFFFFFB0  }
0x26: {  	[tilespmem:s19], [sflag:$0x1] =	stream.indirect.gather [hbm4b:s3+s18], $0x80, s2, s18, $0xb8;
	[tilespmem:$0x18A80] =	vst v63  }
0x27: {  	s28 =	sadd.s32 $0x140, s31  }
0x28: {  	[tilespmem:s20], [sflag:$0x3] =	stream.linear.gather [hbm4b:s28+s2], $0x50, $0x38;
	[tilespmem:$0x18A80] =	vst v63  }
0x29: {  	_ =	swait.ge [sflag:s15], $0x50  }
0x2a: {  	s0 =	sadd.s32 $0x0, s12;
	[sflag:s15] =	ssyncset.done $0x0  }
0x2b: {  	s29 =	sadd.s32 $0x140, s0;
	[sflag:s15] =	ssyncadd.s32 $0xFFFFFFB0  }
0x2c: {  	[tilespmem:s21], [sflag:$0x3] =	stream.linear.gather [hbm4b:s29+s2], $0x50, $0x38;
	[tilespmem:$0x18A80] =	vst v63  }
0x2d: {  	_ =	swait.ge [sflag:s15], $0x50  }
0x2e: {  	[sflag:s15] =	ssyncset.done $0x0  }
0x2f: {  	[sflag:s15] =	ssyncadd.s32 $0xFFFFFFB0  }
0x30: {  	[tilespmem:s22], [sflag:$0x2] =	stream.indirect.gather [hbm4b:s3+s18], $0x80, s20, s18, $0xb8;
	[tilespmem:$0x18A80] =	vst v63  }
0x31: {  	_ =	swait.ge [sflag:s23], $0x2800  }
0x32: {  	[sflag:s23] =	ssyncset.done $0x0  }
0x33: {  	[sflag:s23] =	ssyncadd.s32 $0xFFFFD800  }
0x34: {  	[spmem:s1] =	stream.indirect.scatter.add.f32 [tilespmem:s19], [sflag:$0x3], $0x80, s17, s18, $0xb8;
	[tilespmem:$0x18A80] =	vst v63  }
0x35: {  	_ =	swait.ge [sflag:s15], $0x2800  }
0x36: {  	[sflag:s15] =	ssyncset.done $0x0  }
0x37: {  	s26 =	sadd.s32 $0x280, s31;
	[sflag:s15] =	ssyncadd.s32 $0xFFFFD800  }
0x38: {  	[tilespmem:s2], [sflag:$0x3] =	stream.linear.gather [hbm4b:s26+s2], $0x50, $0x38;
	[tilespmem:$0x18A80] =	vst v63  }
0x39: {  	_ =	swait.ge [sflag:s15], $0x50  }
0x3a: {  	[sflag:s15] =	ssyncset.done $0x0  }
0x3b: {  	s31 =	sadd.s32 $0x280, s0;
	[sflag:s15] =	ssyncadd.s32 $0xFFFFFFB0  }
0x3c: {  	[tilespmem:s17], [sflag:$0x3] =	stream.linear.gather [hbm4b:s31+s2], $0x50, $0x38;
	[tilespmem:$0x18A80] =	vst v63  }
0x3d: {  	_ =	swait.ge [sflag:s15], $0x50  }
0x3e: {  	[sflag:s15] =	ssyncset.done $0x0  }
0x3f: {  	[sflag:s15] =	ssyncadd.s32 $0xFFFFFFB0  }
0x40: {  	[tilespmem:s19], [sflag:$0x1] =	stream.indirect.gather [hbm4b:s3+s18], $0x80, s2, s18, $0xb8;
	[tilespmem:$0x18A80] =	vst v63  }
0x41: {  	_ =	swait.ge [sflag:s24], $0x2800  }
0x42: {  	[sflag:s24] =	ssyncset.done $0x0  }
0x43: {  	[sflag:s24] =	ssyncadd.s32 $0xFFFFD800  }
0x44: {  	[spmem:s1] =	stream.indirect.scatter.add.f32 [tilespmem:s22], [sflag:$0x3], $0x80, s21, s18, $0xb8;
	[tilespmem:$0x18A80] =	vst v63  }
0x45: {  	s30 =	simm.s32 $0x500;
	_ =	swait.ge [sflag:s15], $0x2800  }
0x46: {  	s29 =	sadd.s32 $0x280, s13;
	s26 =	simm.s32 $0x280;
	[sflag:s15] =	ssyncset.done $0x0  }
.LBB2_2:
0x47: {  	s31 =	sadd.s32 $0x140, s29  }
0x48: {  	[sflag:s15] =	ssyncadd.s32 $0xFFFFD800;
	s0 =	smov.u32 s30;
	s28 =	sadd.s32 $0x280, s30  }
0x49: {  	[tilespmem:s20], [sflag:$0x3] =	stream.linear.gather [hbm4b:s31+s2], $0x50, $0x38;
	[tilespmem:$0x18A80] =	vst v63  }
0x4a: {  	p1 =	sne.s32 s30, $0x9880;
	_ =	swait.ge [sflag:s15], $0x50  }
0x4b: {  	s30 =	sadd.s32 s26, s12;
	s26 =	smov.u32 s0;
	[sflag:s15] =	ssyncset.done $0x0  }
0x4c: {  	s0 =	sadd.s32 $0x140, s30;
	[sflag:s15] =	ssyncadd.s32 $0xFFFFFFB0  }
0x4d: {  	[tilespmem:s21], [sflag:$0x3] =	stream.linear.gather [hbm4b:s0+s2], $0x50, $0x38;
	[tilespmem:$0x18A80] =	vst v63  }
0x4e: {  	_ =	swait.ge [sflag:s15], $0x50  }
0x4f: {  	[sflag:s15] =	ssyncset.done $0x0  }
0x50: {  	[sflag:s15] =	ssyncadd.s32 $0xFFFFFFB0  }
0x51: {  	[tilespmem:s22], [sflag:$0x2] =	stream.indirect.gather [hbm4b:s3+s18], $0x80, s20, s18, $0xb8;
	[tilespmem:$0x18A80] =	vst v63  }
0x52: {  	_ =	swait.ge [sflag:s23], $0x2800  }
0x53: {  	[sflag:s23] =	ssyncset.done $0x0  }
0x54: {  	[sflag:s23] =	ssyncadd.s32 $0xFFFFD800  }
0x55: {  	[spmem:s1] =	stream.indirect.scatter.add.f32 [tilespmem:s19], [sflag:$0x3], $0x80, s17, s18, $0xb8;
	[tilespmem:$0x18A80] =	vst v63  }
0x56: {  	_ =	swait.ge [sflag:s15], $0x2800  }
0x57: {  	[sflag:s15] =	ssyncset.done $0x0  }
0x58: {  	s0 =	sadd.s32 $0x280, s29;
	[sflag:s15] =	ssyncadd.s32 $0xFFFFD800  }
0x59: {  	[tilespmem:s2], [sflag:$0x3] =	stream.linear.gather [hbm4b:s0+s2], $0x50, $0x38;
	[tilespmem:$0x18A80] =	vst v63  }
0x5a: {  	_ =	swait.ge [sflag:s15], $0x50  }
0x5b: {  	[sflag:s15] =	ssyncset.done $0x0  }
0x5c: {  	s0 =	sadd.s32 $0x280, s30;
	[sflag:s15] =	ssyncadd.s32 $0xFFFFFFB0  }
0x5d: {  	[tilespmem:s17], [sflag:$0x3] =	stream.linear.gather [hbm4b:s0+s2], $0x50, $0x38;
	[tilespmem:$0x18A80] =	vst v63  }
0x5e: {  	_ =	swait.ge [sflag:s15], $0x50  }
0x5f: {  	[sflag:s15] =	ssyncset.done $0x0  }
0x60: {  	[sflag:s15] =	ssyncadd.s32 $0xFFFFFFB0  }
0x61: {  	[tilespmem:s19], [sflag:$0x1] =	stream.indirect.gather [hbm4b:s3+s18], $0x80, s2, s18, $0xb8;
	[tilespmem:$0x18A80] =	vst v63  }
0x62: {  	_ =	swait.ge [sflag:s24], $0x2800  }
.Ltmp0:
0x63: {  	[sflag:s24] =	ssyncset.done $0x0;
	(pc) =	sbr.rel @p1 .LBB2_2-.Ltmp0, $4  }
0x64: {  	[sflag:s24] =	ssyncadd.s32 $0xFFFFD800  }
0x65: {  	[spmem:s1] =	stream.indirect.scatter.add.f32 [tilespmem:s22], [sflag:$0x3], $0x80, s21, s18, $0xb8;
	[tilespmem:$0x18A80] =	vst v63  }
0x66: {  	_ =	swait.ge [sflag:s15], $0x2800  }
0x67: {  	s29 =	sadd.s32 s26, s13;
	s30 =	smov.u32 s28;
	[sflag:s15] =	ssyncset.done $0x0  }
0x68: {  	s0 =	sadd.s32 $0x140, s29;
	[sflag:s15] =	ssyncadd.s32 $0xFFFFD800  }
0x69: {  	[tilespmem:s20], [sflag:$0x3] =	stream.linear.gather [hbm4b:s0+s2], $0x50, $0x38;
	[tilespmem:$0x18A80] =	vst v63  }
0x6a: {  	_ =	swait.ge [sflag:s15], $0x50  }
0x6b: {  	s30 =	sadd.s32 s26, s12;
	[sflag:s15] =	ssyncset.done $0x0  }
0x6c: {  	s26 =	sadd.s32 $0x140, s30;
	[sflag:s15] =	ssyncadd.s32 $0xFFFFFFB0  }
0x6d: {  	[tilespmem:s21], [sflag:$0x3] =	stream.linear.gather [hbm4b:s26+s2], $0x50, $0x38;
	[tilespmem:$0x18A80] =	vst v63  }
0x6e: {  	_ =	swait.ge [sflag:s15], $0x50  }
0x6f: {  	[sflag:s15] =	ssyncset.done $0x0  }
0x70: {  	[sflag:s15] =	ssyncadd.s32 $0xFFFFFFB0  }
0x71: {  	[tilespmem:s22], [sflag:$0x2] =	stream.indirect.gather [hbm4b:s3+s18], $0x80, s20, s18, $0xb8;
	[tilespmem:$0x18A80] =	vst v63  }
0x72: {  	_ =	swait.ge [sflag:s23], $0x2800  }
0x73: {  	[sflag:s23] =	ssyncset.done $0x0  }
0x74: {  	[sflag:s23] =	ssyncadd.s32 $0xFFFFD800  }
0x75: {  	[spmem:s1] =	stream.indirect.scatter.add.f32 [tilespmem:s19], [sflag:$0x3], $0x80, s17, s18, $0xb8;
	[tilespmem:$0x18A80] =	vst v63  }
0x76: {  	_ =	swait.ge [sflag:s15], $0x2800  }
0x77: {  	[sflag:s15] =	ssyncset.done $0x0  }
0x78: {  	s31 =	sadd.s32 $0x280, s29;
	[sflag:s15] =	ssyncadd.s32 $0xFFFFD800  }
0x79: {  	[tilespmem:s2], [sflag:$0x3] =	stream.linear.gather [hbm4b:s31+s2], $0x50, $0x38;
	[tilespmem:$0x18A80] =	vst v63  }
0x7a: {  	_ =	swait.ge [sflag:s15], $0x50  }
0x7b: {  	[sflag:s15] =	ssyncset.done $0x0  }
0x7c: {  	s0 =	sadd.s32 $0x280, s30;
	[sflag:s15] =	ssyncadd.s32 $0xFFFFFFB0  }
0x7d: {  	[tilespmem:s17], [sflag:$0x3] =	stream.linear.gather [hbm4b:s0+s2], $0x50, $0x38;
	[tilespmem:$0x18A80] =	vst v63  }
0x7e: {  	_ =	swait.ge [sflag:s15], $0x50  }
0x7f: {  	[sflag:s15] =	ssyncset.done $0x0  }
0x80: {  	[sflag:s15] =	ssyncadd.s32 $0xFFFFFFB0  }
0x81: {  	[tilespmem:s19], [sflag:$0x1] =	stream.indirect.gather [hbm4b:s3+s18], $0x80, s2, s18, $0xb8;
	[tilespmem:$0x18A80] =	vst v63  }
0x82: {  	_ =	swait.ge [sflag:s24], $0x2800  }
0x83: {  	[sflag:s24] =	ssyncset.done $0x0  }
0x84: {  	[sflag:s24] =	ssyncadd.s32 $0xFFFFD800  }
0x85: {  	[spmem:s1] =	stream.indirect.scatter.add.f32 [tilespmem:s22], [sflag:$0x3], $0x80, s21, s18, $0xb8;
	[tilespmem:$0x18A80] =	vst v63  }
0x86: {  	_ =	swait.ge [sflag:s15], $0x2800  }
0x87: {  	[sflag:s15] =	ssyncset.done $0x0  }
0x88: {  	[sflag:s15] =	ssyncadd.s32 $0xFFFFD800  }
0x89: {  	_ =	swait.ge [sflag:s23], $0x2800  }
0x8a: {  	[sflag:s23] =	ssyncset.done $0x0  }
0x8b: {  	[sflag:s23] =	ssyncadd.s32 $0xFFFFD800  }
0x8c: {  	[spmem:s1] =	stream.indirect.scatter.add.f32 [tilespmem:s19], [sflag:$0x3], $0x80, s17, s18, $0xb8;
	[tilespmem:$0x18A80] =	vst v63  }
0x8d: {  	_ =	swait.ge [sflag:s15], $0x2800  }
0x8e: {  	[sflag:s15] =	ssyncset.done $0x0  }
0x8f: {  	[sflag:s15] =	ssyncadd.s32 $0xFFFFD800  }
0x90: {  	[bflag:$0x0] =	sbarrier.arrive $0xFFFF  }
0x91: {  	[hbm:s9], [sflag:s5] =	dma.local [spmem:s14], $0x2700  }
0x92: {  	s25 =	sadd.s32 $0x1, s25;
	_ =	swait.ge [sflag:s15], $0x2700  }
0x93: {  	p1 =	sne.s32 s25, s11;
	[sflag:s15] =	ssyncset.done $0x0  }
.Ltmp1:
0x94: {  	s0 =	simm.s32 @!p0 $0x3;
	[sflag:s15] =	ssyncadd.s32 $0xFFFFD900;
	(pc) =	sbr.rel @p1 .LBB2_1-.Ltmp1, $4  }
0x95: {  	[hbm:s10], [sflag:s5] =	dma.local @!p0 [spmem:s16], $0x100  }
0x96: {  	_ =	swait.ge @!p0 [sflag:s0], $0x100  }
0x97: {  	[sflag:s0] =	ssyncset.done @!p0 $0x0  }
0x98: {  	[sflag:s0] =	ssyncadd.s32 @!p0 $0xFFFFFF00  }
0x99: {  	_ =	sfence.sel $0x180000  }
0x9a: {  	[bflag:$0x0] =	sbarrier.arrive $0xFFFF  }
0x9b: {  	_ =	strace $0x9000004D  }
0x9c: {  	[bflag:$0x2] =	sbarrier.arrive $0xFFFF  }
0x9d: {  	s0 =	rddreg [dreg:$0x2]  }
0x9e: {  	s0 =	sadd.s32 @!p0 $0x100000, s0  }
0x9f: {  	[sflag:s0] =	ssyncadd.tile.s32 @!p0 $0x1;
	_ =	shalt  }
.Lfunc_end2:
_tile_overlayer_lowered:
.L_overlay_start_2:
0xa0: {  	(tag) =	ssettag $0x2  }
0xa1: {  	s0 =	rddreg [dreg:$0x0];
	s2 =	stileid.u32  }
0xa2: {  	s1 =	rddreg [dreg:$0x1];
	p0 =	sne.s32 s2, $0x0  }
0xa3: {  	s3 =	rddreg [dreg:$0x2];
	[bflag:$0x3] =	sbarrier.arrive $0xFFFF;
	s2 =	simm.s32 @!p0 $0x1C03  }
0xa4: {  	[timem:s3], [sflag:s2] =	dma.local @!p0 [hbm:s0], s1  }
0xa5: {  	s0 =	simm.s32 @!p0 $0x3  }
0xa6: {  	_ =	swait.ge @!p0 [sflag:s0], s1  }
0xa7: {  	s1 =	ssub.s32 @!p0 $0x0, s1;
	[sflag:s0] =	ssyncset.done @!p0 $0x0  }
0xa8: {  	[sflag:s0] =	ssyncadd.s32 @!p0 s1  }
0xa9: {  	[bflag:$0x3] =	sbarrier.arrive $0xFFFF  }
0xaa: {  	_ =	shalt  }

// kernel: kernel.21.cloned.1.call-start
scs
__scs_entry_jumppad:
0x0: {  	(pc) =	sbr.rel $0x88, $3  }
0x1: {  	(tag) =	ssettag $0x0;
	lr =	simm.s32 $0x1  }
0x2: {  	[smem:$0x3F91] =	sst lr;
	_ =	strace $0xD0000000  }
0x3: {  	_ = 	snop  }
0x4: {  	_ = 	snop  }
0x5: {  	_ = 	snop  }
0x6: {  	_ = 	snop  }
0x7: {  	_ = 	snop  }
__scs_overlays_trampoline_lowered:
0x8: {  	[smem:$0x3FA0] =	sst s0  }
0x9: {  	[smem:$0x3FA1] =	sst s1  }
0xa: {  	[smem:$0x3FA2] =	sst s2  }
0xb: {  	[smem:$0x3FA3] =	sst s3  }
0xc: {  	[smem:$0x3FA4] =	sst s4  }
0xd: {  	[smem:$0x3FA5] =	sst s5  }
0xe: {  	[smem:$0x3FA6] =	sst s6  }
0xf: {  	[smem:$0x3FA7] =	sst s7  }
0x10: {  	[smem:$0x3FA8] =	sst s8  }
0x11: {  	[smem:$0x3FA9] =	sst s9;
	s0 =	simm.s32 @!p0 $0x0  }
0x12: {  	s1 =	sld [smem:$0x3F8F];
	s0 =	simm.s32 @p0 $0x1  }
0x13: {  	[smem:$0x3FAA] =	sst s0;
	s0 =	simm.s32 @!p1 $0x0  }
0x14: {  	s2 =	sld [smem:$0x3F8E];
	s0 =	simm.s32 @p1 $0x1  }
0x15: {  	[smem:$0x3FAB] =	sst s0;
	s0 =	simm.s32 @!p2 $0x0  }
0x16: {  	s3 =	sld [smem:$0x3FDB];
	s0 =	simm.s32 @p2 $0x1  }
0x17: {  	s4 =	simm.s32 $0x1BF5;
	[smem:$0x3FAD] =	sst s0  }
0x18: {  	s0 =	sld [smem:$0x3F90];
	_ =	swait.ge [sflag:s4], $0x0  }
0x19: {  	s7 =	sld [smem:$0x3F91]  }
0x1a: {  	s8 =	sadd.s32 $0xFFFFE003, lr  }
0x1b: {  	s9 =	sadd.s32 $0xFFFFFEF7, lr;
	s5 =	simm.s32 $0xFFFFFFFF;
	p2 =	slt.u32 s8, $0xFFFFF086  }
0x1c: {  	p1 =	slt.u32 s9, $0xF7A;
	s5 =	simm.s32 @!p2 $0x0  }
0x1d: {  	s5 =	simm.s32 @p1 $0x1;
	p0 =	seq.s32 s7, s2  }
0x1e: {  	s7 =	smul.u32 @!p0 $0xF7A, s2;
	p2 =	seq.s32 @!p0 s5, $0x0  }
0x1f: {  	s9 =	smul.u32 $0xF7A, s1;
	s8 =	simm.s32 @!p0 $0x1BF5;
	p2 =	por !p2, p0  }
0x20: {  	[sflag:s8] =	ssyncset.s32 @!p0 $0xFFFFF086;
	s6 =	sadd.s32 @!p0 s3, s7;
	s7 =	simm.s32 @!p0 $0x108  }
0x21: {  	s3 =	sadd.s32 s3, s9;
	s6 =	sadd.s32 @!p0 $0x88, s6;
	s7 =	simm.s32 @p2 $0x1082  }
0x22: {  	[simem:s7], [sflag:s8] =	dma.local @!p0 [hbm:s6], $0xF7A  }
0x23: {  	s9 =	sor.u32 $0xD0000000, s2;
	s6 =	simm.s32 $0x108;
	_ =	swait.ge @!p0 [sflag:s8], $0x0  }
0x24: {  	s3 =	sadd.s32 $0x88, s3;
	s6 =	simm.s32 @!p1 $0x1082;
	[sflag:s4] =	ssyncset.s32 $0xFFFFF086  }
0x25: {  	[simem:s6], [sflag:s4] =	dma.local [hbm:s3], $0xF7A  }
0x26: {  	[smem:$0x3F91] =	sst s1;
	(tag) =	ssettag s2;
	_ =	strace s9  }
0x27: {  	s1 =	sld [smem:$0x3FA1]  }
0x28: {  	s2 =	sld [smem:$0x3FA2]  }
0x29: {  	s4 =	sld [smem:$0x3FA4]  }
0x2a: {  	p0 =	seq.s32 s5, $0x0;
	s5 =	sld [smem:$0x3FA5]  }
0x2b: {  	s6 =	sld [smem:$0x3FA6]  }
0x2c: {  	s7 =	sld [smem:$0x3FA7]  }
0x2d: {  	s3 =	simm.s32 $0x108;
	s8 =	sld [smem:$0x3FA8]  }
0x2e: {  	s3 =	simm.s32 @!p0 $0x1082;
	s9 =	sld [smem:$0x3FA9]  }
0x2f: {  	lr =	sadd.s32 s0, s3;
	s0 =	sld [smem:$0x3FA0]  }
0x30: {  	s3 =	sld [smem:$0x3FA3]  }
0x31: {  	[smem:$0x3FAC] =	sst s10  }
0x32: {  	s10 =	sld [smem:$0x3FAA];
	_ =	sdelay $0x3  }
0x33: {  	p0 =	seq.s32 s10, $0x1;
	s10 =	sld [smem:$0x3FAC];
	_ =	sdelay $0x3  }
0x34: {  	[smem:$0x3FAC] =	sst s10  }
0x35: {  	s10 =	sld [smem:$0x3FAB];
	_ =	sdelay $0x3  }
0x36: {  	p1 =	seq.s32 s10, $0x1;
	s10 =	sld [smem:$0x3FAC];
	_ =	sdelay $0x3  }
0x37: {  	[smem:$0x3FAC] =	sst s10  }
0x38: {  	s10 =	sld [smem:$0x3FAD]  }
0x39: {  	_ = 	snop;
	(pc) =	sbr.ind lr, $3  }
0x3a: {  	_ = 	snop  }
0x3b: {  	_ = 	snop  }
0x3c: {  	p2 =	seq.s32 s10, $0x1;
	s10 =	sld [smem:$0x3FAC]  }
0x3d: {  	_ =	shalt  }
0x3e: {  	_ =	shalt  }
0x3f: {  	_ =	shalt  }
0x40: {  	_ =	shalt  }
0x41: {  	_ =	shalt  }
0x42: {  	_ =	shalt  }
0x43: {  	_ =	shalt  }
0x44: {  	_ =	shalt  }
0x45: {  	_ =	shalt  }
0x46: {  	_ =	shalt  }
0x47: {  	_ =	shalt  }
0x48: {  	_ =	shalt  }
0x49: {  	_ =	shalt  }
0x4a: {  	_ =	shalt  }
0x4b: {  	_ =	shalt  }
0x4c: {  	_ =	shalt  }
0x4d: {  	_ =	shalt  }
0x4e: {  	_ =	shalt  }
0x4f: {  	_ =	shalt  }
0x50: {  	_ =	shalt  }
0x51: {  	_ =	shalt  }
0x52: {  	_ =	shalt  }
0x53: {  	_ =	shalt  }
0x54: {  	_ =	shalt  }
0x55: {  	_ =	shalt  }
0x56: {  	_ =	shalt  }
0x57: {  	_ =	shalt  }
0x58: {  	_ =	shalt  }
0x59: {  	_ =	shalt  }
0x5a: {  	_ =	shalt  }
0x5b: {  	_ =	shalt  }
0x5c: {  	_ =	shalt  }
0x5d: {  	_ =	shalt  }
0x5e: {  	_ =	shalt  }
0x5f: {  	_ =	shalt  }
0x60: {  	_ =	shalt  }
0x61: {  	_ =	shalt  }
0x62: {  	_ =	shalt  }
0x63: {  	_ =	shalt  }
0x64: {  	_ =	shalt  }
0x65: {  	_ =	shalt  }
0x66: {  	_ =	shalt  }
0x67: {  	_ =	shalt  }
0x68: {  	_ =	shalt  }
0x69: {  	_ =	shalt  }
0x6a: {  	_ =	shalt  }
0x6b: {  	_ =	shalt  }
0x6c: {  	_ =	shalt  }
0x6d: {  	_ =	shalt  }
0x6e: {  	_ =	shalt  }
0x6f: {  	_ =	shalt  }
0x70: {  	_ =	shalt  }
0x71: {  	_ =	shalt  }
0x72: {  	_ =	shalt  }
0x73: {  	_ =	shalt  }
0x74: {  	_ =	shalt  }
0x75: {  	_ =	shalt  }
0x76: {  	_ =	shalt  }
0x77: {  	_ =	shalt  }
0x78: {  	_ =	shalt  }
0x79: {  	_ =	shalt  }
0x7a: {  	_ =	shalt  }
0x7b: {  	_ =	shalt  }
0x7c: {  	_ =	shalt  }
0x7d: {  	_ =	shalt  }
0x7e: {  	_ =	shalt  }
0x7f: {  	_ =	shalt  }
0x80: {  	_ =	shalt  }
0x81: {  	_ =	shalt  }
0x82: {  	_ =	shalt  }
0x83: {  	_ =	shalt  }
0x84: {  	_ =	shalt  }
0x85: {  	_ =	shalt  }
0x86: {  	_ =	shalt  }
0x87: {  	_ =	shalt  }
.Lfunc_end0:
.L_simem_size_0:
called_computation.3_lowered:
.L_overlay_start_0:
0x88: {  	s2 =	sld [smem:$0x3FD9]  }
0x89: {  	s3 =	sld [smem:$0x3FFE];
	_ =	sdelay $0x1  }
0x8a: {  	s1 =	srdreg.scid  }
0x8b: {  	s0 =	sand.u32 $0x1, s1  }
0x8c: {  	s16 =	sshll.u32 s0, $0xA;
	s2 =	sadd.s32 s3, s2  }
0x8d: {  	s2 =	sadd.s32 s2, s16  }
0x8e: {  	[smem:$0x3FB8] =	sst s2  }
0x8f: {  	_ = 	snop  }
0x90: {  	(tm) =	ssettm $0x1  }
0x91: {  	s17 =	sld [smem:$0x3FFB];
	_ =	sdelay $0x3  }
0x92: {  	_ =	strace s17  }
0x93: {  	s2 =	sld [smem:$0x3FFC];
	_ =	sdelay $0x3  }
0x94: {  	_ =	strace s2  }
0x95: {  	s2 =	sld [smem:$0x3FFD];
	_ =	sdelay $0x3  }
0x96: {  	_ =	strace s2  }
0x97: {  	_ =	strace $0x8FFFFFFF  }
0x98: {  	s18 =	sld [smem:$0x3FDB];
	_ =	sdelay $0x1  }
0x99: {  	s19 =	simm.s32 $_scs_section_size  }
0x9a: {  	s4 =	simm.s32 $_size__tile_overlayer_lowered;
	s5 =	simm.s32 $_tile_overlayer_lowered  }
0x9b: {  	s22 =	simm.s32 $0x1BFF;
	s21 =	sshll.u32 s5, $0x1;
	s2 =	sadd.s32 s19, s18  }
0x9c: {  	s6 =	simm.s32 $0x0;
	s20 =	sshll.u32 s4, $0x1;
	s4 =	sadd.s32 s21, s2  }
0x9d: {  	[timem:s6], [sflag:s22] =	dma.local [hbm:s4], s20  }
0x9e: {  	_ =	swait.ge [sflag:s22], s20  }
0x9f: {  	s3 =	ssub.s32 $0x0, s20;
	[sflag:s22] =	ssyncset.done $0x0  }
0xa0: {  	[sflag:s22] =	ssyncadd.s32 s3;
	_ =	sdelay $0x1  }
0xa1: {  	s23 =	simm.s32 $0x1B8B  }
0xa2: {  	_ =	swait.ge [sflag:s23], $0x1  }
0xa3: {  	[sflag:s23] =	ssyncset.done $0x0  }
0xa4: {  	s25 =	simm.s32 $0x1B8E;
	s24 =	sld [smem:$0x3FFE];
	[sflag:s23] =	ssyncadd.s32 $0xFFFFFFFF  }
0xa5: {  	s26 =	simm.s32 $execute0_lowered;
	[smem:$0x3FD2] =	sst s25  }
0xa6: {  	s4 =	sshll.u32 s26, $0x1;
	_ =	strace $0x8000004F;
	[dreg:$0x1] =	wrdreg $0xFFFFFFFF  }
0xa7: {  	s28 =	simm.s32 $_size_execute0_lowered;
	s2 =	sadd.s32 s2, s4;
	[dreg:$0x0] =	wrdreg $0x0  }
0xa8: {  	s4 =	sshll.u32 s28, $0x1;
	[dreg:$0x2] =	wrdreg s2  }
0xa9: {  	[dreg:$0x3] =	wrdreg s4  }
0xaa: {  	[dreg:$0x4] =	wrdreg $0xC0  }
0xab: {  	_ =	task [dreg:s6], $0x5FFFF  }
0xac: {  	[dreg:$0x1] =	wrdreg $0xFFFFFFFF  }
0xad: {  	[dreg:$0x0] =	wrdreg $0x60  }
0xae: {  	[dreg:$0x2] =	wrdreg s24  }
0xaf: {  	[dreg:$0x3] =	wrdreg $0x52000  }
0xb0: {  	[dreg:$0x4] =	wrdreg $0x9  }
0xb1: {  	_ =	task.clear_ibuf [dreg:s6], $0x5FFFF;
	_ =	strace $0x9000004F  }
0xb2: {  	s29 =	simm.s32 $0x9;
	_ =	strace $0x80000051  }
0xb3: {  	_ =	swait.ge [sflag:s29], $0x1  }
0xb4: {  	[sflag:s29] =	ssyncadd.s32 $0xFFFFFFFF  }
0xb5: {  	_ =	strace $0x90000051  }
0xb6: {  	_ =	sfence  }
0xb7: {  	s30 =	sld [smem:$0x0];
	_ =	sdelay $0x2  }
0xb8: {  	s31 =	sshll.u32 s1, $0xD;
	s1 =	sshrl.u32 s1, $0x2  }
0xb9: {  	s3 =	sand.u32 $0x4000, s31;
	s1 =	sadd.s32 s1, s30  }
0xba: {  	s0 =	sor.u32 s3, s0;
	s1 =	sshll.u32 s1, $0x11  }
0xbb: {  	s0 =	sor.u32 s1, s0  }
0xbc: {  	s0 =	sadd.s32 $0x8F2B, s0  }
0xbd: {  	[sflag:s0] =	ssyncadd.remote.s32 $0x1  }
0xbe: {  	_ =	sfence.sel $0xFFFF  }
0xbf: {  	[dreg:$0x0] =	wrdreg $0xFFFFFFFF;
	(pc) =	sbr.abs _section_cstart, $3  }
0xc0: {  	[dreg:$0x1] =	wrdreg $0xFFFFFFFF  }
0xc1: {  	_ =	task.clear_ibuf [dreg:s6], $0x2FFFF;
	_ =	strace $0x9FFFFFFF  }
0xc2: {  	(tm) =	ssettm $0x7FFFFFFF  }
0xc3: {  	_ =	shalt  }
tec
execute0_lowered:
.L_overlay_start_1:
0x0: {  	(tag) =	ssettag $0x1  }
0x1: {  	s6 =	rddreg [dreg:$0x0]  }
0x2: {  	s1 =	rddreg [dreg:$0x1];
	s2 =	simm.s32 $0x0  }
0x3: {  	s14 =	stileid.u32;
	s4 =	srdreg.scid;
	s20 =	simm.s32 $0x100  }
0x4: {  	s21 =	simm.s32 $0x180;
	s22 =	simm.s32 $0x2A00;
	[smem:$0x7FF] =	sst s2  }
0x5: {  	s3 =	sadd.s32 $0x3D800, s6;
	s9 =	smul.u32 $0x2700, s14;
	s12 =	sadd.s32 $0xC800, s6  }
0x6: {  	s13 =	sadd.s32 $0x2A00, s6;
	s11 =	sand.u32 $0x1, s4;
	s7 =	smul.u32 $0x4E000, s14  }
0x7: {  	s10 =	sadd.s32 $0x64A00, s6;
	s15 =	sshll.u32 s14, $0x1;
	s29 =	smul.u32 $0x14, s14  }
0x8: {  	s26 =	sshll.u32 s14, $0x6;
	s18 =	sadd.s32 $0x138000, s1;
	s17 =	smul.u32 $0x138800, s11  }
0x9: {  	p0 =	sne.s32 s14, $0x0;
	_ =	strace $0x80000050;
	s19 =	smul.u32 $0x27100, s11  }
0xa: {  	s5 =	ssub.s32 $0x2, s11;
	s24 =	sor.u32 s11, s15;
	s30 =	smul.u32 $0xA, s11  }
0xb: {  	s15 =	simm.s32 $0x3;
	s23 =	sadd.s32 s9, s6;
	s8 =	sshrl.u32 s5, $0x1  }
0xc: {  	s7 =	sshrl.u32 s7, $0x2;
	s28 =	smul.u32 $0xA, s24;
	s6 =	sadd.s32 $0x3D600, s6  }
0xd: {  	s31 =	sadd.s32 s29, s12;
	s24 =	simm.s32 $0x2;
	s16 =	ssub.s32 s5, s8  }
0xe: {  	s25 =	sadd.s32 s7, s1;
	s4 =	sadd.s32 $0x16600, s23;
	s5 =	sor.u32 $0x1C03, s26  }
0xf: {  	s17 =	sshrl.u32 s17, $0x3;
	s9 =	sadd.s32 s9, s19;
	s19 =	simm.s32 $0x200  }
0x10: {  	s23 =	simm.s32 $0x1;
	s7 =	sadd.s32 s12, s28;
	s8 =	sadd.s32 s13, s28  }
0x11: {  	s17 =	sadd.s32 s10, s17;
	s9 =	sadd.s32 s10, s9;
	s11 =	smax.u32 s16, $0x1  }
0x12: {  	s13 =	sadd.s32 s29, s13;
	s14 =	sshrl.u32 s25, $0x3;
	s16 =	sshrl.u32 @!p0 s18, $0x3  }
0x13: {  	s18 =	simm.s32 $0x50;
	s25 =	simm.s32 $0x0;
	s10 =	sadd.s32 $0x27000, s17  }
0x14: {  	s12 =	sadd.s32 s30, s13;
	s13 =	sadd.s32 s30, s31;
	s17 =	simm.s32 $0x80  }
.LBB2_1:
0x15: {  	[spmem:s14], [sflag:s5] =	dma.local [hbm:s4], $0x2700  }
0x16: {  	_ =	swait.ge [sflag:s15], $0x2700  }
0x17: {  	[sflag:s15] =	ssyncset.done $0x0  }
0x18: {  	s26 =	simm.s32 @!p0 $0x3;
	[sflag:s15] =	ssyncadd.s32 $0xFFFFD900  }
0x19: {  	[spmem:s16], [sflag:s5] =	dma.local @!p0 [hbm:s6], $0x100  }
0x1a: {  	_ =	swait.ge @!p0 [sflag:s26], $0x100  }
0x1b: {  	[sflag:s26] =	ssyncset.done @!p0 $0x0  }
0x1c: {  	[sflag:s26] =	ssyncadd.s32 @!p0 $0xFFFFFF00  }
0x1d: {  	[bflag:$0x0] =	sbarrier.arrive $0xFFFF  }
0x1e: {  	[tilespmem:s2], [sflag:$0x3] =	stream.linear.gather [hbm4b:s7+s2], $0x50, $0x38;
	[tilespmem:$0x18A80] =	vst v63  }
0x1f: {  	_ =	swait.ge [sflag:s15], $0x50  }
0x20: {  	[sflag:s15] =	ssyncset.done $0x0  }
0x21: {  	[sflag:s15] =	ssyncadd.s32 $0xFFFFFFB0  }
0x22: {  	[tilespmem:s17], [sflag:$0x3] =	stream.linear.gather [hbm4b:s8+s2], $0x50, $0x38;
	[tilespmem:$0x18A80] =	vst v63  }
0x23: {  	_ =	swait.ge [sflag:s15], $0x50  }
0x24: {  	[sflag:s15] =	ssyncset.done $0x0  }
0x25: {  	s31 =	sadd.s32 $0x0, s13;
	[sflag:s15] =	ssyncadd.s32 $0xFFFFFFB0  }
0x26: {  	[tilespmem:s19], [sflag:$0x1] =	stream.indirect.gather [hbm4b:s3+s18], $0x80, s2, s18, $0xb8;
	[tilespmem:$0x18A80] =	vst v63  }
0x27: {  	s28 =	sadd.s32 $0x140, s31  }
0x28: {  	[tilespmem:s20], [sflag:$0x3] =	stream.linear.gather [hbm4b:s28+s2], $0x50, $0x38;
	[tilespmem:$0x18A80] =	vst v63  }
0x29: {  	_ =	swait.ge [sflag:s15], $0x50  }
0x2a: {  	s0 =	sadd.s32 $0x0, s12;
	[sflag:s15] =	ssyncset.done $0x0  }
0x2b: {  	s29 =	sadd.s32 $0x140, s0;
	[sflag:s15] =	ssyncadd.s32 $0xFFFFFFB0  }
0x2c: {  	[tilespmem:s21], [sflag:$0x3] =	stream.linear.gather [hbm4b:s29+s2], $0x50, $0x38;
	[tilespmem:$0x18A80] =	vst v63  }
0x2d: {  	_ =	swait.ge [sflag:s15], $0x50  }
0x2e: {  	[sflag:s15] =	ssyncset.done $0x0  }
0x2f: {  	[sflag:s15] =	ssyncadd.s32 $0xFFFFFFB0  }
0x30: {  	[tilespmem:s22], [sflag:$0x2] =	stream.indirect.gather [hbm4b:s3+s18], $0x80, s20, s18, $0xb8;
	[tilespmem:$0x18A80] =	vst v63  }
0x31: {  	_ =	swait.ge [sflag:s23], $0x2800  }
0x32: {  	[sflag:s23] =	ssyncset.done $0x0  }
0x33: {  	[sflag:s23] =	ssyncadd.s32 $0xFFFFD800  }
0x34: {  	[spmem:s1] =	stream.indirect.scatter.add.f32 [tilespmem:s19], [sflag:$0x3], $0x80, s17, s18, $0xb8;
	[tilespmem:$0x18A80] =	vst v63  }
0x35: {  	_ =	swait.ge [sflag:s15], $0x2800  }
0x36: {  	[sflag:s15] =	ssyncset.done $0x0  }
0x37: {  	s26 =	sadd.s32 $0x280, s31;
	[sflag:s15] =	ssyncadd.s32 $0xFFFFD800  }
0x38: {  	[tilespmem:s2], [sflag:$0x3] =	stream.linear.gather [hbm4b:s26+s2], $0x50, $0x38;
	[tilespmem:$0x18A80] =	vst v63  }
0x39: {  	_ =	swait.ge [sflag:s15], $0x50  }
0x3a: {  	[sflag:s15] =	ssyncset.done $0x0  }
0x3b: {  	s31 =	sadd.s32 $0x280, s0;
	[sflag:s15] =	ssyncadd.s32 $0xFFFFFFB0  }
0x3c: {  	[tilespmem:s17], [sflag:$0x3] =	stream.linear.gather [hbm4b:s31+s2], $0x50, $0x38;
	[tilespmem:$0x18A80] =	vst v63  }
0x3d: {  	_ =	swait.ge [sflag:s15], $0x50  }
0x3e: {  	[sflag:s15] =	ssyncset.done $0x0  }
0x3f: {  	[sflag:s15] =	ssyncadd.s32 $0xFFFFFFB0  }
0x40: {  	[tilespmem:s19], [sflag:$0x1] =	stream.indirect.gather [hbm4b:s3+s18], $0x80, s2, s18, $0xb8;
	[tilespmem:$0x18A80] =	vst v63  }
0x41: {  	_ =	swait.ge [sflag:s24], $0x2800  }
0x42: {  	[sflag:s24] =	ssyncset.done $0x0  }
0x43: {  	[sflag:s24] =	ssyncadd.s32 $0xFFFFD800  }
0x44: {  	[spmem:s1] =	stream.indirect.scatter.add.f32 [tilespmem:s22], [sflag:$0x3], $0x80, s21, s18, $0xb8;
	[tilespmem:$0x18A80] =	vst v63  }
0x45: {  	s30 =	simm.s32 $0x500;
	_ =	swait.ge [sflag:s15], $0x2800  }
0x46: {  	s29 =	sadd.s32 $0x280, s13;
	s26 =	simm.s32 $0x280;
	[sflag:s15] =	ssyncset.done $0x0  }
.LBB2_2:
0x47: {  	s31 =	sadd.s32 $0x140, s29  }
0x48: {  	[sflag:s15] =	ssyncadd.s32 $0xFFFFD800;
	s0 =	smov.u32 s30;
	s28 =	sadd.s32 $0x280, s30  }
0x49: {  	[tilespmem:s20], [sflag:$0x3] =	stream.linear.gather [hbm4b:s31+s2], $0x50, $0x38;
	[tilespmem:$0x18A80] =	vst v63  }
0x4a: {  	p1 =	sne.s32 s30, $0x9880;
	_ =	swait.ge [sflag:s15], $0x50  }
0x4b: {  	s30 =	sadd.s32 s26, s12;
	s26 =	smov.u32 s0;
	[sflag:s15] =	ssyncset.done $0x0  }
0x4c: {  	s0 =	sadd.s32 $0x140, s30;
	[sflag:s15] =	ssyncadd.s32 $0xFFFFFFB0  }
0x4d: {  	[tilespmem:s21], [sflag:$0x3] =	stream.linear.gather [hbm4b:s0+s2], $0x50, $0x38;
	[tilespmem:$0x18A80] =	vst v63  }
0x4e: {  	_ =	swait.ge [sflag:s15], $0x50  }
0x4f: {  	[sflag:s15] =	ssyncset.done $0x0  }
0x50: {  	[sflag:s15] =	ssyncadd.s32 $0xFFFFFFB0  }
0x51: {  	[tilespmem:s22], [sflag:$0x2] =	stream.indirect.gather [hbm4b:s3+s18], $0x80, s20, s18, $0xb8;
	[tilespmem:$0x18A80] =	vst v63  }
0x52: {  	_ =	swait.ge [sflag:s23], $0x2800  }
0x53: {  	[sflag:s23] =	ssyncset.done $0x0  }
0x54: {  	[sflag:s23] =	ssyncadd.s32 $0xFFFFD800  }
0x55: {  	[spmem:s1] =	stream.indirect.scatter.add.f32 [tilespmem:s19], [sflag:$0x3], $0x80, s17, s18, $0xb8;
	[tilespmem:$0x18A80] =	vst v63  }
0x56: {  	_ =	swait.ge [sflag:s15], $0x2800  }
0x57: {  	[sflag:s15] =	ssyncset.done $0x0  }
0x58: {  	s0 =	sadd.s32 $0x280, s29;
	[sflag:s15] =	ssyncadd.s32 $0xFFFFD800  }
0x59: {  	[tilespmem:s2], [sflag:$0x3] =	stream.linear.gather [hbm4b:s0+s2], $0x50, $0x38;
	[tilespmem:$0x18A80] =	vst v63  }
0x5a: {  	_ =	swait.ge [sflag:s15], $0x50  }
0x5b: {  	[sflag:s15] =	ssyncset.done $0x0  }
0x5c: {  	s0 =	sadd.s32 $0x280, s30;
	[sflag:s15] =	ssyncadd.s32 $0xFFFFFFB0  }
0x5d: {  	[tilespmem:s17], [sflag:$0x3] =	stream.linear.gather [hbm4b:s0+s2], $0x50, $0x38;
	[tilespmem:$0x18A80] =	vst v63  }
0x5e: {  	_ =	swait.ge [sflag:s15], $0x50  }
0x5f: {  	[sflag:s15] =	ssyncset.done $0x0  }
0x60: {  	[sflag:s15] =	ssyncadd.s32 $0xFFFFFFB0  }
0x61: {  	[tilespmem:s19], [sflag:$0x1] =	stream.indirect.gather [hbm4b:s3+s18], $0x80, s2, s18, $0xb8;
	[tilespmem:$0x18A80] =	vst v63  }
0x62: {  	_ =	swait.ge [sflag:s24], $0x2800  }
.Ltmp0:
0x63: {  	[sflag:s24] =	ssyncset.done $0x0;
	(pc) =	sbr.rel @p1 .LBB2_2-.Ltmp0, $4  }
0x64: {  	[sflag:s24] =	ssyncadd.s32 $0xFFFFD800  }
0x65: {  	[spmem:s1] =	stream.indirect.scatter.add.f32 [tilespmem:s22], [sflag:$0x3], $0x80, s21, s18, $0xb8;
	[tilespmem:$0x18A80] =	vst v63  }
0x66: {  	_ =	swait.ge [sflag:s15], $0x2800  }
0x67: {  	s29 =	sadd.s32 s26, s13;
	s30 =	smov.u32 s28;
	[sflag:s15] =	ssyncset.done $0x0  }
0x68: {  	s0 =	sadd.s32 $0x140, s29;
	[sflag:s15] =	ssyncadd.s32 $0xFFFFD800  }
0x69: {  	[tilespmem:s20], [sflag:$0x3] =	stream.linear.gather [hbm4b:s0+s2], $0x50, $0x38;
	[tilespmem:$0x18A80] =	vst v63  }
0x6a: {  	_ =	swait.ge [sflag:s15], $0x50  }
0x6b: {  	s30 =	sadd.s32 s26, s12;
	[sflag:s15] =	ssyncset.done $0x0  }
0x6c: {  	s26 =	sadd.s32 $0x140, s30;
	[sflag:s15] =	ssyncadd.s32 $0xFFFFFFB0  }
0x6d: {  	[tilespmem:s21], [sflag:$0x3] =	stream.linear.gather [hbm4b:s26+s2], $0x50, $0x38;
	[tilespmem:$0x18A80] =	vst v63  }
0x6e: {  	_ =	swait.ge [sflag:s15], $0x50  }
0x6f: {  	[sflag:s15] =	ssyncset.done $0x0  }
0x70: {  	[sflag:s15] =	ssyncadd.s32 $0xFFFFFFB0  }
0x71: {  	[tilespmem:s22], [sflag:$0x2] =	stream.indirect.gather [hbm4b:s3+s18], $0x80, s20, s18, $0xb8;
	[tilespmem:$0x18A80] =	vst v63  }
0x72: {  	_ =	swait.ge [sflag:s23], $0x2800  }
0x73: {  	[sflag:s23] =	ssyncset.done $0x0  }
0x74: {  	[sflag:s23] =	ssyncadd.s32 $0xFFFFD800  }
0x75: {  	[spmem:s1] =	stream.indirect.scatter.add.f32 [tilespmem:s19], [sflag:$0x3], $0x80, s17, s18, $0xb8;
	[tilespmem:$0x18A80] =	vst v63  }
0x76: {  	_ =	swait.ge [sflag:s15], $0x2800  }
0x77: {  	[sflag:s15] =	ssyncset.done $0x0  }
0x78: {  	s31 =	sadd.s32 $0x280, s29;
	[sflag:s15] =	ssyncadd.s32 $0xFFFFD800  }
0x79: {  	[tilespmem:s2], [sflag:$0x3] =	stream.linear.gather [hbm4b:s31+s2], $0x50, $0x38;
	[tilespmem:$0x18A80] =	vst v63  }
0x7a: {  	_ =	swait.ge [sflag:s15], $0x50  }
0x7b: {  	[sflag:s15] =	ssyncset.done $0x0  }
0x7c: {  	s0 =	sadd.s32 $0x280, s30;
	[sflag:s15] =	ssyncadd.s32 $0xFFFFFFB0  }
0x7d: {  	[tilespmem:s17], [sflag:$0x3] =	stream.linear.gather [hbm4b:s0+s2], $0x50, $0x38;
	[tilespmem:$0x18A80] =	vst v63  }
0x7e: {  	_ =	swait.ge [sflag:s15], $0x50  }
0x7f: {  	[sflag:s15] =	ssyncset.done $0x0  }
0x80: {  	[sflag:s15] =	ssyncadd.s32 $0xFFFFFFB0  }
0x81: {  	[tilespmem:s19], [sflag:$0x1] =	stream.indirect.gather [hbm4b:s3+s18], $0x80, s2, s18, $0xb8;
	[tilespmem:$0x18A80] =	vst v63  }
0x82: {  	_ =	swait.ge [sflag:s24], $0x2800  }
0x83: {  	[sflag:s24] =	ssyncset.done $0x0  }
0x84: {  	[sflag:s24] =	ssyncadd.s32 $0xFFFFD800  }
0x85: {  	[spmem:s1] =	stream.indirect.scatter.add.f32 [tilespmem:s22], [sflag:$0x3], $0x80, s21, s18, $0xb8;
	[tilespmem:$0x18A80] =	vst v63  }
0x86: {  	_ =	swait.ge [sflag:s15], $0x2800  }
0x87: {  	[sflag:s15] =	ssyncset.done $0x0  }
0x88: {  	[sflag:s15] =	ssyncadd.s32 $0xFFFFD800  }
0x89: {  	_ =	swait.ge [sflag:s23], $0x2800  }
0x8a: {  	[sflag:s23] =	ssyncset.done $0x0  }
0x8b: {  	[sflag:s23] =	ssyncadd.s32 $0xFFFFD800  }
0x8c: {  	[spmem:s1] =	stream.indirect.scatter.add.f32 [tilespmem:s19], [sflag:$0x3], $0x80, s17, s18, $0xb8;
	[tilespmem:$0x18A80] =	vst v63  }
0x8d: {  	_ =	swait.ge [sflag:s15], $0x2800  }
0x8e: {  	[sflag:s15] =	ssyncset.done $0x0  }
0x8f: {  	[sflag:s15] =	ssyncadd.s32 $0xFFFFD800  }
0x90: {  	[bflag:$0x0] =	sbarrier.arrive $0xFFFF  }
0x91: {  	[hbm:s9], [sflag:s5] =	dma.local [spmem:s14], $0x2700  }
0x92: {  	s25 =	sadd.s32 $0x1, s25;
	_ =	swait.ge [sflag:s15], $0x2700  }
0x93: {  	p1 =	sne.s32 s25, s11;
	[sflag:s15] =	ssyncset.done $0x0  }
.Ltmp1:
0x94: {  	s0 =	simm.s32 @!p0 $0x3;
	[sflag:s15] =	ssyncadd.s32 $0xFFFFD900;
	(pc) =	sbr.rel @p1 .LBB2_1-.Ltmp1, $4  }
0x95: {  	[hbm:s10], [sflag:s5] =	dma.local @!p0 [spmem:s16], $0x100  }
0x96: {  	_ =	swait.ge @!p0 [sflag:s0], $0x100  }
0x97: {  	[sflag:s0] =	ssyncset.done @!p0 $0x0  }
0x98: {  	[sflag:s0] =	ssyncadd.s32 @!p0 $0xFFFFFF00  }
0x99: {  	_ =	sfence.sel $0x180000  }
0x9a: {  	[bflag:$0x0] =	sbarrier.arrive $0xFFFF  }
0x9b: {  	_ =	strace $0x90000050  }
0x9c: {  	[bflag:$0x2] =	sbarrier.arrive $0xFFFF  }
0x9d: {  	s0 =	rddreg [dreg:$0x2]  }
0x9e: {  	s0 =	sadd.s32 @!p0 $0x100000, s0  }
0x9f: {  	[sflag:s0] =	ssyncadd.tile.s32 @!p0 $0x1;
	_ =	shalt  }
.Lfunc_end2:
_tile_overlayer_lowered:
.L_overlay_start_2:
0xa0: {  	(tag) =	ssettag $0x2  }
0xa1: {  	s0 =	rddreg [dreg:$0x0];
	s2 =	stileid.u32  }
0xa2: {  	s1 =	rddreg [dreg:$0x1];
	p0 =	sne.s32 s2, $0x0  }
0xa3: {  	s3 =	rddreg [dreg:$0x2];
	[bflag:$0x3] =	sbarrier.arrive $0xFFFF;
	s2 =	simm.s32 @!p0 $0x1C03  }
0xa4: {  	[timem:s3], [sflag:s2] =	dma.local @!p0 [hbm:s0], s1  }
0xa5: {  	s0 =	simm.s32 @!p0 $0x3  }
0xa6: {  	_ =	swait.ge @!p0 [sflag:s0], s1  }
0xa7: {  	s1 =	ssub.s32 @!p0 $0x0, s1;
	[sflag:s0] =	ssyncset.done @!p0 $0x0  }
0xa8: {  	[sflag:s0] =	ssyncadd.s32 @!p0 s1  }
0xa9: {  	[bflag:$0x3] =	sbarrier.arrive $0xFFFF  }
0xaa: {  	_ =	shalt  }

// kernel: kernel.24.cloned.1.call-start
scs
__scs_entry_jumppad:
0x0: {  	(pc) =	sbr.rel $0x88, $3  }
0x1: {  	(tag) =	ssettag $0x0;
	lr =	simm.s32 $0x1  }
0x2: {  	[smem:$0x3F91] =	sst lr;
	_ =	strace $0xD0000000  }
0x3: {  	_ = 	snop  }
0x4: {  	_ = 	snop  }
0x5: {  	_ = 	snop  }
0x6: {  	_ = 	snop  }
0x7: {  	_ = 	snop  }
__scs_overlays_trampoline_lowered:
0x8: {  	[smem:$0x3FA0] =	sst s0  }
0x9: {  	[smem:$0x3FA1] =	sst s1  }
0xa: {  	[smem:$0x3FA2] =	sst s2  }
0xb: {  	[smem:$0x3FA3] =	sst s3  }
0xc: {  	[smem:$0x3FA4] =	sst s4  }
0xd: {  	[smem:$0x3FA5] =	sst s5  }
0xe: {  	[smem:$0x3FA6] =	sst s6  }
0xf: {  	[smem:$0x3FA7] =	sst s7  }
0x10: {  	[smem:$0x3FA8] =	sst s8  }
0x11: {  	[smem:$0x3FA9] =	sst s9;
	s0 =	simm.s32 @!p0 $0x0  }
0x12: {  	s1 =	sld [smem:$0x3F8F];
	s0 =	simm.s32 @p0 $0x1  }
0x13: {  	[smem:$0x3FAA] =	sst s0;
	s0 =	simm.s32 @!p1 $0x0  }
0x14: {  	s2 =	sld [smem:$0x3F8E];
	s0 =	simm.s32 @p1 $0x1  }
0x15: {  	[smem:$0x3FAB] =	sst s0;
	s0 =	simm.s32 @!p2 $0x0  }
0x16: {  	s3 =	sld [smem:$0x3FDB];
	s0 =	simm.s32 @p2 $0x1  }
0x17: {  	s4 =	simm.s32 $0x1BF5;
	[smem:$0x3FAD] =	sst s0  }
0x18: {  	s0 =	sld [smem:$0x3F90];
	_ =	swait.ge [sflag:s4], $0x0  }
0x19: {  	s7 =	sld [smem:$0x3F91]  }
0x1a: {  	s8 =	sadd.s32 $0xFFFFE003, lr  }
0x1b: {  	s9 =	sadd.s32 $0xFFFFFEF7, lr;
	s5 =	simm.s32 $0xFFFFFFFF;
	p2 =	slt.u32 s8, $0xFFFFF086  }
0x1c: {  	p1 =	slt.u32 s9, $0xF7A;
	s5 =	simm.s32 @!p2 $0x0  }
0x1d: {  	s5 =	simm.s32 @p1 $0x1;
	p0 =	seq.s32 s7, s2  }
0x1e: {  	s7 =	smul.u32 @!p0 $0xF7A, s2;
	p2 =	seq.s32 @!p0 s5, $0x0  }
0x1f: {  	s9 =	smul.u32 $0xF7A, s1;
	s8 =	simm.s32 @!p0 $0x1BF5;
	p2 =	por !p2, p0  }
0x20: {  	[sflag:s8] =	ssyncset.s32 @!p0 $0xFFFFF086;
	s6 =	sadd.s32 @!p0 s3, s7;
	s7 =	simm.s32 @!p0 $0x108  }
0x21: {  	s3 =	sadd.s32 s3, s9;
	s6 =	sadd.s32 @!p0 $0x88, s6;
	s7 =	simm.s32 @p2 $0x1082  }
0x22: {  	[simem:s7], [sflag:s8] =	dma.local @!p0 [hbm:s6], $0xF7A  }
0x23: {  	s9 =	sor.u32 $0xD0000000, s2;
	s6 =	simm.s32 $0x108;
	_ =	swait.ge @!p0 [sflag:s8], $0x0  }
0x24: {  	s3 =	sadd.s32 $0x88, s3;
	s6 =	simm.s32 @!p1 $0x1082;
	[sflag:s4] =	ssyncset.s32 $0xFFFFF086  }
0x25: {  	[simem:s6], [sflag:s4] =	dma.local [hbm:s3], $0xF7A  }
0x26: {  	[smem:$0x3F91] =	sst s1;
	(tag) =	ssettag s2;
	_ =	strace s9  }
0x27: {  	s1 =	sld [smem:$0x3FA1]  }
0x28: {  	s2 =	sld [smem:$0x3FA2]  }
0x29: {  	s4 =	sld [smem:$0x3FA4]  }
0x2a: {  	p0 =	seq.s32 s5, $0x0;
	s5 =	sld [smem:$0x3FA5]  }
0x2b: {  	s6 =	sld [smem:$0x3FA6]  }
0x2c: {  	s7 =	sld [smem:$0x3FA7]  }
0x2d: {  	s3 =	simm.s32 $0x108;
	s8 =	sld [smem:$0x3FA8]  }
0x2e: {  	s3 =	simm.s32 @!p0 $0x1082;
	s9 =	sld [smem:$0x3FA9]  }
0x2f: {  	lr =	sadd.s32 s0, s3;
	s0 =	sld [smem:$0x3FA0]  }
0x30: {  	s3 =	sld [smem:$0x3FA3]  }
0x31: {  	[smem:$0x3FAC] =	sst s10  }
0x32: {  	s10 =	sld [smem:$0x3FAA];
	_ =	sdelay $0x3  }
0x33: {  	p0 =	seq.s32 s10, $0x1;
	s10 =	sld [smem:$0x3FAC];
	_ =	sdelay $0x3  }
0x34: {  	[smem:$0x3FAC] =	sst s10  }
0x35: {  	s10 =	sld [smem:$0x3FAB];
	_ =	sdelay $0x3  }
0x36: {  	p1 =	seq.s32 s10, $0x1;
	s10 =	sld [smem:$0x3FAC];
	_ =	sdelay $0x3  }
0x37: {  	[smem:$0x3FAC] =	sst s10  }
0x38: {  	s10 =	sld [smem:$0x3FAD]  }
0x39: {  	_ = 	snop;
	(pc) =	sbr.ind lr, $3  }
0x3a: {  	_ = 	snop  }
0x3b: {  	_ = 	snop  }
0x3c: {  	p2 =	seq.s32 s10, $0x1;
	s10 =	sld [smem:$0x3FAC]  }
0x3d: {  	_ =	shalt  }
0x3e: {  	_ =	shalt  }
0x3f: {  	_ =	shalt  }
0x40: {  	_ =	shalt  }
0x41: {  	_ =	shalt  }
0x42: {  	_ =	shalt  }
0x43: {  	_ =	shalt  }
0x44: {  	_ =	shalt  }
0x45: {  	_ =	shalt  }
0x46: {  	_ =	shalt  }
0x47: {  	_ =	shalt  }
0x48: {  	_ =	shalt  }
0x49: {  	_ =	shalt  }
0x4a: {  	_ =	shalt  }
0x4b: {  	_ =	shalt  }
0x4c: {  	_ =	shalt  }
0x4d: {  	_ =	shalt  }
0x4e: {  	_ =	shalt  }
0x4f: {  	_ =	shalt  }
0x50: {  	_ =	shalt  }
0x51: {  	_ =	shalt  }
0x52: {  	_ =	shalt  }
0x53: {  	_ =	shalt  }
0x54: {  	_ =	shalt  }
0x55: {  	_ =	shalt  }
0x56: {  	_ =	shalt  }
0x57: {  	_ =	shalt  }
0x58: {  	_ =	shalt  }
0x59: {  	_ =	shalt  }
0x5a: {  	_ =	shalt  }
0x5b: {  	_ =	shalt  }
0x5c: {  	_ =	shalt  }
0x5d: {  	_ =	shalt  }
0x5e: {  	_ =	shalt  }
0x5f: {  	_ =	shalt  }
0x60: {  	_ =	shalt  }
0x61: {  	_ =	shalt  }
0x62: {  	_ =	shalt  }
0x63: {  	_ =	shalt  }
0x64: {  	_ =	shalt  }
0x65: {  	_ =	shalt  }
0x66: {  	_ =	shalt  }
0x67: {  	_ =	shalt  }
0x68: {  	_ =	shalt  }
0x69: {  	_ =	shalt  }
0x6a: {  	_ =	shalt  }
0x6b: {  	_ =	shalt  }
0x6c: {  	_ =	shalt  }
0x6d: {  	_ =	shalt  }
0x6e: {  	_ =	shalt  }
0x6f: {  	_ =	shalt  }
0x70: {  	_ =	shalt  }
0x71: {  	_ =	shalt  }
0x72: {  	_ =	shalt  }
0x73: {  	_ =	shalt  }
0x74: {  	_ =	shalt  }
0x75: {  	_ =	shalt  }
0x76: {  	_ =	shalt  }
0x77: {  	_ =	shalt  }
0x78: {  	_ =	shalt  }
0x79: {  	_ =	shalt  }
0x7a: {  	_ =	shalt  }
0x7b: {  	_ =	shalt  }
0x7c: {  	_ =	shalt  }
0x7d: {  	_ =	shalt  }
0x7e: {  	_ =	shalt  }
0x7f: {  	_ =	shalt  }
0x80: {  	_ =	shalt  }
0x81: {  	_ =	shalt  }
0x82: {  	_ =	shalt  }
0x83: {  	_ =	shalt  }
0x84: {  	_ =	shalt  }
0x85: {  	_ =	shalt  }
0x86: {  	_ =	shalt  }
0x87: {  	_ =	shalt  }
.Lfunc_end0:
.L_simem_size_0:
called_computation.4_lowered:
.L_overlay_start_0:
0x88: {  	s0 =	sld [smem:$0x3FD9]  }
0x89: {  	s1 =	sld [smem:$0x3FFE];
	_ =	sdelay $0x3  }
0x8a: {  	s0 =	sadd.s32 s1, s0  }
0x8b: {  	[smem:$0x3FB8] =	sst s0  }
0x8c: {  	_ = 	snop  }
0x8d: {  	s0 =	sld [smem:$0x3FC7];
	(tm) =	ssettm $0x1  }
0x8e: {  	s16 =	sld [smem:$0x3FFB];
	_ =	sdelay $0x3  }
0x8f: {  	_ =	strace s16  }
0x90: {  	s1 =	sld [smem:$0x3FFC];
	_ =	sdelay $0x3  }
0x91: {  	_ =	strace s1  }
0x92: {  	s1 =	sld [smem:$0x3FFD];
	_ =	sdelay $0x3  }
0x93: {  	_ =	strace s1  }
0x94: {  	_ =	strace $0x8FFFFFFF  }
0x95: {  	s17 =	sld [smem:$0x3FDB];
	_ =	sdelay $0x1  }
0x96: {  	s2 =	simm.s32 $_scs_section_size  }
0x97: {  	s3 =	simm.s32 $_size__tile_overlayer_lowered;
	s4 =	simm.s32 $_tile_overlayer_lowered  }
0x98: {  	s20 =	simm.s32 $0x1BFF;
	s19 =	sshll.u32 s4, $0x1;
	s1 =	sadd.s32 s2, s17  }
0x99: {  	s5 =	simm.s32 $0x0;
	s18 =	sshll.u32 s3, $0x1;
	s3 =	sadd.s32 s19, s1  }
0x9a: {  	[timem:s5], [sflag:s20] =	dma.local [hbm:s3], s18  }
0x9b: {  	_ =	swait.ge [sflag:s20], s18  }
0x9c: {  	s2 =	ssub.s32 $0x0, s18;
	[sflag:s20] =	ssyncset.done $0x0  }
0x9d: {  	[sflag:s20] =	ssyncadd.s32 s2;
	_ =	sdelay $0x1  }
0x9e: {  	s21 =	simm.s32 $0x1B8B  }
0x9f: {  	_ =	swait.ge [sflag:s21], $0x1  }
0xa0: {  	[sflag:s21] =	ssyncset.done $0x0  }
0xa1: {  	s23 =	simm.s32 $0x1B8E;
	s22 =	sld [smem:$0x3FFE];
	[sflag:s21] =	ssyncadd.s32 $0xFFFFFFFF  }
0xa2: {  	s24 =	simm.s32 $execute0_lowered;
	[smem:$0x3FD2] =	sst s23  }
0xa3: {  	s3 =	sshll.u32 s24, $0x1;
	_ =	strace $0x80000052;
	[dreg:$0x1] =	wrdreg $0xFFFFFFFF  }
0xa4: {  	s25 =	simm.s32 $_size_execute0_lowered;
	s1 =	sadd.s32 s1, s3;
	[dreg:$0x0] =	wrdreg $0x0  }
0xa5: {  	s3 =	sshll.u32 s25, $0x1;
	[dreg:$0x2] =	wrdreg s1  }
0xa6: {  	[dreg:$0x3] =	wrdreg s3  }
0xa7: {  	[dreg:$0x4] =	wrdreg $0xC0  }
0xa8: {  	_ =	task [dreg:s5], $0x5FFFF  }
0xa9: {  	[dreg:$0x1] =	wrdreg $0xFFFFFFFF  }
0xaa: {  	[dreg:$0x0] =	wrdreg $0x60  }
0xab: {  	[dreg:$0x2] =	wrdreg s22  }
0xac: {  	[dreg:$0x3] =	wrdreg s0  }
0xad: {  	[dreg:$0x4] =	wrdreg $0x9  }
0xae: {  	_ =	task.clear_ibuf [dreg:s5], $0x5FFFF;
	_ =	strace $0x90000052  }
0xaf: {  	s26 =	simm.s32 $0x9;
	_ =	strace $0x80000054  }
0xb0: {  	_ =	swait.ge [sflag:s26], $0x1  }
0xb1: {  	[sflag:s26] =	ssyncadd.s32 $0xFFFFFFFF  }
0xb2: {  	_ =	strace $0x90000054  }
0xb3: {  	_ =	sfence  }
0xb4: {  	s28 =	sld [smem:$0x0];
	_ =	sdelay $0x1  }
0xb5: {  	s29 =	srdreg.scid  }
0xb6: {  	s30 =	sshll.u32 s29, $0xD;
	s31 =	sshrl.u32 s29, $0x2  }
0xb7: {  	s2 =	sand.u32 $0x4000, s30;
	s1 =	sand.u32 $0x1, s29;
	s0 =	sadd.s32 s31, s28  }
0xb8: {  	s1 =	sor.u32 s2, s1;
	s0 =	sshll.u32 s0, $0x11  }
0xb9: {  	s0 =	sor.u32 s0, s1  }
0xba: {  	s0 =	sadd.s32 $0x8F2B, s0  }
0xbb: {  	[sflag:s0] =	ssyncadd.remote.s32 $0x1  }
0xbc: {  	_ =	sfence.sel $0xFFFF  }
0xbd: {  	[dreg:$0x0] =	wrdreg $0xFFFFFFFF;
	(pc) =	sbr.abs _section_cstart, $3  }
0xbe: {  	[dreg:$0x1] =	wrdreg $0xFFFFFFFF  }
0xbf: {  	_ =	task.clear_ibuf [dreg:s5], $0x2FFFF;
	_ =	strace $0x9FFFFFFF  }
0xc0: {  	(tm) =	ssettm $0x7FFFFFFF  }
0xc1: {  	_ =	shalt  }
tec
execute0_lowered:
.L_overlay_start_1:
0x0: {  	(tag) =	ssettag $0x1  }
0x1: {  	s5 =	rddreg [dreg:$0x0]  }
0x2: {  	s4 =	rddreg [dreg:$0x1]  }
0x3: {  	s0 =	rddreg [dreg:$0x2];
	s1 =	stileid.u32  }
0x4: {  	s2 =	simm.s32 $0x0;
	s28 =	simm.s32 $0x2;
	s3 =	smul.u32 $0xC00, s1  }
0x5: {  	[smem:$0x7FF] =	sst s2;
	s2 =	sadd.s32 $0x3000, s5;
	s7 =	sshll.u32 s1, $0x6  }
0x6: {  	s26 =	smul.u32 $0xA, s1;
	_ =	strace $0x80000053;
	s6 =	sadd.s32 s3, s5  }
0x7: {  	s7 =	sor.u32 $0x1C02, s7;
	s3 =	sadd.s32 s2, s3;
	s6 =	sadd.s32 $0x16600, s6  }
0x8: {  	[hbm:s3], [sflag:s7] =	dma.local [hbm:s6], $0xC00  }
0x9: {  	p0 =	sgt.u32 s1, $0x7C;
	_ =	swait.ge [sflag:s28], $0xC00  }
0xa: {  	s8 =	simm.s32 @!p0 $0x0;
	s29 =	sadd.s32 s26, s5;
	[sflag:s28] =	ssyncset.done $0x0  }
0xb: {  	s9 =	simm.s32 @!p0 $0x2;
	s3 =	sadd.s32 $0x2A00, s29;
	[sflag:s28] =	ssyncadd.s32 $0xFFFFF400  }
0xc: {  	s7 =	sadd.s32 @!p0 $0x0, s3;
	p0 =	por p0, p0;
	[bflag:$0x0] =	sbarrier.arrive $0xFFFF  }
0xd: {  	[tilespmem:s8], [sflag:$0x2] =	stream.linear.gather @!p0 [hbm4b:s7+s8], $0x50, $0x38;
	[tilespmem:$0x2980] =	vst v63  }
0xe: {  	_ =	swait.ge @!p0 [sflag:s9], $0x50  }
0xf: {  	s30 =	smul.u32 $0x500, s1;
	s4 =	sadd.s32 s26, s4;
	[sflag:s9] =	ssyncset.done @!p0 $0x0  }
0x10: {  	s6 =	sadd.s32 @!p0 $0x0, s4;
	s10 =	simm.s32 @!p0 $0x80;
	[sflag:s9] =	ssyncadd.s32 @!p0 $0xFFFFFFB0  }
0x11: {  	[tilespmem:s10], [sflag:$0x2] =	stream.linear.gather @!p0 [hbm4b:s6+s8], $0x50, $0x38;
	[tilespmem:$0x2980] =	vst v63  }
0x12: {  	_ =	swait.ge @!p0 [sflag:s9], $0x50  }
0x13: {  	s5 =	sadd.s32 s30, s5;
	[sflag:s9] =	ssyncset.done @!p0 $0x0  }
0x14: {  	s6 =	sadd.s32 $0x3D800, s5;
	s5 =	simm.s32 @!p0 $0x180;
	[sflag:s9] =	ssyncadd.s32 @!p0 $0xFFFFFFB0  }
0x15: {  	[tilespmem:s5], [sflag:$0x2] =	stream.linear.gather @!p0 [hbm4b:s6+s8], $0x2800, $0x38;
	[tilespmem:$0x2980] =	vst v63  }
0x16: {  	_ =	swait.ge @!p0 [sflag:s9], $0x2800  }
0x17: {  	[sflag:s9] =	ssyncset.done @!p0 $0x0  }
0x18: {  	[sflag:s9] =	ssyncadd.s32 @!p0 $0xFFFFD800  }
0x19: {  	v1 =	vld @!p0 [tilespmem:$0x20]  }
0x1a: {  	v3 =	vld @!p0 [tilespmem:$0xB0]  }
0x1b: {  	v2 =	vld @!p0 [tilespmem:$0x0]  }
0x1c: {  	v6 =	vld @!p0 [tilespmem:$0x80]  }
0x1d: {  	s31 =	sadd.s32 $0xBB8, s1;
	v4 =	vld @!p0 [tilespmem:$0xA0]  }
0x1e: {  	v0 =	vmov s31;
	s7 =	simm.s32 $0xA0;
	s8 =	stileid.u32;
	v5 =	vld @!p0 [tilespmem:$0x90]  }
.LBB2_1:
0x1f: {  	s6 =	sadd.s32 $0x5000, s6  }
0x20: {  	vm0 =	vlt.s32 @!p0 v1, $0x1E;
	v7 =	vld @!p0 [tilespmem:$0x30];
	s8 =	sadd.s32 $0x10, s8;
	s9 =	smov.u32 s7;
	s7 =	sadd.s32 $0xA0, s7  }
0x21: {  	p1 =	sne.s32 s7, $0x500;
	vm1 =	vlt.s32 @!p0 v2, $0x1E;
	v8 =	vld @!p0 [tilespmem:$0xC0]  }
0x22: {  	v9 =	vld @!p0 [tilespmem:$0x10]  }
0x23: {  	v6 =	vmul.u32 @!p0 $0x1E, v6;
	v4 =	vmul.u32 @!p0 $0x1E, v4;
	v10 =	vld @!p0 [tilespmem:$0x40]  }
0x24: {  	v3 =	vmul.u32 @!p0 $0x1E, v3;
	v5 =	vmul.u32 @!p0 $0x1E, v5  }
0x25: {  	v2 =	vadd.s32 @!p0 v2, v6;
	v1 =	vadd.s32 @!p0 v1, v4;
	vm2 =	vlt.s32 @!p0 v7, $0x1E  }
0x26: {  	v2 =	vsel @!p0 vm1, v2, v0;
	v3 =	vadd.s32 @!p0 v7, v3;
	v1 =	vsel @!p0 vm0, v1, v0  }
0x27: {  	p2 =	sgt.u32 s8, $0x7C;
	v3 =	vsel @!p0 vm2, v3, v0;
	v4 =	vmul.u32 @!p0 $0x1E, v8;
	[tilespmem:$0x100] =	vst @!p0 v2;
	v2 =	vadd.s32 @!p0 v9, v5  }
0x28: {  	vm0 =	vlt.s32 @!p0 v9, $0x1E;
	[tilespmem:$0x130] =	vst @!p0 v3;
	vm1 =	vlt.s32 @!p0 v10, $0x1E  }
0x29: {  	v2 =	vsel @!p0 vm0, v2, v0;
	[tilespmem:$0x120] =	vst @!p0 v1;
	v1 =	vadd.s32 @!p0 v10, v4  }
0x2a: {  	[tilespmem:$0x110] =	vst @!p0 v2;
	v1 =	vsel @!p0 vm1, v1, v0  }
0x2b: {  	s10 =	simm.s32 @!p0 $0x50;
	s11 =	simm.s32 @!p0 $0x100;
	s12 =	simm.s32 @!p0 $0x1;
	[tilespmem:$0x140] =	vst @!p0 v1  }
0x2c: {  	[hbm4b:s2+s10] =	stream.indirect.scatter @!p0 [tilespmem:s5], [sflag:$0x1], $0x80, s11, s10, $0xb8;
	[tilespmem:$0x2980] =	vst v63  }
0x2d: {  	_ =	swait.ge @!p0 [sflag:s12], $0x2800  }
0x2e: {  	s5 =	sadd.s32 @!p2 s9, s3;
	s10 =	simm.s32 @!p2 $0x0;
	[sflag:s12] =	ssyncset.done @!p0 $0x0  }
0x2f: {  	s11 =	simm.s32 @!p2 $0x2;
	[sflag:s12] =	ssyncadd.s32 @!p0 $0xFFFFD800;
	p0 =	por p2, p2  }
0x30: {  	[tilespmem:s10], [sflag:$0x2] =	stream.linear.gather @!p0 [hbm4b:s5+s10], $0x50, $0x38;
	[tilespmem:$0x2980] =	vst v63  }
0x31: {  	_ =	swait.ge @!p0 [sflag:s11], $0x50  }
0x32: {  	[sflag:s11] =	ssyncset.done @!p0 $0x0  }
0x33: {  	s5 =	sadd.s32 @!p0 s9, s4;
	s9 =	simm.s32 @!p0 $0x80;
	[sflag:s11] =	ssyncadd.s32 @!p0 $0xFFFFFFB0  }
0x34: {  	[tilespmem:s9], [sflag:$0x2] =	stream.linear.gather @!p0 [hbm4b:s5+s10], $0x50, $0x38;
	[tilespmem:$0x2980] =	vst v63  }
0x35: {  	_ =	swait.ge @!p0 [sflag:s11], $0x50  }
0x36: {  	[sflag:s11] =	ssyncset.done @!p0 $0x0  }
0x37: {  	s5 =	simm.s32 @!p0 $0x180;
	[sflag:s11] =	ssyncadd.s32 @!p0 $0xFFFFFFB0  }
0x38: {  	[tilespmem:s5], [sflag:$0x2] =	stream.linear.gather @!p0 [hbm4b:s6+s10], $0x2800, $0x38;
	[tilespmem:$0x2980] =	vst v63  }
0x39: {  	_ =	swait.ge @!p0 [sflag:s11], $0x2800  }
0x3a: {  	[sflag:s11] =	ssyncset.done @!p0 $0x0  }
0x3b: {  	[sflag:s11] =	ssyncadd.s32 @!p0 $0xFFFFD800  }
0x3c: {  	v1 =	vld @!p0 [tilespmem:$0x20]  }
.Ltmp0:
0x3d: {  	v3 =	vld @!p0 [tilespmem:$0xB0];
	(pc) =	sbr.rel @p1 .LBB2_1-.Ltmp0, $4  }
0x3e: {  	v2 =	vld @!p0 [tilespmem:$0x0]  }
0x3f: {  	v6 =	vld @!p0 [tilespmem:$0x80]  }
0x40: {  	v4 =	vld @!p0 [tilespmem:$0xA0]  }
0x41: {  	v5 =	vld @!p0 [tilespmem:$0x90]  }
0x42: {  	v7 =	vld @!p0 [tilespmem:$0x30]  }
0x43: {  	v8 =	vld @!p0 [tilespmem:$0xC0]  }
0x44: {  	v9 =	vld @!p0 [tilespmem:$0x10];
	v6 =	vmul.u32 @!p0 $0x1E, v6  }
0x45: {  	vm0 =	vlt.s32 @!p0 v1, $0x1E;
	v10 =	vld @!p0 [tilespmem:$0x40];
	v3 =	vmul.u32 @!p0 $0x1E, v3;
	vm1 =	vlt.s32 @!p0 v2, $0x1E  }
0x46: {  	v4 =	vmul.u32 @!p0 $0x1E, v4;
	v5 =	vmul.u32 @!p0 $0x1E, v5;
	v2 =	vadd.s32 @!p0 v2, v6  }
0x47: {  	vm2 =	vlt.s32 @!p0 v7, $0x1E;
	v2 =	vsel @!p0 vm1, v2, v0;
	v3 =	vadd.s32 @!p0 v7, v3  }
0x48: {  	v1 =	vadd.s32 @!p0 v1, v4;
	[tilespmem:$0x100] =	vst @!p0 v2;
	v2 =	vsel @!p0 vm2, v3, v0;
	v3 =	vmul.u32 @!p0 $0x1E, v8  }
0x49: {  	v1 =	vsel @!p0 vm0, v1, v0;
	v4 =	vadd.s32 @!p0 v9, v5;
	vm0 =	vlt.s32 @!p0 v9, $0x1E;
	[tilespmem:$0x130] =	vst @!p0 v2  }
0x4a: {  	vm1 =	vlt.s32 @!p0 v10, $0x1E;
	v2 =	vsel @!p0 vm0, v4, v0;
	[tilespmem:$0x120] =	vst @!p0 v1;
	v1 =	vadd.s32 @!p0 v10, v3  }
0x4b: {  	[tilespmem:$0x110] =	vst @!p0 v2;
	v0 =	vsel @!p0 vm1, v1, v0  }
0x4c: {  	s3 =	simm.s32 @!p0 $0x50;
	s4 =	simm.s32 @!p0 $0x100;
	s6 =	simm.s32 @!p0 $0x1;
	[tilespmem:$0x140] =	vst @!p0 v0  }
0x4d: {  	[hbm4b:s2+s3] =	stream.indirect.scatter @!p0 [tilespmem:s5], [sflag:$0x1], $0x80, s4, s3, $0xb8;
	[tilespmem:$0x2980] =	vst v63  }
0x4e: {  	_ =	swait.ge @!p0 [sflag:s6], $0x2800  }
0x4f: {  	[sflag:s6] =	ssyncset.done @!p0 $0x0  }
0x50: {  	[sflag:s6] =	ssyncadd.s32 @!p0 $0xFFFFD800  }
0x51: {  	_ =	sfence.sel $0x180000  }
0x52: {  	[bflag:$0x0] =	sbarrier.arrive $0xFFFF  }
0x53: {  	p0 =	sne.s32 s1, $0x0;
	_ =	strace $0x90000053  }
0x54: {  	s0 =	sadd.s32 @!p0 $0x100000, s0;
	[bflag:$0x2] =	sbarrier.arrive $0xFFFF  }
0x55: {  	[sflag:s0] =	ssyncadd.tile.s32 @!p0 $0x1;
	_ =	shalt  }
.Lfunc_end2:
_tile_overlayer_lowered:
.L_overlay_start_2:
0x56: {  	(tag) =	ssettag $0x2  }
0x57: {  	s0 =	rddreg [dreg:$0x0];
	s2 =	stileid.u32  }
0x58: {  	s1 =	rddreg [dreg:$0x1];
	p0 =	sne.s32 s2, $0x0  }
0x59: {  	s3 =	rddreg [dreg:$0x2];
	[bflag:$0x3] =	sbarrier.arrive $0xFFFF;
	s2 =	simm.s32 @!p0 $0x1C02  }
0x5a: {  	[timem:s3], [sflag:s2] =	dma.local @!p0 [hbm:s0], s1  }
0x5b: {  	s0 =	simm.s32 @!p0 $0x2  }
0x5c: {  	_ =	swait.ge @!p0 [sflag:s0], s1  }
0x5d: {  	s1 =	ssub.s32 @!p0 $0x0, s1;
	[sflag:s0] =	ssyncset.done @!p0 $0x0  }
0x5e: {  	[sflag:s0] =	ssyncadd.s32 @!p0 s1  }
0x5f: {  	[bflag:$0x3] =	sbarrier.arrive $0xFFFF  }
0x60: {  	_ =	shalt  }

</sc_bundles>
